<compile_context>
chip_gen: v7x
topology: tpu7x:2x2x1
jax: 0.10.2.dev20260603
libtpu: 0.0.44.dev20260713+nightly
codegen_flags: <defaults>
</compile_context>

<pallas_src>
import functools

import jax
import jax.numpy as jnp
from jax import lax
from jax.experimental import pallas as pl
from jax.experimental.pallas import tpu as pltpu
from jax.experimental.pallas import tpu_sc as plsc

NUM_SEGMENTS = 10000
CHUNK = 128
TRASH = 8
ROWS_BLK = 1000


def _leaky(h):
    return jnp.where(h > 0, h, 0.01 * h)


def _ln(h, w, b):
    mu = jnp.mean(h, axis=1, keepdims=True)
    var = jnp.mean((h - mu) ** 2, axis=1, keepdims=True)
    return (h - mu) * lax.rsqrt(var + 1e-5) * w + b


def _dotT(a, b):
    return lax.dot_general(a, b, (((1,), (1,)), ((), ())),
                           preferred_element_type=jnp.float32)


def _prologue_body(x_ref, wlin_ref, blin_ref, lnw_ref, lnb_ref, whg_ref,
                   wskip_ref, bskip_ref, xw0_ref, xw1_ref, skip_ref):
    h = _dotT(x_ref[...], wlin_ref[...]) + blin_ref[...]
    h = _ln(_leaky(h), lnw_ref[...], lnb_ref[...])
    xw = _dotT(h, whg_ref[...])
    xw0_ref[...] = xw[:, :128]
    xw1_ref[...] = xw[:, 128:]
    skip_ref[...] = _dotT(h, wskip_ref[...]) + bskip_ref[...]


def _scale_body(a0_ref, a1_ref, cnt_ref, o0_ref, o1_ref):
    c = cnt_ref[...][:, 0:1]
    inv = jnp.where(c == 0.0, 0.0, 1.0 / c)
    o0_ref[...] = a0_ref[...] * inv
    o1_ref[...] = a1_ref[...] * inv


def _epilogue_body(a0_ref, a1_ref, cnt_ref, bhg_ref, gnw_ref, gnb_ref,
                   skip_ref, out_ref):
    c = cnt_ref[...][:, 0:1]
    inv = jnp.where(c == 0.0, 0.0, 1.0 / c)
    conv = jnp.concatenate([a0_ref[...], a1_ref[...]], axis=1) * inv
    h = _leaky(conv + bhg_ref[...])
    out_ref[...] = _ln(h, gnw_ref[...], gnb_ref[...]) + skip_ref[...]


def _sub_rows(total):
    base = (total // 16) // 8 * 8
    last = total - 15 * base
    return base, last


def _n_chunks(n_edges):
    per_sub = n_edges // 16
    nch = -(-per_sub // CHUNK)
    return nch + (nch % 2)


def _each_slice(sid, rb, rl, fn):
    @pl.when(sid < 15)
    def _():
        fn(pl.multiple_of(sid * rb, 8), rb)

    @pl.when(sid == 15)
    def _():
        fn(15 * rb, rl)


def _make_sc_counts(n_nodes, n_edges):
    seg = NUM_SEGMENTS
    nch = _n_chunks(n_edges)
    half = nch // 2
    tbl = max(n_nodes, seg) + TRASH
    rb, rl = _sub_rows(max(n_nodes, seg))

    @functools.partial(
        pl.kernel,
        mesh=plsc.VectorSubcoreMesh(core_axis_name="c", subcore_axis_name="s"),
        out_type=[
            jax.ShapeDtypeStruct((n_nodes, 128), jnp.float32),
            jax.ShapeDtypeStruct((seg, 128), jnp.float32),
        ],
        scratch_types=[
            pltpu.VMEM_SHARED((tbl, 128), jnp.float32),
            pltpu.VMEM((2, CHUNK), jnp.int32),
            pltpu.VMEM((2, CHUNK), jnp.int32),
            pltpu.VMEM((CHUNK, 128), jnp.float32),
            pltpu.SemaphoreType.DMA,
            pltpu.SemaphoreType.DMA,
        ],
    )
    def counts(comb1, comb2, zeros_feat, ones_feat,
               dcnt, bcnt, cnt, idx_a, idx_b, ones_v, sem_sa, sem_sb):
        cid = lax.axis_index("c")
        sid = lax.axis_index("s")

        _each_slice(sid, rb, rl, lambda r0, sz: pltpu.sync_copy(
            zeros_feat.at[pl.ds(0, sz)], cnt.at[pl.ds(r0, sz)]))
        pltpu.sync_copy(ones_feat, ones_v)
        plsc.subcore_barrier()

        def run(comb):
            pltpu.sync_copy(comb.at[sid, 0], idx_a)
            pltpu.sync_copy(comb.at[sid, 1], idx_b)

            def body(i, carry):
                c0 = 2 * i
                pltpu.async_copy(ones_v, cnt.at[idx_a.at[1]], sem_sa,
                                 add=True)
                pltpu.async_copy(ones_v, cnt.at[idx_b.at[1]], sem_sb,
                                 add=True)

                @pl.when(i < half - 1)
                def _():
                    pltpu.make_async_copy(ones_v, cnt.at[idx_a.at[1]],
                                          sem_sa).wait()
                    pltpu.sync_copy(comb.at[sid, c0 + 2], idx_a)
                    pltpu.make_async_copy(ones_v, cnt.at[idx_b.at[1]],
                                          sem_sb).wait()
                    pltpu.sync_copy(comb.at[sid, c0 + 3], idx_b)
                return carry

            lax.fori_loop(0, half, body, 0)
            pltpu.make_async_copy(ones_v, cnt.at[idx_a.at[1]], sem_sa).wait()
            pltpu.make_async_copy(ones_v, cnt.at[idx_b.at[1]], sem_sb).wait()

        @pl.when(cid == 0)
        def _():
            run(comb2)

        @pl.when(cid == 1)
        def _():
            run(comb1)

        plsc.subcore_barrier()

        @pl.when(cid == 0)
        def _():
            _each_slice(sid, rb, rl, lambda r0, sz: pltpu.sync_copy(
                cnt.at[pl.ds(r0, sz)], dcnt.at[pl.ds(r0, sz)]))

        @pl.when(cid == 1)
        def _():
            _each_slice(sid, rb, rl, lambda r0, sz: pltpu.sync_copy(
                cnt.at[pl.ds(r0, sz)], bcnt.at[pl.ds(r0, sz)]))

    return counts


def _make_sc_stage(n_rows_out, n_edges):
    nch = _n_chunks(n_edges)
    half = nch // 2
    rb, rl = _sub_rows(n_rows_out)

    @functools.partial(
        pl.kernel,
        mesh=plsc.VectorSubcoreMesh(core_axis_name="c", subcore_axis_name="s"),
        out_type=[
            jax.ShapeDtypeStruct((n_rows_out, 128), jnp.float32),
            jax.ShapeDtypeStruct((n_rows_out, 128), jnp.float32),
        ],
        scratch_types=[
            pltpu.VMEM_SHARED((n_rows_out + TRASH, 128), jnp.float32),
            pltpu.VMEM((2, CHUNK), jnp.int32),
            pltpu.VMEM((2, CHUNK), jnp.int32),
            pltpu.VMEM((CHUNK, 128), jnp.float32),
            pltpu.VMEM((CHUNK, 128), jnp.float32),
            pltpu.SemaphoreType.DMA,
            pltpu.SemaphoreType.DMA,
            pltpu.SemaphoreType.DMA,
            pltpu.SemaphoreType.DMA,
        ],
    )
    def stage(src0, src1, comb, zeros_feat,
              agg0, agg1, acc, idx_a, idx_b, rows_a, rows_b,
              sem_ga, sem_gb, sem_sa, sem_sb):
        cid = lax.axis_index("c")
        sid = lax.axis_index("s")

        _each_slice(sid, rb, rl, lambda r0, sz: pltpu.sync_copy(
            zeros_feat.at[pl.ds(0, sz)], acc.at[pl.ds(r0, sz)]))
        plsc.subcore_barrier()

        def run(src):
            pltpu.sync_copy(comb.at[sid, 0], idx_a)
            pltpu.sync_copy(comb.at[sid, 1], idx_b)
            pltpu.async_copy(src.at[idx_a.at[0]], rows_a, sem_ga)
            pltpu.async_copy(src.at[idx_b.at[0]], rows_b, sem_gb)

            def body(i, carry):
                c0 = 2 * i
                pltpu.make_async_copy(src.at[idx_a.at[0]], rows_a,
                                      sem_ga).wait()
                pltpu.async_copy(rows_a, acc.at[idx_a.at[1]], sem_sa,
                                 add=True)
                pltpu.make_async_copy(src.at[idx_b.at[0]], rows_b,
                                      sem_gb).wait()
                pltpu.async_copy(rows_b, acc.at[idx_b.at[1]], sem_sb,
                                 add=True)

                @pl.when(i < half - 1)
                def _():
                    pltpu.make_async_copy(rows_a, acc.at[idx_a.at[1]],
                                          sem_sa).wait()
                    pltpu.sync_copy(comb.at[sid, c0 + 2], idx_a)
                    pltpu.async_copy(src.at[idx_a.at[0]], rows_a, sem_ga)
                    pltpu.make_async_copy(rows_b, acc.at[idx_b.at[1]],
                                          sem_sb).wait()
                    pltpu.sync_copy(comb.at[sid, c0 + 3], idx_b)
                    pltpu.async_copy(src.at[idx_b.at[0]], rows_b, sem_gb)
                return carry

            lax.fori_loop(0, half, body, 0)
            pltpu.make_async_copy(rows_a, acc.at[idx_a.at[1]], sem_sa).wait()
            pltpu.make_async_copy(rows_b, acc.at[idx_b.at[1]], sem_sb).wait()

        @pl.when(cid == 0)
        def _():
            run(src0)

        @pl.when(cid == 1)
        def _():
            run(src1)

        plsc.subcore_barrier()

        @pl.when(cid == 0)
        def _():
            _each_slice(sid, rb, rl, lambda r0, sz: pltpu.sync_copy(
                acc.at[pl.ds(r0, sz)], agg0.at[pl.ds(r0, sz)]))

        @pl.when(cid == 1)
        def _():
            _each_slice(sid, rb, rl, lambda r0, sz: pltpu.sync_copy(
                acc.at[pl.ds(r0, sz)], agg1.at[pl.ds(r0, sz)]))

    return stage


def _pad_pairs(gidx, sidx, n_edges, trash_row):
    nch = _n_chunks(n_edges)
    per_sub = n_edges // 16
    pad = nch * CHUNK - per_sub
    g = jnp.pad(gidx.reshape(16, per_sub), ((0, 0), (0, pad)),
                constant_values=0).reshape(16, nch, CHUNK)
    s = jnp.pad(sidx.reshape(16, per_sub), ((0, 0), (0, pad)),
                constant_values=trash_row).reshape(16, nch, CHUNK)
    return jnp.stack([g, s], axis=2)


def kernel(x, edge_index, W_lin, b_lin, ln_w, ln_b, W_hg, b_hg, gn_w, gn_b,
           W_skip, b_skip):
    n, in_c = x.shape
    hid = W_lin.shape[0]
    e = edge_index.shape[1]
    seg = NUM_SEGMENTS
    nidx = edge_index[0]
    eidx = edge_index[1]
    comb1 = _pad_pairs(nidx, eidx, e, seg)
    comb2 = _pad_pairs(eidx, nidx, e, n)

    grid = n // ROWS_BLK
    full = lambda shp: pl.BlockSpec(shp, lambda i: (0,) * len(shp))
    row_blk = lambda w: pl.BlockSpec((ROWS_BLK, w), lambda i: (i, 0))

    xw0, xw1, skip = pl.pallas_call(
        _prologue_body,
        grid=(grid,),
        in_specs=[row_blk(in_c), full((hid, in_c)), full((1, hid)),
                  full((1, hid)), full((1, hid)), full((hid, hid)),
                  full((hid, hid)), full((1, hid))],
        out_specs=[row_blk(128), row_blk(128), row_blk(hid)],
        out_shape=[jax.ShapeDtypeStruct((n, 128), jnp.float32),
                   jax.ShapeDtypeStruct((n, 128), jnp.float32),
                   jax.ShapeDtypeStruct((n, hid), jnp.float32)],
    )(x, W_lin, b_lin.reshape(1, hid), ln_w.reshape(1, hid),
      ln_b.reshape(1, hid), W_hg, W_skip, b_skip.reshape(1, hid))

    zrows = max(_sub_rows(seg)[1], _sub_rows(n)[1])
    zeros_feat = jnp.zeros((zrows, 128), jnp.float32)
    ones_feat = jnp.ones((CHUNK, 128), jnp.float32)

    dcnt, bcnt = _make_sc_counts(n, e)(comb1, comb2, zeros_feat, ones_feat)
    agg0, agg1 = _make_sc_stage(seg, e)(xw0, xw1, comb1, zeros_feat)

    out1_0, out1_1 = pl.pallas_call(
        _scale_body,
        grid=(seg // ROWS_BLK,),
        in_specs=[row_blk(128), row_blk(128), row_blk(128)],
        out_specs=[row_blk(128), row_blk(128)],
        out_shape=[jax.ShapeDtypeStruct((seg, 128), jnp.float32),
                   jax.ShapeDtypeStruct((seg, 128), jnp.float32)],
    )(agg0, agg1, bcnt)

    agg2_0, agg2_1 = _make_sc_stage(n, e)(out1_0, out1_1, comb2, zeros_feat)

    out = pl.pallas_call(
        _epilogue_body,
        grid=(grid,),
        in_specs=[row_blk(128), row_blk(128), row_blk(128), full((1, hid)),
                  full((1, hid)), full((1, hid)), row_blk(hid)],
        out_specs=row_blk(hid),
        out_shape=jax.ShapeDtypeStruct((n, hid), jnp.float32),
    )(agg2_0, agg2_1, dcnt, b_hg.reshape(1, hid), gn_w.reshape(1, hid),
      gn_b.reshape(1, hid), skip)

    return out

# --- scband reference (transcript-rebuilt; emitter-appended) ---
"""Pipeline reference for scband-structural-feature-refiner-5901285065132 (READ-ONLY COPY).

The authoritative reference and input builder live on the scoring server;
editing this copy changes nothing except your own understanding.
"""

import jax, jax.numpy as jnp
import numpy as np

N = 10000
E = 320000
M = 10000  # num hyperedges (PyG infers max(edge_idx)+1; values drawn in [0, M))
IN_C = 128
HID = 256


def _layer_norm(x, w, b, eps=1e-5):
    mu = jnp.mean(x, axis=-1, keepdims=True)
    var = jnp.mean((x - mu) ** 2, axis=-1, keepdims=True)
    return (x - mu) / jnp.sqrt(var + eps) * w + b


def _hypergraph_conv(x, hyperedge_index, W, bias):
    # Faithful PyG HypergraphConv (use_attention=False, heads=1):
    # out = D^{-1} H W_e B^{-1} H^T (X Theta) + bias
    x = x @ W.T  # lin (bias=False)
    node_idx = hyperedge_index[0]
    edge_idx = hyperedge_index[1]
    hyperedge_weight = jnp.ones((M,), dtype=x.dtype)
    D = jax.ops.segment_sum(hyperedge_weight[edge_idx], node_idx, num_segments=N)
    D = jnp.where(D == 0.0, 0.0, 1.0 / D)
    B = jax.ops.segment_sum(jnp.ones((edge_idx.shape[0],), dtype=x.dtype), edge_idx, num_segments=M)
    B = jnp.where(B == 0.0, 0.0, 1.0 / B)
    # propagate 1: nodes -> hyperedges, message = B_i * x_j
    out = jax.ops.segment_sum(B[edge_idx][:, None] * x[node_idx], edge_idx, num_segments=M)
    # propagate 2 (flipped): hyperedges -> nodes, message = D_i * out_j
    out = jax.ops.segment_sum(D[node_idx][:, None] * out[edge_idx], node_idx, num_segments=N)
    return out + bias


def setup_inputs(seed: int = 0):
    key = jax.random.key(seed)
    ks = jax.random.split(key, 12)
    x = jax.random.normal(ks[0], (N, IN_C), dtype=jnp.float32)
    edge_index = jax.random.randint(ks[1], (2, E), 0, N, dtype=jnp.int32)
    W_lin = jax.random.normal(ks[2], (HID, IN_C), dtype=jnp.float32) * (1.0 / np.sqrt(IN_C))
    b_lin = jnp.zeros((HID,), dtype=jnp.float32)
    ln_w = jnp.ones((HID,), dtype=jnp.float32)
    ln_b = jnp.zeros((HID,), dtype=jnp.float32)
    W_hg = jax.random.normal(ks[3], (HID, HID), dtype=jnp.float32) * (1.0 / np.sqrt(HID))
    b_hg = jnp.zeros((HID,), dtype=jnp.float32)
    gn_w = jnp.ones((HID,), dtype=jnp.float32)
    gn_b = jnp.zeros((HID,), dtype=jnp.float32)
    W_skip = jax.random.normal(ks[4], (HID, HID), dtype=jnp.float32) * (1.0 / np.sqrt(HID))
    b_skip = jnp.zeros((HID,), dtype=jnp.float32)
    return {"x": x, "edge_index": edge_index, "W_lin": W_lin, "b_lin": b_lin,
            "ln_w": ln_w, "ln_b": ln_b, "W_hg": W_hg, "b_hg": b_hg,
            "gn_w": gn_w, "gn_b": gn_b, "W_skip": W_skip, "b_skip": b_skip}


def reference(x, edge_index, W_lin, b_lin, ln_w, ln_b, W_hg, b_hg, gn_w, gn_b, W_skip, b_skip):
    # dropout(p=0.0) is identity
    h = x @ W_lin.T + b_lin
    h = jax.nn.leaky_relu(h, negative_slope=0.01)
    h = _layer_norm(h, ln_w, ln_b)
    res1 = h
    h = _hypergraph_conv(h, edge_index, W_hg, b_hg)
    h = jax.nn.leaky_relu(h, negative_slope=0.01)
    h = _layer_norm(h, gn_w, gn_b)
    h = h + (res1 @ W_skip.T + b_skip)
    return h

if __name__ == "__main__":
    import jax
    _d = setup_inputs()
    print(jax.jit(kernel)(*tuple(_d.values())))

</pallas_src>

<mosaic_0001>
#map = affine_map<(d0, d1) -> (0, 0, 0, 0)>
#map1 = affine_map<(d0, d1) -> (0, 0)>
module attributes {stable_mosaic.version = 14 : i64} {
  func.func @counts(%arg0: i32, %arg1: i32, %arg2: memref<16x158x2x128xi32, #tpu.memory_space<hbm>>, %arg3: memref<16x158x2x128xi32, #tpu.memory_space<hbm>>, %arg4: memref<640x128xf32, #tpu.memory_space<hbm>>, %arg5: memref<128x128xf32, #tpu.memory_space<hbm>>, %arg6: memref<10000x128xf32, #tpu.memory_space<hbm>>, %arg7: memref<10000x128xf32, #tpu.memory_space<hbm>>, %arg8: memref<10008x128xf32, #tpu.memory_space<vmem_shared>>, %arg9: memref<2x128xi32, #tpu.memory_space<vmem>>, %arg10: memref<2x128xi32, #tpu.memory_space<vmem>>, %arg11: memref<128x128xf32, #tpu.memory_space<vmem>>, %arg12: memref<!tpu.dma_semaphore, #tpu.memory_space<semaphore_mem>>, %arg13: memref<!tpu.dma_semaphore, #tpu.memory_space<semaphore_mem>>) attributes {dimension_semantics = [#tpu.dimension_semantics<core_parallel>, #tpu.dimension_semantics<subcore_parallel>], iteration_bounds = array<i64: 2, 16>, scalar_prefetch = 0 : i64, scratch_operands = 6 : i64, tpu.core_type = #tpu.core_type<sc_vector_subcore>, window_params = [{transform_indices = #map}, {transform_indices = #map}, {transform_indices = #map1}, {transform_indices = #map1}, {transform_indices = #map1}, {transform_indices = #map1}]} {
    %lt3A = arith.constant 15 : i32
    %lt3A_0 = arith.cmpi slt, %arg1, %lt3A : i32
    %convert_element_type3A = arith.extui %lt3A_0 : i1 to i32
    %cond3A = arith.constant 0 : i32
    %cond3A_1 = arith.cmpi ne, %convert_element_type3A, %cond3A : i32
    scf.if %cond3A_1 {
      %mul3A = arith.constant 624 : i32
      %mul3A_27 = arith.muli %arg1, %mul3A : i32
      %multiple_of3A = tpu.assume_multiple %mul3A_27, 8 : i32
      "tpu.region"() ({
        %run_scoped3A = tpu.sem_alloc : memref<!tpu.dma_semaphore, #tpu.memory_space<semaphore_mem>>
        %dma_start3A = arith.constant 0 : i32
        %dma_start3A_28 = tpu.memref_slice %arg8[%multiple_of3A, %dma_start3A] : memref<10008x128xf32, #tpu.memory_space<vmem_shared>> -> memref<624x128xf32, #tpu.memory_space<vmem_shared>>
        %dma_start3A_29 = arith.constant 0 : i32
        %dma_start3A_30 = arith.constant 0 : i32
        %dma_start3A_31 = tpu.memref_slice %arg4[%dma_start3A_29, %dma_start3A_30] : memref<640x128xf32, #tpu.memory_space<hbm>> -> memref<624x128xf32, #tpu.memory_space<hbm>>
        tpu.enqueue_dma source(%dma_start3A_31 : memref<624x128xf32, #tpu.memory_space<hbm>>) target(%dma_start3A_28 : memref<624x128xf32, #tpu.memory_space<vmem_shared>>) target_semaphore(%run_scoped3A : memref<!tpu.dma_semaphore, #tpu.memory_space<semaphore_mem>>)
        %dma_wait3A = arith.constant 0 : i32
        %dma_wait3A_32 = tpu.memref_slice %arg8[%multiple_of3A, %dma_wait3A] : memref<10008x128xf32, #tpu.memory_space<vmem_shared>> -> memref<624x128xf32, #tpu.memory_space<vmem_shared>>
        %dma_wait3A_33 = arith.constant 0 : i32
        %dma_wait3A_34 = arith.constant 0 : i32
        %dma_wait3A_35 = tpu.memref_slice %arg4[%dma_wait3A_33, %dma_wait3A_34] : memref<640x128xf32, #tpu.memory_space<hbm>> -> memref<624x128xf32, #tpu.memory_space<hbm>>
        tpu.wait_dma2 semaphore(%run_scoped3A : memref<!tpu.dma_semaphore, #tpu.memory_space<semaphore_mem>>) src(%dma_wait3A_35 : memref<624x128xf32, #tpu.memory_space<hbm>>) dst(%dma_wait3A_32 : memref<624x128xf32, #tpu.memory_space<vmem_shared>>)
        tpu.yield
      }) : () -> ()
    } else {
    }
    %eq3A = arith.constant 15 : i32
    %eq3A_2 = arith.cmpi eq, %arg1, %eq3A : i32
    %convert_element_type3A_3 = arith.extui %eq3A_2 : i1 to i32
    %cond3A_4 = arith.constant 0 : i32
    %cond3A_5 = arith.cmpi ne, %convert_element_type3A_3, %cond3A_4 : i32
    scf.if %cond3A_5 {
      "tpu.region"() ({
        %run_scoped3A = tpu.sem_alloc : memref<!tpu.dma_semaphore, #tpu.memory_space<semaphore_mem>>
        %dma_start3A = arith.constant 9360 : i32
        %dma_start3A_27 = arith.constant 0 : i32
        %dma_start3A_28 = tpu.memref_slice %arg8[%dma_start3A, %dma_start3A_27] : memref<10008x128xf32, #tpu.memory_space<vmem_shared>> -> memref<640x128xf32, #tpu.memory_space<vmem_shared>>
        %dma_start3A_29 = arith.constant 0 : i32
        %dma_start3A_30 = arith.constant 0 : i32
        %dma_start3A_31 = tpu.memref_slice %arg4[%dma_start3A_29, %dma_start3A_30] : memref<640x128xf32, #tpu.memory_space<hbm>> -> memref<640x128xf32, #tpu.memory_space<hbm>>
        tpu.enqueue_dma source(%dma_start3A_31 : memref<640x128xf32, #tpu.memory_space<hbm>>) target(%dma_start3A_28 : memref<640x128xf32, #tpu.memory_space<vmem_shared>>) target_semaphore(%run_scoped3A : memref<!tpu.dma_semaphore, #tpu.memory_space<semaphore_mem>>)
        %dma_wait3A = arith.constant 9360 : i32
        %dma_wait3A_32 = arith.constant 0 : i32
        %dma_wait3A_33 = tpu.memref_slice %arg8[%dma_wait3A, %dma_wait3A_32] : memref<10008x128xf32, #tpu.memory_space<vmem_shared>> -> memref<640x128xf32, #tpu.memory_space<vmem_shared>>
        %dma_wait3A_34 = arith.constant 0 : i32
        %dma_wait3A_35 = arith.constant 0 : i32
        %dma_wait3A_36 = tpu.memref_slice %arg4[%dma_wait3A_34, %dma_wait3A_35] : memref<640x128xf32, #tpu.memory_space<hbm>> -> memref<640x128xf32, #tpu.memory_space<hbm>>
        tpu.wait_dma2 semaphore(%run_scoped3A : memref<!tpu.dma_semaphore, #tpu.memory_space<semaphore_mem>>) src(%dma_wait3A_36 : memref<640x128xf32, #tpu.memory_space<hbm>>) dst(%dma_wait3A_33 : memref<640x128xf32, #tpu.memory_space<vmem_shared>>)
        tpu.yield
      }) : () -> ()
    } else {
    }
    "tpu.region"() ({
      %run_scoped3A = tpu.sem_alloc : memref<!tpu.dma_semaphore, #tpu.memory_space<semaphore_mem>>
      tpu.enqueue_dma source(%arg5 : memref<128x128xf32, #tpu.memory_space<hbm>>) target(%arg11 : memref<128x128xf32, #tpu.memory_space<vmem>>) target_semaphore(%run_scoped3A : memref<!tpu.dma_semaphore, #tpu.memory_space<semaphore_mem>>)
      tpu.wait_dma2 semaphore(%run_scoped3A : memref<!tpu.dma_semaphore, #tpu.memory_space<semaphore_mem>>) src(%arg5 : memref<128x128xf32, #tpu.memory_space<hbm>>) dst(%arg11 : memref<128x128xf32, #tpu.memory_space<vmem>>)
      tpu.yield
    }) : () -> ()
    %barrier3A = arith.constant 0 : index
    tpu.barrier barrier_id(%barrier3A)
    %eq3A_6 = arith.constant 0 : i32
    %eq3A_7 = arith.cmpi eq, %arg0, %eq3A_6 : i32
    %convert_element_type3A_8 = arith.extui %eq3A_7 : i1 to i32
    %cond3A_9 = arith.constant 0 : i32
    %cond3A_10 = arith.cmpi ne, %convert_element_type3A_8, %cond3A_9 : i32
    scf.if %cond3A_10 {
      %run_scoped3A = arith.constant 0 : i32
      "tpu.region"() ({
        %run_scoped3A_46 = tpu.sem_alloc : memref<!tpu.dma_semaphore, #tpu.memory_space<semaphore_mem>>
        %dma_start3A = arith.constant 0 : i32
        %dma_start3A_47 = arith.constant 0 : i32
        %dma_start3A_48 = tpu.memref_slice %arg3[%arg1, %run_scoped3A, %dma_start3A, %dma_start3A_47] : memref<16x158x2x128xi32, #tpu.memory_space<hbm>> -> memref<1x1x2x128xi32, #tpu.memory_space<hbm>>
        %dma_start3A_49 = tpu.memref_squeeze %dma_start3A_48 : memref<1x1x2x128xi32, #tpu.memory_space<hbm>> -> memref<2x128xi32, #tpu.memory_space<hbm>>
        %dma_start3A_50 = arith.constant 0 : i32
        %dma_start3A_51 = arith.constant 0 : i32
        %dma_start3A_52 = tpu.memref_slice %arg3[%arg1, %run_scoped3A, %dma_start3A_50, %dma_start3A_51] : memref<16x158x2x128xi32, #tpu.memory_space<hbm>> -> memref<1x1x2x128xi32, #tpu.memory_space<hbm>>
        %dma_start3A_53 = tpu.memref_squeeze %dma_start3A_52 : memref<1x1x2x128xi32, #tpu.memory_space<hbm>> -> memref<2x128xi32, #tpu.memory_space<hbm>>
        tpu.enqueue_dma source(%dma_start3A_53 : memref<2x128xi32, #tpu.memory_space<hbm>>) target(%arg9 : memref<2x128xi32, #tpu.memory_space<vmem>>) target_semaphore(%run_scoped3A_46 : memref<!tpu.dma_semaphore, #tpu.memory_space<semaphore_mem>>)
        %dma_wait3A_54 = arith.constant 0 : i32
        %dma_wait3A_55 = arith.constant 0 : i32
        %dma_wait3A_56 = tpu.memref_slice %arg3[%arg1, %run_scoped3A, %dma_wait3A_54, %dma_wait3A_55] : memref<16x158x2x128xi32, #tpu.memory_space<hbm>> -> memref<1x1x2x128xi32, #tpu.memory_space<hbm>>
        %dma_wait3A_57 = tpu.memref_squeeze %dma_wait3A_56 : memref<1x1x2x128xi32, #tpu.memory_space<hbm>> -> memref<2x128xi32, #tpu.memory_space<hbm>>
        %dma_wait3A_58 = arith.constant 0 : i32
        %dma_wait3A_59 = arith.constant 0 : i32
        %dma_wait3A_60 = tpu.memref_slice %arg3[%arg1, %run_scoped3A, %dma_wait3A_58, %dma_wait3A_59] : memref<16x158x2x128xi32, #tpu.memory_space<hbm>> -> memref<1x1x2x128xi32, #tpu.memory_space<hbm>>
        %dma_wait3A_61 = tpu.memref_squeeze %dma_wait3A_60 : memref<1x1x2x128xi32, #tpu.memory_space<hbm>> -> memref<2x128xi32, #tpu.memory_space<hbm>>
        tpu.wait_dma2 semaphore(%run_scoped3A_46 : memref<!tpu.dma_semaphore, #tpu.memory_space<semaphore_mem>>) src(%dma_wait3A_61 : memref<2x128xi32, #tpu.memory_space<hbm>>) dst(%arg9 : memref<2x128xi32, #tpu.memory_space<vmem>>)
        tpu.yield
      }) : () -> ()
      %run_scoped3A_27 = arith.constant 1 : i32
      "tpu.region"() ({
        %run_scoped3A_46 = tpu.sem_alloc : memref<!tpu.dma_semaphore, #tpu.memory_space<semaphore_mem>>
        %dma_start3A = arith.constant 0 : i32
        %dma_start3A_47 = arith.constant 0 : i32
        %dma_start3A_48 = tpu.memref_slice %arg3[%arg1, %run_scoped3A_27, %dma_start3A, %dma_start3A_47] : memref<16x158x2x128xi32, #tpu.memory_space<hbm>> -> memref<1x1x2x128xi32, #tpu.memory_space<hbm>>
        %dma_start3A_49 = tpu.memref_squeeze %dma_start3A_48 : memref<1x1x2x128xi32, #tpu.memory_space<hbm>> -> memref<2x128xi32, #tpu.memory_space<hbm>>
        %dma_start3A_50 = arith.constant 0 : i32
        %dma_start3A_51 = arith.constant 0 : i32
        %dma_start3A_52 = tpu.memref_slice %arg3[%arg1, %run_scoped3A_27, %dma_start3A_50, %dma_start3A_51] : memref<16x158x2x128xi32, #tpu.memory_space<hbm>> -> memref<1x1x2x128xi32, #tpu.memory_space<hbm>>
        %dma_start3A_53 = tpu.memref_squeeze %dma_start3A_52 : memref<1x1x2x128xi32, #tpu.memory_space<hbm>> -> memref<2x128xi32, #tpu.memory_space<hbm>>
        tpu.enqueue_dma source(%dma_start3A_53 : memref<2x128xi32, #tpu.memory_space<hbm>>) target(%arg10 : memref<2x128xi32, #tpu.memory_space<vmem>>) target_semaphore(%run_scoped3A_46 : memref<!tpu.dma_semaphore, #tpu.memory_space<semaphore_mem>>)
        %dma_wait3A_54 = arith.constant 0 : i32
        %dma_wait3A_55 = arith.constant 0 : i32
        %dma_wait3A_56 = tpu.memref_slice %arg3[%arg1, %run_scoped3A_27, %dma_wait3A_54, %dma_wait3A_55] : memref<16x158x2x128xi32, #tpu.memory_space<hbm>> -> memref<1x1x2x128xi32, #tpu.memory_space<hbm>>
        %dma_wait3A_57 = tpu.memref_squeeze %dma_wait3A_56 : memref<1x1x2x128xi32, #tpu.memory_space<hbm>> -> memref<2x128xi32, #tpu.memory_space<hbm>>
        %dma_wait3A_58 = arith.constant 0 : i32
        %dma_wait3A_59 = arith.constant 0 : i32
        %dma_wait3A_60 = tpu.memref_slice %arg3[%arg1, %run_scoped3A_27, %dma_wait3A_58, %dma_wait3A_59] : memref<16x158x2x128xi32, #tpu.memory_space<hbm>> -> memref<1x1x2x128xi32, #tpu.memory_space<hbm>>
        %dma_wait3A_61 = tpu.memref_squeeze %dma_wait3A_60 : memref<1x1x2x128xi32, #tpu.memory_space<hbm>> -> memref<2x128xi32, #tpu.memory_space<hbm>>
        tpu.wait_dma2 semaphore(%run_scoped3A_46 : memref<!tpu.dma_semaphore, #tpu.memory_space<semaphore_mem>>) src(%dma_wait3A_61 : memref<2x128xi32, #tpu.memory_space<hbm>>) dst(%arg10 : memref<2x128xi32, #tpu.memory_space<vmem>>)
        tpu.yield
      }) : () -> ()
      %scan3A = arith.constant 0 : i32
      %scan3A_28 = arith.constant 0 : i32
      %scan3A_29 = arith.constant 79 : i32
      %scan3A_30 = arith.addi %scan3A_28, %scan3A_29 : i32
      %scan3A_31 = arith.constant 1 : i32
      scf.for %scan3A_46 = %scan3A_28 to %scan3A_30 step %scan3A_31  : i32 {
        %mul3A = arith.constant 2 : i32
        %mul3A_47 = arith.muli %mul3A, %scan3A_46 : i32
        %dma_start3A = arith.constant 1 : i32
        %dma_start3A_48 = arith.constant 0 : i32
        %dma_start3A_49 = tpu.memref_slice %arg9[%dma_start3A, %dma_start3A_48] : memref<2x128xi32, #tpu.memory_space<vmem>> -> memref<1x128xi32, #tpu.memory_space<vmem>>
        %dma_start3A_50 = tpu.memref_squeeze %dma_start3A_49 : memref<1x128xi32, #tpu.memory_space<vmem>> -> memref<128xi32, #tpu.memory_space<vmem>>
        %dma_start3A_51 = arith.constant 0 : i32
        %dma_start3A_52 = arith.constant 0 : i32
        %dma_start3A_53 = tpu.memref_slice %arg8[%dma_start3A_51, %dma_start3A_52] : memref<10008x128xf32, #tpu.memory_space<vmem_shared>> -> memref<10008x128xf32, #tpu.memory_space<vmem_shared>>
        tpu.enqueue_indirect_dma source(%arg11 : memref<128x128xf32, #tpu.memory_space<vmem>>) target(%dma_start3A_53 : memref<10008x128xf32, #tpu.memory_space<vmem_shared>>) offsets(%dma_start3A_50 : memref<128xi32, #tpu.memory_space<vmem>>) semaphore(%arg12 : memref<!tpu.dma_semaphore, #tpu.memory_space<semaphore_mem>>) {add = true}
        %dma_start3A_54 = arith.constant 1 : i32
        %dma_start3A_55 = arith.constant 0 : i32
        %dma_start3A_56 = tpu.memref_slice %arg10[%dma_start3A_54, %dma_start3A_55] : memref<2x128xi32, #tpu.memory_space<vmem>> -> memref<1x128xi32, #tpu.memory_space<vmem>>
        %dma_start3A_57 = tpu.memref_squeeze %dma_start3A_56 : memref<1x128xi32, #tpu.memory_space<vmem>> -> memref<128xi32, #tpu.memory_space<vmem>>
        %dma_start3A_58 = arith.constant 0 : i32
        %dma_start3A_59 = arith.constant 0 : i32
        %dma_start3A_60 = tpu.memref_slice %arg8[%dma_start3A_58, %dma_start3A_59] : memref<10008x128xf32, #tpu.memory_space<vmem_shared>> -> memref<10008x128xf32, #tpu.memory_space<vmem_shared>>
        tpu.enqueue_indirect_dma source(%arg11 : memref<128x128xf32, #tpu.memory_space<vmem>>) target(%dma_start3A_60 : memref<10008x128xf32, #tpu.memory_space<vmem_shared>>) offsets(%dma_start3A_57 : memref<128xi32, #tpu.memory_space<vmem>>) semaphore(%arg13 : memref<!tpu.dma_semaphore, #tpu.memory_space<semaphore_mem>>) {add = true}
        %lt3A_61 = arith.constant 78 : i32
        %lt3A_62 = arith.cmpi slt, %scan3A_46, %lt3A_61 : i32
        %convert_element_type3A_63 = arith.extui %lt3A_62 : i1 to i32
        %cond3A_64 = arith.constant 0 : i32
        %cond3A_65 = arith.cmpi ne, %convert_element_type3A_63, %cond3A_64 : i32
        scf.if %cond3A_65 {
          %dma_wait3A_66 = arith.constant 1 : i32
          %dma_wait3A_67 = arith.constant 0 : i32
          %dma_wait3A_68 = tpu.memref_slice %arg9[%dma_wait3A_66, %dma_wait3A_67] : memref<2x128xi32, #tpu.memory_space<vmem>> -> memref<1x128xi32, #tpu.memory_space<vmem>>
          %dma_wait3A_69 = tpu.memref_squeeze %dma_wait3A_68 : memref<1x128xi32, #tpu.memory_space<vmem>> -> memref<128xi32, #tpu.memory_space<vmem>>
          %dma_wait3A_70 = arith.constant 0 : i32
          %dma_wait3A_71 = arith.constant 0 : i32
          %dma_wait3A_72 = tpu.memref_slice %arg8[%dma_wait3A_70, %dma_wait3A_71] : memref<10008x128xf32, #tpu.memory_space<vmem_shared>> -> memref<10008x128xf32, #tpu.memory_space<vmem_shared>>
          tpu.wait_indirect_dma semaphore(%arg12 : memref<!tpu.dma_semaphore, #tpu.memory_space<semaphore_mem>>) src(%arg11 : memref<128x128xf32, #tpu.memory_space<vmem>>) dst(%dma_wait3A_72 : memref<10008x128xf32, #tpu.memory_space<vmem_shared>>)
          %add3A = arith.constant 2 : i32
          %add3A_73 = arith.addi %mul3A_47, %add3A : i32
          "tpu.region"() ({
            %run_scoped3A_83 = tpu.sem_alloc : memref<!tpu.dma_semaphore, #tpu.memory_space<semaphore_mem>>
            %dma_start3A_84 = arith.constant 0 : i32
            %dma_start3A_85 = arith.constant 0 : i32
            %dma_start3A_86 = tpu.memref_slice %arg3[%arg1, %add3A_73, %dma_start3A_84, %dma_start3A_85] : memref<16x158x2x128xi32, #tpu.memory_space<hbm>> -> memref<1x1x2x128xi32, #tpu.memory_space<hbm>>
            %dma_start3A_87 = tpu.memref_squeeze %dma_start3A_86 : memref<1x1x2x128xi32, #tpu.memory_space<hbm>> -> memref<2x128xi32, #tpu.memory_space<hbm>>
            %dma_start3A_88 = arith.constant 0 : i32
            %dma_start3A_89 = arith.constant 0 : i32
            %dma_start3A_90 = tpu.memref_slice %arg3[%arg1, %add3A_73, %dma_start3A_88, %dma_start3A_89] : memref<16x158x2x128xi32, #tpu.memory_space<hbm>> -> memref<1x1x2x128xi32, #tpu.memory_space<hbm>>
            %dma_start3A_91 = tpu.memref_squeeze %dma_start3A_90 : memref<1x1x2x128xi32, #tpu.memory_space<hbm>> -> memref<2x128xi32, #tpu.memory_space<hbm>>
            tpu.enqueue_dma source(%dma_start3A_91 : memref<2x128xi32, #tpu.memory_space<hbm>>) target(%arg9 : memref<2x128xi32, #tpu.memory_space<vmem>>) target_semaphore(%run_scoped3A_83 : memref<!tpu.dma_semaphore, #tpu.memory_space<semaphore_mem>>)
            %dma_wait3A_92 = arith.constant 0 : i32
            %dma_wait3A_93 = arith.constant 0 : i32
            %dma_wait3A_94 = tpu.memref_slice %arg3[%arg1, %add3A_73, %dma_wait3A_92, %dma_wait3A_93] : memref<16x158x2x128xi32, #tpu.memory_space<hbm>> -> memref<1x1x2x128xi32, #tpu.memory_space<hbm>>
            %dma_wait3A_95 = tpu.memref_squeeze %dma_wait3A_94 : memref<1x1x2x128xi32, #tpu.memory_space<hbm>> -> memref<2x128xi32, #tpu.memory_space<hbm>>
            %dma_wait3A_96 = arith.constant 0 : i32
            %dma_wait3A_97 = arith.constant 0 : i32
            %dma_wait3A_98 = tpu.memref_slice %arg3[%arg1, %add3A_73, %dma_wait3A_96, %dma_wait3A_97] : memref<16x158x2x128xi32, #tpu.memory_space<hbm>> -> memref<1x1x2x128xi32, #tpu.memory_space<hbm>>
            %dma_wait3A_99 = tpu.memref_squeeze %dma_wait3A_98 : memref<1x1x2x128xi32, #tpu.memory_space<hbm>> -> memref<2x128xi32, #tpu.memory_space<hbm>>
            tpu.wait_dma2 semaphore(%run_scoped3A_83 : memref<!tpu.dma_semaphore, #tpu.memory_space<semaphore_mem>>) src(%dma_wait3A_99 : memref<2x128xi32, #tpu.memory_space<hbm>>) dst(%arg9 : memref<2x128xi32, #tpu.memory_space<vmem>>)
            tpu.yield
          }) : () -> ()
          %dma_wait3A_74 = arith.constant 1 : i32
          %dma_wait3A_75 = arith.constant 0 : i32
          %dma_wait3A_76 = tpu.memref_slice %arg10[%dma_wait3A_74, %dma_wait3A_75] : memref<2x128xi32, #tpu.memory_space<vmem>> -> memref<1x128xi32, #tpu.memory_space<vmem>>
          %dma_wait3A_77 = tpu.memref_squeeze %dma_wait3A_76 : memref<1x128xi32, #tpu.memory_space<vmem>> -> memref<128xi32, #tpu.memory_space<vmem>>
          %dma_wait3A_78 = arith.constant 0 : i32
          %dma_wait3A_79 = arith.constant 0 : i32
          %dma_wait3A_80 = tpu.memref_slice %arg8[%dma_wait3A_78, %dma_wait3A_79] : memref<10008x128xf32, #tpu.memory_space<vmem_shared>> -> memref<10008x128xf32, #tpu.memory_space<vmem_shared>>
          tpu.wait_indirect_dma semaphore(%arg13 : memref<!tpu.dma_semaphore, #tpu.memory_space<semaphore_mem>>) src(%arg11 : memref<128x128xf32, #tpu.memory_space<vmem>>) dst(%dma_wait3A_80 : memref<10008x128xf32, #tpu.memory_space<vmem_shared>>)
          %add3A_81 = arith.constant 3 : i32
          %add3A_82 = arith.addi %mul3A_47, %add3A_81 : i32
          "tpu.region"() ({
            %run_scoped3A_83 = tpu.sem_alloc : memref<!tpu.dma_semaphore, #tpu.memory_space<semaphore_mem>>
            %dma_start3A_84 = arith.constant 0 : i32
            %dma_start3A_85 = arith.constant 0 : i32
            %dma_start3A_86 = tpu.memref_slice %arg3[%arg1, %add3A_82, %dma_start3A_84, %dma_start3A_85] : memref<16x158x2x128xi32, #tpu.memory_space<hbm>> -> memref<1x1x2x128xi32, #tpu.memory_space<hbm>>
            %dma_start3A_87 = tpu.memref_squeeze %dma_start3A_86 : memref<1x1x2x128xi32, #tpu.memory_space<hbm>> -> memref<2x128xi32, #tpu.memory_space<hbm>>
            %dma_start3A_88 = arith.constant 0 : i32
            %dma_start3A_89 = arith.constant 0 : i32
            %dma_start3A_90 = tpu.memref_slice %arg3[%arg1, %add3A_82, %dma_start3A_88, %dma_start3A_89] : memref<16x158x2x128xi32, #tpu.memory_space<hbm>> -> memref<1x1x2x128xi32, #tpu.memory_space<hbm>>
            %dma_start3A_91 = tpu.memref_squeeze %dma_start3A_90 : memref<1x1x2x128xi32, #tpu.memory_space<hbm>> -> memref<2x128xi32, #tpu.memory_space<hbm>>
            tpu.enqueue_dma source(%dma_start3A_91 : memref<2x128xi32, #tpu.memory_space<hbm>>) target(%arg10 : memref<2x128xi32, #tpu.memory_space<vmem>>) target_semaphore(%run_scoped3A_83 : memref<!tpu.dma_semaphore, #tpu.memory_space<semaphore_mem>>)
            %dma_wait3A_92 = arith.constant 0 : i32
            %dma_wait3A_93 = arith.constant 0 : i32
            %dma_wait3A_94 = tpu.memref_slice %arg3[%arg1, %add3A_82, %dma_wait3A_92, %dma_wait3A_93] : memref<16x158x2x128xi32, #tpu.memory_space<hbm>> -> memref<1x1x2x128xi32, #tpu.memory_space<hbm>>
            %dma_wait3A_95 = tpu.memref_squeeze %dma_wait3A_94 : memref<1x1x2x128xi32, #tpu.memory_space<hbm>> -> memref<2x128xi32, #tpu.memory_space<hbm>>
            %dma_wait3A_96 = arith.constant 0 : i32
            %dma_wait3A_97 = arith.constant 0 : i32
            %dma_wait3A_98 = tpu.memref_slice %arg3[%arg1, %add3A_82, %dma_wait3A_96, %dma_wait3A_97] : memref<16x158x2x128xi32, #tpu.memory_space<hbm>> -> memref<1x1x2x128xi32, #tpu.memory_space<hbm>>
            %dma_wait3A_99 = tpu.memref_squeeze %dma_wait3A_98 : memref<1x1x2x128xi32, #tpu.memory_space<hbm>> -> memref<2x128xi32, #tpu.memory_space<hbm>>
            tpu.wait_dma2 semaphore(%run_scoped3A_83 : memref<!tpu.dma_semaphore, #tpu.memory_space<semaphore_mem>>) src(%dma_wait3A_99 : memref<2x128xi32, #tpu.memory_space<hbm>>) dst(%arg10 : memref<2x128xi32, #tpu.memory_space<vmem>>)
            tpu.yield
          }) : () -> ()
        } else {
        }
      }
      %scan3A_32 = arith.constant 79 : i32
      %dma_wait3A = arith.constant 1 : i32
      %dma_wait3A_33 = arith.constant 0 : i32
      %dma_wait3A_34 = tpu.memref_slice %arg9[%dma_wait3A, %dma_wait3A_33] : memref<2x128xi32, #tpu.memory_space<vmem>> -> memref<1x128xi32, #tpu.memory_space<vmem>>
      %dma_wait3A_35 = tpu.memref_squeeze %dma_wait3A_34 : memref<1x128xi32, #tpu.memory_space<vmem>> -> memref<128xi32, #tpu.memory_space<vmem>>
      %dma_wait3A_36 = arith.constant 0 : i32
      %dma_wait3A_37 = arith.constant 0 : i32
      %dma_wait3A_38 = tpu.memref_slice %arg8[%dma_wait3A_36, %dma_wait3A_37] : memref<10008x128xf32, #tpu.memory_space<vmem_shared>> -> memref<10008x128xf32, #tpu.memory_space<vmem_shared>>
      tpu.wait_indirect_dma semaphore(%arg12 : memref<!tpu.dma_semaphore, #tpu.memory_space<semaphore_mem>>) src(%arg11 : memref<128x128xf32, #tpu.memory_space<vmem>>) dst(%dma_wait3A_38 : memref<10008x128xf32, #tpu.memory_space<vmem_shared>>)
      %dma_wait3A_39 = arith.constant 1 : i32
      %dma_wait3A_40 = arith.constant 0 : i32
      %dma_wait3A_41 = tpu.memref_slice %arg10[%dma_wait3A_39, %dma_wait3A_40] : memref<2x128xi32, #tpu.memory_space<vmem>> -> memref<1x128xi32, #tpu.memory_space<vmem>>
      %dma_wait3A_42 = tpu.memref_squeeze %dma_wait3A_41 : memref<1x128xi32, #tpu.memory_space<vmem>> -> memref<128xi32, #tpu.memory_space<vmem>>
      %dma_wait3A_43 = arith.constant 0 : i32
      %dma_wait3A_44 = arith.constant 0 : i32
      %dma_wait3A_45 = tpu.memref_slice %arg8[%dma_wait3A_43, %dma_wait3A_44] : memref<10008x128xf32, #tpu.memory_space<vmem_shared>> -> memref<10008x128xf32, #tpu.memory_space<vmem_shared>>
      tpu.wait_indirect_dma semaphore(%arg13 : memref<!tpu.dma_semaphore, #tpu.memory_space<semaphore_mem>>) src(%arg11 : memref<128x128xf32, #tpu.memory_space<vmem>>) dst(%dma_wait3A_45 : memref<10008x128xf32, #tpu.memory_space<vmem_shared>>)
    } else {
    }
    %eq3A_11 = arith.constant 1 : i32
    %eq3A_12 = arith.cmpi eq, %arg0, %eq3A_11 : i32
    %convert_element_type3A_13 = arith.extui %eq3A_12 : i1 to i32
    %cond3A_14 = arith.constant 0 : i32
    %cond3A_15 = arith.cmpi ne, %convert_element_type3A_13, %cond3A_14 : i32
    scf.if %cond3A_15 {
      %run_scoped3A = arith.constant 0 : i32
      "tpu.region"() ({
        %run_scoped3A_46 = tpu.sem_alloc : memref<!tpu.dma_semaphore, #tpu.memory_space<semaphore_mem>>
        %dma_start3A = arith.constant 0 : i32
        %dma_start3A_47 = arith.constant 0 : i32
        %dma_start3A_48 = tpu.memref_slice %arg2[%arg1, %run_scoped3A, %dma_start3A, %dma_start3A_47] : memref<16x158x2x128xi32, #tpu.memory_space<hbm>> -> memref<1x1x2x128xi32, #tpu.memory_space<hbm>>
        %dma_start3A_49 = tpu.memref_squeeze %dma_start3A_48 : memref<1x1x2x128xi32, #tpu.memory_space<hbm>> -> memref<2x128xi32, #tpu.memory_space<hbm>>
        %dma_start3A_50 = arith.constant 0 : i32
        %dma_start3A_51 = arith.constant 0 : i32
        %dma_start3A_52 = tpu.memref_slice %arg2[%arg1, %run_scoped3A, %dma_start3A_50, %dma_start3A_51] : memref<16x158x2x128xi32, #tpu.memory_space<hbm>> -> memref<1x1x2x128xi32, #tpu.memory_space<hbm>>
        %dma_start3A_53 = tpu.memref_squeeze %dma_start3A_52 : memref<1x1x2x128xi32, #tpu.memory_space<hbm>> -> memref<2x128xi32, #tpu.memory_space<hbm>>
        tpu.enqueue_dma source(%dma_start3A_53 : memref<2x128xi32, #tpu.memory_space<hbm>>) target(%arg9 : memref<2x128xi32, #tpu.memory_space<vmem>>) target_semaphore(%run_scoped3A_46 : memref<!tpu.dma_semaphore, #tpu.memory_space<semaphore_mem>>)
        %dma_wait3A_54 = arith.constant 0 : i32
        %dma_wait3A_55 = arith.constant 0 : i32
        %dma_wait3A_56 = tpu.memref_slice %arg2[%arg1, %run_scoped3A, %dma_wait3A_54, %dma_wait3A_55] : memref<16x158x2x128xi32, #tpu.memory_space<hbm>> -> memref<1x1x2x128xi32, #tpu.memory_space<hbm>>
        %dma_wait3A_57 = tpu.memref_squeeze %dma_wait3A_56 : memref<1x1x2x128xi32, #tpu.memory_space<hbm>> -> memref<2x128xi32, #tpu.memory_space<hbm>>
        %dma_wait3A_58 = arith.constant 0 : i32
        %dma_wait3A_59 = arith.constant 0 : i32
        %dma_wait3A_60 = tpu.memref_slice %arg2[%arg1, %run_scoped3A, %dma_wait3A_58, %dma_wait3A_59] : memref<16x158x2x128xi32, #tpu.memory_space<hbm>> -> memref<1x1x2x128xi32, #tpu.memory_space<hbm>>
        %dma_wait3A_61 = tpu.memref_squeeze %dma_wait3A_60 : memref<1x1x2x128xi32, #tpu.memory_space<hbm>> -> memref<2x128xi32, #tpu.memory_space<hbm>>
        tpu.wait_dma2 semaphore(%run_scoped3A_46 : memref<!tpu.dma_semaphore, #tpu.memory_space<semaphore_mem>>) src(%dma_wait3A_61 : memref<2x128xi32, #tpu.memory_space<hbm>>) dst(%arg9 : memref<2x128xi32, #tpu.memory_space<vmem>>)
        tpu.yield
      }) : () -> ()
      %run_scoped3A_27 = arith.constant 1 : i32
      "tpu.region"() ({
        %run_scoped3A_46 = tpu.sem_alloc : memref<!tpu.dma_semaphore, #tpu.memory_space<semaphore_mem>>
        %dma_start3A = arith.constant 0 : i32
        %dma_start3A_47 = arith.constant 0 : i32
        %dma_start3A_48 = tpu.memref_slice %arg2[%arg1, %run_scoped3A_27, %dma_start3A, %dma_start3A_47] : memref<16x158x2x128xi32, #tpu.memory_space<hbm>> -> memref<1x1x2x128xi32, #tpu.memory_space<hbm>>
        %dma_start3A_49 = tpu.memref_squeeze %dma_start3A_48 : memref<1x1x2x128xi32, #tpu.memory_space<hbm>> -> memref<2x128xi32, #tpu.memory_space<hbm>>
        %dma_start3A_50 = arith.constant 0 : i32
        %dma_start3A_51 = arith.constant 0 : i32
        %dma_start3A_52 = tpu.memref_slice %arg2[%arg1, %run_scoped3A_27, %dma_start3A_50, %dma_start3A_51] : memref<16x158x2x128xi32, #tpu.memory_space<hbm>> -> memref<1x1x2x128xi32, #tpu.memory_space<hbm>>
        %dma_start3A_53 = tpu.memref_squeeze %dma_start3A_52 : memref<1x1x2x128xi32, #tpu.memory_space<hbm>> -> memref<2x128xi32, #tpu.memory_space<hbm>>
        tpu.enqueue_dma source(%dma_start3A_53 : memref<2x128xi32, #tpu.memory_space<hbm>>) target(%arg10 : memref<2x128xi32, #tpu.memory_space<vmem>>) target_semaphore(%run_scoped3A_46 : memref<!tpu.dma_semaphore, #tpu.memory_space<semaphore_mem>>)
        %dma_wait3A_54 = arith.constant 0 : i32
        %dma_wait3A_55 = arith.constant 0 : i32
        %dma_wait3A_56 = tpu.memref_slice %arg2[%arg1, %run_scoped3A_27, %dma_wait3A_54, %dma_wait3A_55] : memref<16x158x2x128xi32, #tpu.memory_space<hbm>> -> memref<1x1x2x128xi32, #tpu.memory_space<hbm>>
        %dma_wait3A_57 = tpu.memref_squeeze %dma_wait3A_56 : memref<1x1x2x128xi32, #tpu.memory_space<hbm>> -> memref<2x128xi32, #tpu.memory_space<hbm>>
        %dma_wait3A_58 = arith.constant 0 : i32
        %dma_wait3A_59 = arith.constant 0 : i32
        %dma_wait3A_60 = tpu.memref_slice %arg2[%arg1, %run_scoped3A_27, %dma_wait3A_58, %dma_wait3A_59] : memref<16x158x2x128xi32, #tpu.memory_space<hbm>> -> memref<1x1x2x128xi32, #tpu.memory_space<hbm>>
        %dma_wait3A_61 = tpu.memref_squeeze %dma_wait3A_60 : memref<1x1x2x128xi32, #tpu.memory_space<hbm>> -> memref<2x128xi32, #tpu.memory_space<hbm>>
        tpu.wait_dma2 semaphore(%run_scoped3A_46 : memref<!tpu.dma_semaphore, #tpu.memory_space<semaphore_mem>>) src(%dma_wait3A_61 : memref<2x128xi32, #tpu.memory_space<hbm>>) dst(%arg10 : memref<2x128xi32, #tpu.memory_space<vmem>>)
        tpu.yield
      }) : () -> ()
      %scan3A = arith.constant 0 : i32
      %scan3A_28 = arith.constant 0 : i32
      %scan3A_29 = arith.constant 79 : i32
      %scan3A_30 = arith.addi %scan3A_28, %scan3A_29 : i32
      %scan3A_31 = arith.constant 1 : i32
      scf.for %scan3A_46 = %scan3A_28 to %scan3A_30 step %scan3A_31  : i32 {
        %mul3A = arith.constant 2 : i32
        %mul3A_47 = arith.muli %mul3A, %scan3A_46 : i32
        %dma_start3A = arith.constant 1 : i32
        %dma_start3A_48 = arith.constant 0 : i32
        %dma_start3A_49 = tpu.memref_slice %arg9[%dma_start3A, %dma_start3A_48] : memref<2x128xi32, #tpu.memory_space<vmem>> -> memref<1x128xi32, #tpu.memory_space<vmem>>
        %dma_start3A_50 = tpu.memref_squeeze %dma_start3A_49 : memref<1x128xi32, #tpu.memory_space<vmem>> -> memref<128xi32, #tpu.memory_space<vmem>>
        %dma_start3A_51 = arith.constant 0 : i32
        %dma_start3A_52 = arith.constant 0 : i32
        %dma_start3A_53 = tpu.memref_slice %arg8[%dma_start3A_51, %dma_start3A_52] : memref<10008x128xf32, #tpu.memory_space<vmem_shared>> -> memref<10008x128xf32, #tpu.memory_space<vmem_shared>>
        tpu.enqueue_indirect_dma source(%arg11 : memref<128x128xf32, #tpu.memory_space<vmem>>) target(%dma_start3A_53 : memref<10008x128xf32, #tpu.memory_space<vmem_shared>>) offsets(%dma_start3A_50 : memref<128xi32, #tpu.memory_space<vmem>>) semaphore(%arg12 : memref<!tpu.dma_semaphore, #tpu.memory_space<semaphore_mem>>) {add = true}
        %dma_start3A_54 = arith.constant 1 : i32
        %dma_start3A_55 = arith.constant 0 : i32
        %dma_start3A_56 = tpu.memref_slice %arg10[%dma_start3A_54, %dma_start3A_55] : memref<2x128xi32, #tpu.memory_space<vmem>> -> memref<1x128xi32, #tpu.memory_space<vmem>>
        %dma_start3A_57 = tpu.memref_squeeze %dma_start3A_56 : memref<1x128xi32, #tpu.memory_space<vmem>> -> memref<128xi32, #tpu.memory_space<vmem>>
        %dma_start3A_58 = arith.constant 0 : i32
        %dma_start3A_59 = arith.constant 0 : i32
        %dma_start3A_60 = tpu.memref_slice %arg8[%dma_start3A_58, %dma_start3A_59] : memref<10008x128xf32, #tpu.memory_space<vmem_shared>> -> memref<10008x128xf32, #tpu.memory_space<vmem_shared>>
        tpu.enqueue_indirect_dma source(%arg11 : memref<128x128xf32, #tpu.memory_space<vmem>>) target(%dma_start3A_60 : memref<10008x128xf32, #tpu.memory_space<vmem_shared>>) offsets(%dma_start3A_57 : memref<128xi32, #tpu.memory_space<vmem>>) semaphore(%arg13 : memref<!tpu.dma_semaphore, #tpu.memory_space<semaphore_mem>>) {add = true}
        %lt3A_61 = arith.constant 78 : i32
        %lt3A_62 = arith.cmpi slt, %scan3A_46, %lt3A_61 : i32
        %convert_element_type3A_63 = arith.extui %lt3A_62 : i1 to i32
        %cond3A_64 = arith.constant 0 : i32
        %cond3A_65 = arith.cmpi ne, %convert_element_type3A_63, %cond3A_64 : i32
        scf.if %cond3A_65 {
          %dma_wait3A_66 = arith.constant 1 : i32
          %dma_wait3A_67 = arith.constant 0 : i32
          %dma_wait3A_68 = tpu.memref_slice %arg9[%dma_wait3A_66, %dma_wait3A_67] : memref<2x128xi32, #tpu.memory_space<vmem>> -> memref<1x128xi32, #tpu.memory_space<vmem>>
          %dma_wait3A_69 = tpu.memref_squeeze %dma_wait3A_68 : memref<1x128xi32, #tpu.memory_space<vmem>> -> memref<128xi32, #tpu.memory_space<vmem>>
          %dma_wait3A_70 = arith.constant 0 : i32
          %dma_wait3A_71 = arith.constant 0 : i32
          %dma_wait3A_72 = tpu.memref_slice %arg8[%dma_wait3A_70, %dma_wait3A_71] : memref<10008x128xf32, #tpu.memory_space<vmem_shared>> -> memref<10008x128xf32, #tpu.memory_space<vmem_shared>>
          tpu.wait_indirect_dma semaphore(%arg12 : memref<!tpu.dma_semaphore, #tpu.memory_space<semaphore_mem>>) src(%arg11 : memref<128x128xf32, #tpu.memory_space<vmem>>) dst(%dma_wait3A_72 : memref<10008x128xf32, #tpu.memory_space<vmem_shared>>)
          %add3A = arith.constant 2 : i32
          %add3A_73 = arith.addi %mul3A_47, %add3A : i32
          "tpu.region"() ({
            %run_scoped3A_83 = tpu.sem_alloc : memref<!tpu.dma_semaphore, #tpu.memory_space<semaphore_mem>>
            %dma_start3A_84 = arith.constant 0 : i32
            %dma_start3A_85 = arith.constant 0 : i32
            %dma_start3A_86 = tpu.memref_slice %arg2[%arg1, %add3A_73, %dma_start3A_84, %dma_start3A_85] : memref<16x158x2x128xi32, #tpu.memory_space<hbm>> -> memref<1x1x2x128xi32, #tpu.memory_space<hbm>>
            %dma_start3A_87 = tpu.memref_squeeze %dma_start3A_86 : memref<1x1x2x128xi32, #tpu.memory_space<hbm>> -> memref<2x128xi32, #tpu.memory_space<hbm>>
            %dma_start3A_88 = arith.constant 0 : i32
            %dma_start3A_89 = arith.constant 0 : i32
            %dma_start3A_90 = tpu.memref_slice %arg2[%arg1, %add3A_73, %dma_start3A_88, %dma_start3A_89] : memref<16x158x2x128xi32, #tpu.memory_space<hbm>> -> memref<1x1x2x128xi32, #tpu.memory_space<hbm>>
            %dma_start3A_91 = tpu.memref_squeeze %dma_start3A_90 : memref<1x1x2x128xi32, #tpu.memory_space<hbm>> -> memref<2x128xi32, #tpu.memory_space<hbm>>
            tpu.enqueue_dma source(%dma_start3A_91 : memref<2x128xi32, #tpu.memory_space<hbm>>) target(%arg9 : memref<2x128xi32, #tpu.memory_space<vmem>>) target_semaphore(%run_scoped3A_83 : memref<!tpu.dma_semaphore, #tpu.memory_space<semaphore_mem>>)
            %dma_wait3A_92 = arith.constant 0 : i32
            %dma_wait3A_93 = arith.constant 0 : i32
            %dma_wait3A_94 = tpu.memref_slice %arg2[%arg1, %add3A_73, %dma_wait3A_92, %dma_wait3A_93] : memref<16x158x2x128xi32, #tpu.memory_space<hbm>> -> memref<1x1x2x128xi32, #tpu.memory_space<hbm>>
            %dma_wait3A_95 = tpu.memref_squeeze %dma_wait3A_94 : memref<1x1x2x128xi32, #tpu.memory_space<hbm>> -> memref<2x128xi32, #tpu.memory_space<hbm>>
            %dma_wait3A_96 = arith.constant 0 : i32
            %dma_wait3A_97 = arith.constant 0 : i32
            %dma_wait3A_98 = tpu.memref_slice %arg2[%arg1, %add3A_73, %dma_wait3A_96, %dma_wait3A_97] : memref<16x158x2x128xi32, #tpu.memory_space<hbm>> -> memref<1x1x2x128xi32, #tpu.memory_space<hbm>>
            %dma_wait3A_99 = tpu.memref_squeeze %dma_wait3A_98 : memref<1x1x2x128xi32, #tpu.memory_space<hbm>> -> memref<2x128xi32, #tpu.memory_space<hbm>>
            tpu.wait_dma2 semaphore(%run_scoped3A_83 : memref<!tpu.dma_semaphore, #tpu.memory_space<semaphore_mem>>) src(%dma_wait3A_99 : memref<2x128xi32, #tpu.memory_space<hbm>>) dst(%arg9 : memref<2x128xi32, #tpu.memory_space<vmem>>)
            tpu.yield
          }) : () -> ()
          %dma_wait3A_74 = arith.constant 1 : i32
          %dma_wait3A_75 = arith.constant 0 : i32
          %dma_wait3A_76 = tpu.memref_slice %arg10[%dma_wait3A_74, %dma_wait3A_75] : memref<2x128xi32, #tpu.memory_space<vmem>> -> memref<1x128xi32, #tpu.memory_space<vmem>>
          %dma_wait3A_77 = tpu.memref_squeeze %dma_wait3A_76 : memref<1x128xi32, #tpu.memory_space<vmem>> -> memref<128xi32, #tpu.memory_space<vmem>>
          %dma_wait3A_78 = arith.constant 0 : i32
          %dma_wait3A_79 = arith.constant 0 : i32
          %dma_wait3A_80 = tpu.memref_slice %arg8[%dma_wait3A_78, %dma_wait3A_79] : memref<10008x128xf32, #tpu.memory_space<vmem_shared>> -> memref<10008x128xf32, #tpu.memory_space<vmem_shared>>
          tpu.wait_indirect_dma semaphore(%arg13 : memref<!tpu.dma_semaphore, #tpu.memory_space<semaphore_mem>>) src(%arg11 : memref<128x128xf32, #tpu.memory_space<vmem>>) dst(%dma_wait3A_80 : memref<10008x128xf32, #tpu.memory_space<vmem_shared>>)
          %add3A_81 = arith.constant 3 : i32
          %add3A_82 = arith.addi %mul3A_47, %add3A_81 : i32
          "tpu.region"() ({
            %run_scoped3A_83 = tpu.sem_alloc : memref<!tpu.dma_semaphore, #tpu.memory_space<semaphore_mem>>
            %dma_start3A_84 = arith.constant 0 : i32
            %dma_start3A_85 = arith.constant 0 : i32
            %dma_start3A_86 = tpu.memref_slice %arg2[%arg1, %add3A_82, %dma_start3A_84, %dma_start3A_85] : memref<16x158x2x128xi32, #tpu.memory_space<hbm>> -> memref<1x1x2x128xi32, #tpu.memory_space<hbm>>
            %dma_start3A_87 = tpu.memref_squeeze %dma_start3A_86 : memref<1x1x2x128xi32, #tpu.memory_space<hbm>> -> memref<2x128xi32, #tpu.memory_space<hbm>>
            %dma_start3A_88 = arith.constant 0 : i32
            %dma_start3A_89 = arith.constant 0 : i32
            %dma_start3A_90 = tpu.memref_slice %arg2[%arg1, %add3A_82, %dma_start3A_88, %dma_start3A_89] : memref<16x158x2x128xi32, #tpu.memory_space<hbm>> -> memref<1x1x2x128xi32, #tpu.memory_space<hbm>>
            %dma_start3A_91 = tpu.memref_squeeze %dma_start3A_90 : memref<1x1x2x128xi32, #tpu.memory_space<hbm>> -> memref<2x128xi32, #tpu.memory_space<hbm>>
            tpu.enqueue_dma source(%dma_start3A_91 : memref<2x128xi32, #tpu.memory_space<hbm>>) target(%arg10 : memref<2x128xi32, #tpu.memory_space<vmem>>) target_semaphore(%run_scoped3A_83 : memref<!tpu.dma_semaphore, #tpu.memory_space<semaphore_mem>>)
            %dma_wait3A_92 = arith.constant 0 : i32
            %dma_wait3A_93 = arith.constant 0 : i32
            %dma_wait3A_94 = tpu.memref_slice %arg2[%arg1, %add3A_82, %dma_wait3A_92, %dma_wait3A_93] : memref<16x158x2x128xi32, #tpu.memory_space<hbm>> -> memref<1x1x2x128xi32, #tpu.memory_space<hbm>>
            %dma_wait3A_95 = tpu.memref_squeeze %dma_wait3A_94 : memref<1x1x2x128xi32, #tpu.memory_space<hbm>> -> memref<2x128xi32, #tpu.memory_space<hbm>>
            %dma_wait3A_96 = arith.constant 0 : i32
            %dma_wait3A_97 = arith.constant 0 : i32
            %dma_wait3A_98 = tpu.memref_slice %arg2[%arg1, %add3A_82, %dma_wait3A_96, %dma_wait3A_97] : memref<16x158x2x128xi32, #tpu.memory_space<hbm>> -> memref<1x1x2x128xi32, #tpu.memory_space<hbm>>
            %dma_wait3A_99 = tpu.memref_squeeze %dma_wait3A_98 : memref<1x1x2x128xi32, #tpu.memory_space<hbm>> -> memref<2x128xi32, #tpu.memory_space<hbm>>
            tpu.wait_dma2 semaphore(%run_scoped3A_83 : memref<!tpu.dma_semaphore, #tpu.memory_space<semaphore_mem>>) src(%dma_wait3A_99 : memref<2x128xi32, #tpu.memory_space<hbm>>) dst(%arg10 : memref<2x128xi32, #tpu.memory_space<vmem>>)
            tpu.yield
          }) : () -> ()
        } else {
        }
      }
      %scan3A_32 = arith.constant 79 : i32
      %dma_wait3A = arith.constant 1 : i32
      %dma_wait3A_33 = arith.constant 0 : i32
      %dma_wait3A_34 = tpu.memref_slice %arg9[%dma_wait3A, %dma_wait3A_33] : memref<2x128xi32, #tpu.memory_space<vmem>> -> memref<1x128xi32, #tpu.memory_space<vmem>>
      %dma_wait3A_35 = tpu.memref_squeeze %dma_wait3A_34 : memref<1x128xi32, #tpu.memory_space<vmem>> -> memref<128xi32, #tpu.memory_space<vmem>>
      %dma_wait3A_36 = arith.constant 0 : i32
      %dma_wait3A_37 = arith.constant 0 : i32
      %dma_wait3A_38 = tpu.memref_slice %arg8[%dma_wait3A_36, %dma_wait3A_37] : memref<10008x128xf32, #tpu.memory_space<vmem_shared>> -> memref<10008x128xf32, #tpu.memory_space<vmem_shared>>
      tpu.wait_indirect_dma semaphore(%arg12 : memref<!tpu.dma_semaphore, #tpu.memory_space<semaphore_mem>>) src(%arg11 : memref<128x128xf32, #tpu.memory_space<vmem>>) dst(%dma_wait3A_38 : memref<10008x128xf32, #tpu.memory_space<vmem_shared>>)
      %dma_wait3A_39 = arith.constant 1 : i32
      %dma_wait3A_40 = arith.constant 0 : i32
      %dma_wait3A_41 = tpu.memref_slice %arg10[%dma_wait3A_39, %dma_wait3A_40] : memref<2x128xi32, #tpu.memory_space<vmem>> -> memref<1x128xi32, #tpu.memory_space<vmem>>
      %dma_wait3A_42 = tpu.memref_squeeze %dma_wait3A_41 : memref<1x128xi32, #tpu.memory_space<vmem>> -> memref<128xi32, #tpu.memory_space<vmem>>
      %dma_wait3A_43 = arith.constant 0 : i32
      %dma_wait3A_44 = arith.constant 0 : i32
      %dma_wait3A_45 = tpu.memref_slice %arg8[%dma_wait3A_43, %dma_wait3A_44] : memref<10008x128xf32, #tpu.memory_space<vmem_shared>> -> memref<10008x128xf32, #tpu.memory_space<vmem_shared>>
      tpu.wait_indirect_dma semaphore(%arg13 : memref<!tpu.dma_semaphore, #tpu.memory_space<semaphore_mem>>) src(%arg11 : memref<128x128xf32, #tpu.memory_space<vmem>>) dst(%dma_wait3A_45 : memref<10008x128xf32, #tpu.memory_space<vmem_shared>>)
    } else {
    }
    %barrier3A_16 = arith.constant 0 : index
    tpu.barrier barrier_id(%barrier3A_16)
    %eq3A_17 = arith.constant 0 : i32
    %eq3A_18 = arith.cmpi eq, %arg0, %eq3A_17 : i32
    %convert_element_type3A_19 = arith.extui %eq3A_18 : i1 to i32
    %cond3A_20 = arith.constant 0 : i32
    %cond3A_21 = arith.cmpi ne, %convert_element_type3A_19, %cond3A_20 : i32
    scf.if %cond3A_21 {
      %lt3A_27 = arith.constant 15 : i32
      %lt3A_28 = arith.cmpi slt, %arg1, %lt3A_27 : i32
      %convert_element_type3A_29 = arith.extui %lt3A_28 : i1 to i32
      %cond3A_30 = arith.constant 0 : i32
      %cond3A_31 = arith.cmpi ne, %convert_element_type3A_29, %cond3A_30 : i32
      scf.if %cond3A_31 {
        %mul3A = arith.constant 624 : i32
        %mul3A_37 = arith.muli %arg1, %mul3A : i32
        %multiple_of3A = tpu.assume_multiple %mul3A_37, 8 : i32
        "tpu.region"() ({
          %run_scoped3A = tpu.sem_alloc : memref<!tpu.dma_semaphore, #tpu.memory_space<semaphore_mem>>
          %dma_start3A = arith.constant 0 : i32
          %dma_start3A_38 = tpu.memref_slice %arg6[%multiple_of3A, %dma_start3A] : memref<10000x128xf32, #tpu.memory_space<hbm>> -> memref<624x128xf32, #tpu.memory_space<hbm>>
          %dma_start3A_39 = arith.constant 0 : i32
          %dma_start3A_40 = tpu.memref_slice %arg8[%multiple_of3A, %dma_start3A_39] : memref<10008x128xf32, #tpu.memory_space<vmem_shared>> -> memref<624x128xf32, #tpu.memory_space<vmem_shared>>
          tpu.enqueue_dma source(%dma_start3A_40 : memref<624x128xf32, #tpu.memory_space<vmem_shared>>) target(%dma_start3A_38 : memref<624x128xf32, #tpu.memory_space<hbm>>) target_semaphore(%run_scoped3A : memref<!tpu.dma_semaphore, #tpu.memory_space<semaphore_mem>>)
          %dma_wait3A = arith.constant 0 : i32
          %dma_wait3A_41 = tpu.memref_slice %arg6[%multiple_of3A, %dma_wait3A] : memref<10000x128xf32, #tpu.memory_space<hbm>> -> memref<624x128xf32, #tpu.memory_space<hbm>>
          %dma_wait3A_42 = arith.constant 0 : i32
          %dma_wait3A_43 = tpu.memref_slice %arg8[%multiple_of3A, %dma_wait3A_42] : memref<10008x128xf32, #tpu.memory_space<vmem_shared>> -> memref<624x128xf32, #tpu.memory_space<vmem_shared>>
          tpu.wait_dma2 semaphore(%run_scoped3A : memref<!tpu.dma_semaphore, #tpu.memory_space<semaphore_mem>>) src(%dma_wait3A_43 : memref<624x128xf32, #tpu.memory_space<vmem_shared>>) dst(%dma_wait3A_41 : memref<624x128xf32, #tpu.memory_space<hbm>>)
          tpu.yield
        }) : () -> ()
      } else {
      }
      %eq3A_32 = arith.constant 15 : i32
      %eq3A_33 = arith.cmpi eq, %arg1, %eq3A_32 : i32
      %convert_element_type3A_34 = arith.extui %eq3A_33 : i1 to i32
      %cond3A_35 = arith.constant 0 : i32
      %cond3A_36 = arith.cmpi ne, %convert_element_type3A_34, %cond3A_35 : i32
      scf.if %cond3A_36 {
        "tpu.region"() ({
          %run_scoped3A = tpu.sem_alloc : memref<!tpu.dma_semaphore, #tpu.memory_space<semaphore_mem>>
          %dma_start3A = arith.constant 9360 : i32
          %dma_start3A_37 = arith.constant 0 : i32
          %dma_start3A_38 = tpu.memref_slice %arg6[%dma_start3A, %dma_start3A_37] : memref<10000x128xf32, #tpu.memory_space<hbm>> -> memref<640x128xf32, #tpu.memory_space<hbm>>
          %dma_start3A_39 = arith.constant 9360 : i32
          %dma_start3A_40 = arith.constant 0 : i32
          %dma_start3A_41 = tpu.memref_slice %arg8[%dma_start3A_39, %dma_start3A_40] : memref<10008x128xf32, #tpu.memory_space<vmem_shared>> -> memref<640x128xf32, #tpu.memory_space<vmem_shared>>
          tpu.enqueue_dma source(%dma_start3A_41 : memref<640x128xf32, #tpu.memory_space<vmem_shared>>) target(%dma_start3A_38 : memref<640x128xf32, #tpu.memory_space<hbm>>) target_semaphore(%run_scoped3A : memref<!tpu.dma_semaphore, #tpu.memory_space<semaphore_mem>>)
          %dma_wait3A = arith.constant 9360 : i32
          %dma_wait3A_42 = arith.constant 0 : i32
          %dma_wait3A_43 = tpu.memref_slice %arg6[%dma_wait3A, %dma_wait3A_42] : memref<10000x128xf32, #tpu.memory_space<hbm>> -> memref<640x128xf32, #tpu.memory_space<hbm>>
          %dma_wait3A_44 = arith.constant 9360 : i32
          %dma_wait3A_45 = arith.constant 0 : i32
          %dma_wait3A_46 = tpu.memref_slice %arg8[%dma_wait3A_44, %dma_wait3A_45] : memref<10008x128xf32, #tpu.memory_space<vmem_shared>> -> memref<640x128xf32, #tpu.memory_space<vmem_shared>>
          tpu.wait_dma2 semaphore(%run_scoped3A : memref<!tpu.dma_semaphore, #tpu.memory_space<semaphore_mem>>) src(%dma_wait3A_46 : memref<640x128xf32, #tpu.memory_space<vmem_shared>>) dst(%dma_wait3A_43 : memref<640x128xf32, #tpu.memory_space<hbm>>)
          tpu.yield
        }) : () -> ()
      } else {
      }
    } else {
    }
    %eq3A_22 = arith.constant 1 : i32
    %eq3A_23 = arith.cmpi eq, %arg0, %eq3A_22 : i32
    %convert_element_type3A_24 = arith.extui %eq3A_23 : i1 to i32
    %cond3A_25 = arith.constant 0 : i32
    %cond3A_26 = arith.cmpi ne, %convert_element_type3A_24, %cond3A_25 : i32
    scf.if %cond3A_26 {
      %lt3A_27 = arith.constant 15 : i32
      %lt3A_28 = arith.cmpi slt, %arg1, %lt3A_27 : i32
      %convert_element_type3A_29 = arith.extui %lt3A_28 : i1 to i32
      %cond3A_30 = arith.constant 0 : i32
      %cond3A_31 = arith.cmpi ne, %convert_element_type3A_29, %cond3A_30 : i32
      scf.if %cond3A_31 {
        %mul3A = arith.constant 624 : i32
        %mul3A_37 = arith.muli %arg1, %mul3A : i32
        %multiple_of3A = tpu.assume_multiple %mul3A_37, 8 : i32
        "tpu.region"() ({
          %run_scoped3A = tpu.sem_alloc : memref<!tpu.dma_semaphore, #tpu.memory_space<semaphore_mem>>
          %dma_start3A = arith.constant 0 : i32
          %dma_start3A_38 = tpu.memref_slice %arg7[%multiple_of3A, %dma_start3A] : memref<10000x128xf32, #tpu.memory_space<hbm>> -> memref<624x128xf32, #tpu.memory_space<hbm>>
          %dma_start3A_39 = arith.constant 0 : i32
          %dma_start3A_40 = tpu.memref_slice %arg8[%multiple_of3A, %dma_start3A_39] : memref<10008x128xf32, #tpu.memory_space<vmem_shared>> -> memref<624x128xf32, #tpu.memory_space<vmem_shared>>
          tpu.enqueue_dma source(%dma_start3A_40 : memref<624x128xf32, #tpu.memory_space<vmem_shared>>) target(%dma_start3A_38 : memref<624x128xf32, #tpu.memory_space<hbm>>) target_semaphore(%run_scoped3A : memref<!tpu.dma_semaphore, #tpu.memory_space<semaphore_mem>>)
          %dma_wait3A = arith.constant 0 : i32
          %dma_wait3A_41 = tpu.memref_slice %arg7[%multiple_of3A, %dma_wait3A] : memref<10000x128xf32, #tpu.memory_space<hbm>> -> memref<624x128xf32, #tpu.memory_space<hbm>>
          %dma_wait3A_42 = arith.constant 0 : i32
          %dma_wait3A_43 = tpu.memref_slice %arg8[%multiple_of3A, %dma_wait3A_42] : memref<10008x128xf32, #tpu.memory_space<vmem_shared>> -> memref<624x128xf32, #tpu.memory_space<vmem_shared>>
          tpu.wait_dma2 semaphore(%run_scoped3A : memref<!tpu.dma_semaphore, #tpu.memory_space<semaphore_mem>>) src(%dma_wait3A_43 : memref<624x128xf32, #tpu.memory_space<vmem_shared>>) dst(%dma_wait3A_41 : memref<624x128xf32, #tpu.memory_space<hbm>>)
          tpu.yield
        }) : () -> ()
      } else {
      }
      %eq3A_32 = arith.constant 15 : i32
      %eq3A_33 = arith.cmpi eq, %arg1, %eq3A_32 : i32
      %convert_element_type3A_34 = arith.extui %eq3A_33 : i1 to i32
      %cond3A_35 = arith.constant 0 : i32
      %cond3A_36 = arith.cmpi ne, %convert_element_type3A_34, %cond3A_35 : i32
      scf.if %cond3A_36 {
        "tpu.region"() ({
          %run_scoped3A = tpu.sem_alloc : memref<!tpu.dma_semaphore, #tpu.memory_space<semaphore_mem>>
          %dma_start3A = arith.constant 9360 : i32
          %dma_start3A_37 = arith.constant 0 : i32
          %dma_start3A_38 = tpu.memref_slice %arg7[%dma_start3A, %dma_start3A_37] : memref<10000x128xf32, #tpu.memory_space<hbm>> -> memref<640x128xf32, #tpu.memory_space<hbm>>
          %dma_start3A_39 = arith.constant 9360 : i32
          %dma_start3A_40 = arith.constant 0 : i32
          %dma_start3A_41 = tpu.memref_slice %arg8[%dma_start3A_39, %dma_start3A_40] : memref<10008x128xf32, #tpu.memory_space<vmem_shared>> -> memref<640x128xf32, #tpu.memory_space<vmem_shared>>
          tpu.enqueue_dma source(%dma_start3A_41 : memref<640x128xf32, #tpu.memory_space<vmem_shared>>) target(%dma_start3A_38 : memref<640x128xf32, #tpu.memory_space<hbm>>) target_semaphore(%run_scoped3A : memref<!tpu.dma_semaphore, #tpu.memory_space<semaphore_mem>>)
          %dma_wait3A = arith.constant 9360 : i32
          %dma_wait3A_42 = arith.constant 0 : i32
          %dma_wait3A_43 = tpu.memref_slice %arg7[%dma_wait3A, %dma_wait3A_42] : memref<10000x128xf32, #tpu.memory_space<hbm>> -> memref<640x128xf32, #tpu.memory_space<hbm>>
          %dma_wait3A_44 = arith.constant 9360 : i32
          %dma_wait3A_45 = arith.constant 0 : i32
          %dma_wait3A_46 = tpu.memref_slice %arg8[%dma_wait3A_44, %dma_wait3A_45] : memref<10008x128xf32, #tpu.memory_space<vmem_shared>> -> memref<640x128xf32, #tpu.memory_space<vmem_shared>>
          tpu.wait_dma2 semaphore(%run_scoped3A : memref<!tpu.dma_semaphore, #tpu.memory_space<semaphore_mem>>) src(%dma_wait3A_46 : memref<640x128xf32, #tpu.memory_space<vmem_shared>>) dst(%dma_wait3A_43 : memref<640x128xf32, #tpu.memory_space<hbm>>)
          tpu.yield
        }) : () -> ()
      } else {
      }
    } else {
    }
    return
  }
}

#map = affine_map<(d0, d1) -> (0, 0)>
#map1 = affine_map<(d0, d1) -> (0, 0, 0, 0)>
module attributes {stable_mosaic.version = 14 : i64} {
  func.func @stage(%arg0: i32, %arg1: i32, %arg2: memref<10000x128xf32, #tpu.memory_space<hbm>>, %arg3: memref<10000x128xf32, #tpu.memory_space<hbm>>, %arg4: memref<16x158x2x128xi32, #tpu.memory_space<hbm>>, %arg5: memref<640x128xf32, #tpu.memory_space<hbm>>, %arg6: memref<10000x128xf32, #tpu.memory_space<hbm>>, %arg7: memref<10000x128xf32, #tpu.memory_space<hbm>>, %arg8: memref<10008x128xf32, #tpu.memory_space<vmem_shared>>, %arg9: memref<2x128xi32, #tpu.memory_space<vmem>>, %arg10: memref<2x128xi32, #tpu.memory_space<vmem>>, %arg11: memref<128x128xf32, #tpu.memory_space<vmem>>, %arg12: memref<128x128xf32, #tpu.memory_space<vmem>>, %arg13: memref<!tpu.dma_semaphore, #tpu.memory_space<semaphore_mem>>, %arg14: memref<!tpu.dma_semaphore, #tpu.memory_space<semaphore_mem>>, %arg15: memref<!tpu.dma_semaphore, #tpu.memory_space<semaphore_mem>>, %arg16: memref<!tpu.dma_semaphore, #tpu.memory_space<semaphore_mem>>) attributes {dimension_semantics = [#tpu.dimension_semantics<core_parallel>, #tpu.dimension_semantics<subcore_parallel>], iteration_bounds = array<i64: 2, 16>, scalar_prefetch = 0 : i64, scratch_operands = 9 : i64, tpu.core_type = #tpu.core_type<sc_vector_subcore>, window_params = [{transform_indices = #map}, {transform_indices = #map}, {transform_indices = #map1}, {transform_indices = #map}, {transform_indices = #map}, {transform_indices = #map}]} {
    %lt3A = arith.constant 15 : i32
    %lt3A_0 = arith.cmpi slt, %arg1, %lt3A : i32
    %convert_element_type3A = arith.extui %lt3A_0 : i1 to i32
    %cond3A = arith.constant 0 : i32
    %cond3A_1 = arith.cmpi ne, %convert_element_type3A, %cond3A : i32
    scf.if %cond3A_1 {
      %mul3A = arith.constant 624 : i32
      %mul3A_27 = arith.muli %arg1, %mul3A : i32
      %multiple_of3A = tpu.assume_multiple %mul3A_27, 8 : i32
      "tpu.region"() ({
        %run_scoped3A = tpu.sem_alloc : memref<!tpu.dma_semaphore, #tpu.memory_space<semaphore_mem>>
        %dma_start3A = arith.constant 0 : i32
        %dma_start3A_28 = tpu.memref_slice %arg8[%multiple_of3A, %dma_start3A] : memref<10008x128xf32, #tpu.memory_space<vmem_shared>> -> memref<624x128xf32, #tpu.memory_space<vmem_shared>>
        %dma_start3A_29 = arith.constant 0 : i32
        %dma_start3A_30 = arith.constant 0 : i32
        %dma_start3A_31 = tpu.memref_slice %arg5[%dma_start3A_29, %dma_start3A_30] : memref<640x128xf32, #tpu.memory_space<hbm>> -> memref<624x128xf32, #tpu.memory_space<hbm>>
        tpu.enqueue_dma source(%dma_start3A_31 : memref<624x128xf32, #tpu.memory_space<hbm>>) target(%dma_start3A_28 : memref<624x128xf32, #tpu.memory_space<vmem_shared>>) target_semaphore(%run_scoped3A : memref<!tpu.dma_semaphore, #tpu.memory_space<semaphore_mem>>)
        %dma_wait3A = arith.constant 0 : i32
        %dma_wait3A_32 = tpu.memref_slice %arg8[%multiple_of3A, %dma_wait3A] : memref<10008x128xf32, #tpu.memory_space<vmem_shared>> -> memref<624x128xf32, #tpu.memory_space<vmem_shared>>
        %dma_wait3A_33 = arith.constant 0 : i32
        %dma_wait3A_34 = arith.constant 0 : i32
        %dma_wait3A_35 = tpu.memref_slice %arg5[%dma_wait3A_33, %dma_wait3A_34] : memref<640x128xf32, #tpu.memory_space<hbm>> -> memref<624x128xf32, #tpu.memory_space<hbm>>
        tpu.wait_dma2 semaphore(%run_scoped3A : memref<!tpu.dma_semaphore, #tpu.memory_space<semaphore_mem>>) src(%dma_wait3A_35 : memref<624x128xf32, #tpu.memory_space<hbm>>) dst(%dma_wait3A_32 : memref<624x128xf32, #tpu.memory_space<vmem_shared>>)
        tpu.yield
      }) : () -> ()
    } else {
    }
    %eq3A = arith.constant 15 : i32
    %eq3A_2 = arith.cmpi eq, %arg1, %eq3A : i32
    %convert_element_type3A_3 = arith.extui %eq3A_2 : i1 to i32
    %cond3A_4 = arith.constant 0 : i32
    %cond3A_5 = arith.cmpi ne, %convert_element_type3A_3, %cond3A_4 : i32
    scf.if %cond3A_5 {
      "tpu.region"() ({
        %run_scoped3A = tpu.sem_alloc : memref<!tpu.dma_semaphore, #tpu.memory_space<semaphore_mem>>
        %dma_start3A = arith.constant 9360 : i32
        %dma_start3A_27 = arith.constant 0 : i32
        %dma_start3A_28 = tpu.memref_slice %arg8[%dma_start3A, %dma_start3A_27] : memref<10008x128xf32, #tpu.memory_space<vmem_shared>> -> memref<640x128xf32, #tpu.memory_space<vmem_shared>>
        %dma_start3A_29 = arith.constant 0 : i32
        %dma_start3A_30 = arith.constant 0 : i32
        %dma_start3A_31 = tpu.memref_slice %arg5[%dma_start3A_29, %dma_start3A_30] : memref<640x128xf32, #tpu.memory_space<hbm>> -> memref<640x128xf32, #tpu.memory_space<hbm>>
        tpu.enqueue_dma source(%dma_start3A_31 : memref<640x128xf32, #tpu.memory_space<hbm>>) target(%dma_start3A_28 : memref<640x128xf32, #tpu.memory_space<vmem_shared>>) target_semaphore(%run_scoped3A : memref<!tpu.dma_semaphore, #tpu.memory_space<semaphore_mem>>)
        %dma_wait3A = arith.constant 9360 : i32
        %dma_wait3A_32 = arith.constant 0 : i32
        %dma_wait3A_33 = tpu.memref_slice %arg8[%dma_wait3A, %dma_wait3A_32] : memref<10008x128xf32, #tpu.memory_space<vmem_shared>> -> memref<640x128xf32, #tpu.memory_space<vmem_shared>>
        %dma_wait3A_34 = arith.constant 0 : i32
        %dma_wait3A_35 = arith.constant 0 : i32
        %dma_wait3A_36 = tpu.memref_slice %arg5[%dma_wait3A_34, %dma_wait3A_35] : memref<640x128xf32, #tpu.memory_space<hbm>> -> memref<640x128xf32, #tpu.memory_space<hbm>>
        tpu.wait_dma2 semaphore(%run_scoped3A : memref<!tpu.dma_semaphore, #tpu.memory_space<semaphore_mem>>) src(%dma_wait3A_36 : memref<640x128xf32, #tpu.memory_space<hbm>>) dst(%dma_wait3A_33 : memref<640x128xf32, #tpu.memory_space<vmem_shared>>)
        tpu.yield
      }) : () -> ()
    } else {
    }
    %barrier3A = arith.constant 0 : index
    tpu.barrier barrier_id(%barrier3A)
    %eq3A_6 = arith.constant 0 : i32
    %eq3A_7 = arith.cmpi eq, %arg0, %eq3A_6 : i32
    %convert_element_type3A_8 = arith.extui %eq3A_7 : i1 to i32
    %cond3A_9 = arith.constant 0 : i32
    %cond3A_10 = arith.cmpi ne, %convert_element_type3A_8, %cond3A_9 : i32
    scf.if %cond3A_10 {
      %run_scoped3A = arith.constant 0 : i32
      "tpu.region"() ({
        %run_scoped3A_59 = tpu.sem_alloc : memref<!tpu.dma_semaphore, #tpu.memory_space<semaphore_mem>>
        %dma_start3A_60 = arith.constant 0 : i32
        %dma_start3A_61 = arith.constant 0 : i32
        %dma_start3A_62 = tpu.memref_slice %arg4[%arg1, %run_scoped3A, %dma_start3A_60, %dma_start3A_61] : memref<16x158x2x128xi32, #tpu.memory_space<hbm>> -> memref<1x1x2x128xi32, #tpu.memory_space<hbm>>
        %dma_start3A_63 = tpu.memref_squeeze %dma_start3A_62 : memref<1x1x2x128xi32, #tpu.memory_space<hbm>> -> memref<2x128xi32, #tpu.memory_space<hbm>>
        %dma_start3A_64 = arith.constant 0 : i32
        %dma_start3A_65 = arith.constant 0 : i32
        %dma_start3A_66 = tpu.memref_slice %arg4[%arg1, %run_scoped3A, %dma_start3A_64, %dma_start3A_65] : memref<16x158x2x128xi32, #tpu.memory_space<hbm>> -> memref<1x1x2x128xi32, #tpu.memory_space<hbm>>
        %dma_start3A_67 = tpu.memref_squeeze %dma_start3A_66 : memref<1x1x2x128xi32, #tpu.memory_space<hbm>> -> memref<2x128xi32, #tpu.memory_space<hbm>>
        tpu.enqueue_dma source(%dma_start3A_67 : memref<2x128xi32, #tpu.memory_space<hbm>>) target(%arg9 : memref<2x128xi32, #tpu.memory_space<vmem>>) target_semaphore(%run_scoped3A_59 : memref<!tpu.dma_semaphore, #tpu.memory_space<semaphore_mem>>)
        %dma_wait3A_68 = arith.constant 0 : i32
        %dma_wait3A_69 = arith.constant 0 : i32
        %dma_wait3A_70 = tpu.memref_slice %arg4[%arg1, %run_scoped3A, %dma_wait3A_68, %dma_wait3A_69] : memref<16x158x2x128xi32, #tpu.memory_space<hbm>> -> memref<1x1x2x128xi32, #tpu.memory_space<hbm>>
        %dma_wait3A_71 = tpu.memref_squeeze %dma_wait3A_70 : memref<1x1x2x128xi32, #tpu.memory_space<hbm>> -> memref<2x128xi32, #tpu.memory_space<hbm>>
        %dma_wait3A_72 = arith.constant 0 : i32
        %dma_wait3A_73 = arith.constant 0 : i32
        %dma_wait3A_74 = tpu.memref_slice %arg4[%arg1, %run_scoped3A, %dma_wait3A_72, %dma_wait3A_73] : memref<16x158x2x128xi32, #tpu.memory_space<hbm>> -> memref<1x1x2x128xi32, #tpu.memory_space<hbm>>
        %dma_wait3A_75 = tpu.memref_squeeze %dma_wait3A_74 : memref<1x1x2x128xi32, #tpu.memory_space<hbm>> -> memref<2x128xi32, #tpu.memory_space<hbm>>
        tpu.wait_dma2 semaphore(%run_scoped3A_59 : memref<!tpu.dma_semaphore, #tpu.memory_space<semaphore_mem>>) src(%dma_wait3A_75 : memref<2x128xi32, #tpu.memory_space<hbm>>) dst(%arg9 : memref<2x128xi32, #tpu.memory_space<vmem>>)
        tpu.yield
      }) : () -> ()
      %run_scoped3A_27 = arith.constant 1 : i32
      "tpu.region"() ({
        %run_scoped3A_59 = tpu.sem_alloc : memref<!tpu.dma_semaphore, #tpu.memory_space<semaphore_mem>>
        %dma_start3A_60 = arith.constant 0 : i32
        %dma_start3A_61 = arith.constant 0 : i32
        %dma_start3A_62 = tpu.memref_slice %arg4[%arg1, %run_scoped3A_27, %dma_start3A_60, %dma_start3A_61] : memref<16x158x2x128xi32, #tpu.memory_space<hbm>> -> memref<1x1x2x128xi32, #tpu.memory_space<hbm>>
        %dma_start3A_63 = tpu.memref_squeeze %dma_start3A_62 : memref<1x1x2x128xi32, #tpu.memory_space<hbm>> -> memref<2x128xi32, #tpu.memory_space<hbm>>
        %dma_start3A_64 = arith.constant 0 : i32
        %dma_start3A_65 = arith.constant 0 : i32
        %dma_start3A_66 = tpu.memref_slice %arg4[%arg1, %run_scoped3A_27, %dma_start3A_64, %dma_start3A_65] : memref<16x158x2x128xi32, #tpu.memory_space<hbm>> -> memref<1x1x2x128xi32, #tpu.memory_space<hbm>>
        %dma_start3A_67 = tpu.memref_squeeze %dma_start3A_66 : memref<1x1x2x128xi32, #tpu.memory_space<hbm>> -> memref<2x128xi32, #tpu.memory_space<hbm>>
        tpu.enqueue_dma source(%dma_start3A_67 : memref<2x128xi32, #tpu.memory_space<hbm>>) target(%arg10 : memref<2x128xi32, #tpu.memory_space<vmem>>) target_semaphore(%run_scoped3A_59 : memref<!tpu.dma_semaphore, #tpu.memory_space<semaphore_mem>>)
        %dma_wait3A_68 = arith.constant 0 : i32
        %dma_wait3A_69 = arith.constant 0 : i32
        %dma_wait3A_70 = tpu.memref_slice %arg4[%arg1, %run_scoped3A_27, %dma_wait3A_68, %dma_wait3A_69] : memref<16x158x2x128xi32, #tpu.memory_space<hbm>> -> memref<1x1x2x128xi32, #tpu.memory_space<hbm>>
        %dma_wait3A_71 = tpu.memref_squeeze %dma_wait3A_70 : memref<1x1x2x128xi32, #tpu.memory_space<hbm>> -> memref<2x128xi32, #tpu.memory_space<hbm>>
        %dma_wait3A_72 = arith.constant 0 : i32
        %dma_wait3A_73 = arith.constant 0 : i32
        %dma_wait3A_74 = tpu.memref_slice %arg4[%arg1, %run_scoped3A_27, %dma_wait3A_72, %dma_wait3A_73] : memref<16x158x2x128xi32, #tpu.memory_space<hbm>> -> memref<1x1x2x128xi32, #tpu.memory_space<hbm>>
        %dma_wait3A_75 = tpu.memref_squeeze %dma_wait3A_74 : memref<1x1x2x128xi32, #tpu.memory_space<hbm>> -> memref<2x128xi32, #tpu.memory_space<hbm>>
        tpu.wait_dma2 semaphore(%run_scoped3A_59 : memref<!tpu.dma_semaphore, #tpu.memory_space<semaphore_mem>>) src(%dma_wait3A_75 : memref<2x128xi32, #tpu.memory_space<hbm>>) dst(%arg10 : memref<2x128xi32, #tpu.memory_space<vmem>>)
        tpu.yield
      }) : () -> ()
      %dma_start3A = arith.constant 0 : i32
      %dma_start3A_28 = arith.constant 0 : i32
      %dma_start3A_29 = tpu.memref_slice %arg9[%dma_start3A, %dma_start3A_28] : memref<2x128xi32, #tpu.memory_space<vmem>> -> memref<1x128xi32, #tpu.memory_space<vmem>>
      %dma_start3A_30 = tpu.memref_squeeze %dma_start3A_29 : memref<1x128xi32, #tpu.memory_space<vmem>> -> memref<128xi32, #tpu.memory_space<vmem>>
      %dma_start3A_31 = arith.constant 0 : i32
      %dma_start3A_32 = arith.constant 0 : i32
      %dma_start3A_33 = tpu.memref_slice %arg2[%dma_start3A_31, %dma_start3A_32] : memref<10000x128xf32, #tpu.memory_space<hbm>> -> memref<10000x128xf32, #tpu.memory_space<hbm>>
      tpu.enqueue_indirect_dma source(%dma_start3A_33 : memref<10000x128xf32, #tpu.memory_space<hbm>>) target(%arg11 : memref<128x128xf32, #tpu.memory_space<vmem>>) offsets(%dma_start3A_30 : memref<128xi32, #tpu.memory_space<vmem>>) semaphore(%arg13 : memref<!tpu.dma_semaphore, #tpu.memory_space<semaphore_mem>>)
      %dma_start3A_34 = arith.constant 0 : i32
      %dma_start3A_35 = arith.constant 0 : i32
      %dma_start3A_36 = tpu.memref_slice %arg10[%dma_start3A_34, %dma_start3A_35] : memref<2x128xi32, #tpu.memory_space<vmem>> -> memref<1x128xi32, #tpu.memory_space<vmem>>
      %dma_start3A_37 = tpu.memref_squeeze %dma_start3A_36 : memref<1x128xi32, #tpu.memory_space<vmem>> -> memref<128xi32, #tpu.memory_space<vmem>>
      %dma_start3A_38 = arith.constant 0 : i32
      %dma_start3A_39 = arith.constant 0 : i32
      %dma_start3A_40 = tpu.memref_slice %arg2[%dma_start3A_38, %dma_start3A_39] : memref<10000x128xf32, #tpu.memory_space<hbm>> -> memref<10000x128xf32, #tpu.memory_space<hbm>>
      tpu.enqueue_indirect_dma source(%dma_start3A_40 : memref<10000x128xf32, #tpu.memory_space<hbm>>) target(%arg12 : memref<128x128xf32, #tpu.memory_space<vmem>>) offsets(%dma_start3A_37 : memref<128xi32, #tpu.memory_space<vmem>>) semaphore(%arg14 : memref<!tpu.dma_semaphore, #tpu.memory_space<semaphore_mem>>)
      %scan3A = arith.constant 0 : i32
      %scan3A_41 = arith.constant 0 : i32
      %scan3A_42 = arith.constant 79 : i32
      %scan3A_43 = arith.addi %scan3A_41, %scan3A_42 : i32
      %scan3A_44 = arith.constant 1 : i32
      scf.for %scan3A_59 = %scan3A_41 to %scan3A_43 step %scan3A_44  : i32 {
        %mul3A = arith.constant 2 : i32
        %mul3A_60 = arith.muli %mul3A, %scan3A_59 : i32
        %dma_wait3A_61 = arith.constant 0 : i32
        %dma_wait3A_62 = arith.constant 0 : i32
        %dma_wait3A_63 = tpu.memref_slice %arg9[%dma_wait3A_61, %dma_wait3A_62] : memref<2x128xi32, #tpu.memory_space<vmem>> -> memref<1x128xi32, #tpu.memory_space<vmem>>
        %dma_wait3A_64 = tpu.memref_squeeze %dma_wait3A_63 : memref<1x128xi32, #tpu.memory_space<vmem>> -> memref<128xi32, #tpu.memory_space<vmem>>
        %dma_wait3A_65 = arith.constant 0 : i32
        %dma_wait3A_66 = arith.constant 0 : i32
        %dma_wait3A_67 = tpu.memref_slice %arg2[%dma_wait3A_65, %dma_wait3A_66] : memref<10000x128xf32, #tpu.memory_space<hbm>> -> memref<10000x128xf32, #tpu.memory_space<hbm>>
        tpu.wait_indirect_dma semaphore(%arg13 : memref<!tpu.dma_semaphore, #tpu.memory_space<semaphore_mem>>) src(%dma_wait3A_67 : memref<10000x128xf32, #tpu.memory_space<hbm>>) dst(%arg11 : memref<128x128xf32, #tpu.memory_space<vmem>>)
        %dma_start3A_68 = arith.constant 1 : i32
        %dma_start3A_69 = arith.constant 0 : i32
        %dma_start3A_70 = tpu.memref_slice %arg9[%dma_start3A_68, %dma_start3A_69] : memref<2x128xi32, #tpu.memory_space<vmem>> -> memref<1x128xi32, #tpu.memory_space<vmem>>
        %dma_start3A_71 = tpu.memref_squeeze %dma_start3A_70 : memref<1x128xi32, #tpu.memory_space<vmem>> -> memref<128xi32, #tpu.memory_space<vmem>>
        %dma_start3A_72 = arith.constant 0 : i32
        %dma_start3A_73 = arith.constant 0 : i32
        %dma_start3A_74 = tpu.memref_slice %arg8[%dma_start3A_72, %dma_start3A_73] : memref<10008x128xf32, #tpu.memory_space<vmem_shared>> -> memref<10008x128xf32, #tpu.memory_space<vmem_shared>>
        tpu.enqueue_indirect_dma source(%arg11 : memref<128x128xf32, #tpu.memory_space<vmem>>) target(%dma_start3A_74 : memref<10008x128xf32, #tpu.memory_space<vmem_shared>>) offsets(%dma_start3A_71 : memref<128xi32, #tpu.memory_space<vmem>>) semaphore(%arg15 : memref<!tpu.dma_semaphore, #tpu.memory_space<semaphore_mem>>) {add = true}
        %dma_wait3A_75 = arith.constant 0 : i32
        %dma_wait3A_76 = arith.constant 0 : i32
        %dma_wait3A_77 = tpu.memref_slice %arg10[%dma_wait3A_75, %dma_wait3A_76] : memref<2x128xi32, #tpu.memory_space<vmem>> -> memref<1x128xi32, #tpu.memory_space<vmem>>
        %dma_wait3A_78 = tpu.memref_squeeze %dma_wait3A_77 : memref<1x128xi32, #tpu.memory_space<vmem>> -> memref<128xi32, #tpu.memory_space<vmem>>
        %dma_wait3A_79 = arith.constant 0 : i32
        %dma_wait3A_80 = arith.constant 0 : i32
        %dma_wait3A_81 = tpu.memref_slice %arg2[%dma_wait3A_79, %dma_wait3A_80] : memref<10000x128xf32, #tpu.memory_space<hbm>> -> memref<10000x128xf32, #tpu.memory_space<hbm>>
        tpu.wait_indirect_dma semaphore(%arg14 : memref<!tpu.dma_semaphore, #tpu.memory_space<semaphore_mem>>) src(%dma_wait3A_81 : memref<10000x128xf32, #tpu.memory_space<hbm>>) dst(%arg12 : memref<128x128xf32, #tpu.memory_space<vmem>>)
        %dma_start3A_82 = arith.constant 1 : i32
        %dma_start3A_83 = arith.constant 0 : i32
        %dma_start3A_84 = tpu.memref_slice %arg10[%dma_start3A_82, %dma_start3A_83] : memref<2x128xi32, #tpu.memory_space<vmem>> -> memref<1x128xi32, #tpu.memory_space<vmem>>
        %dma_start3A_85 = tpu.memref_squeeze %dma_start3A_84 : memref<1x128xi32, #tpu.memory_space<vmem>> -> memref<128xi32, #tpu.memory_space<vmem>>
        %dma_start3A_86 = arith.constant 0 : i32
        %dma_start3A_87 = arith.constant 0 : i32
        %dma_start3A_88 = tpu.memref_slice %arg8[%dma_start3A_86, %dma_start3A_87] : memref<10008x128xf32, #tpu.memory_space<vmem_shared>> -> memref<10008x128xf32, #tpu.memory_space<vmem_shared>>
        tpu.enqueue_indirect_dma source(%arg12 : memref<128x128xf32, #tpu.memory_space<vmem>>) target(%dma_start3A_88 : memref<10008x128xf32, #tpu.memory_space<vmem_shared>>) offsets(%dma_start3A_85 : memref<128xi32, #tpu.memory_space<vmem>>) semaphore(%arg16 : memref<!tpu.dma_semaphore, #tpu.memory_space<semaphore_mem>>) {add = true}
        %lt3A_89 = arith.constant 78 : i32
        %lt3A_90 = arith.cmpi slt, %scan3A_59, %lt3A_89 : i32
        %convert_element_type3A_91 = arith.extui %lt3A_90 : i1 to i32
        %cond3A_92 = arith.constant 0 : i32
        %cond3A_93 = arith.cmpi ne, %convert_element_type3A_91, %cond3A_92 : i32
        scf.if %cond3A_93 {
          %dma_wait3A_94 = arith.constant 1 : i32
          %dma_wait3A_95 = arith.constant 0 : i32
          %dma_wait3A_96 = tpu.memref_slice %arg9[%dma_wait3A_94, %dma_wait3A_95] : memref<2x128xi32, #tpu.memory_space<vmem>> -> memref<1x128xi32, #tpu.memory_space<vmem>>
          %dma_wait3A_97 = tpu.memref_squeeze %dma_wait3A_96 : memref<1x128xi32, #tpu.memory_space<vmem>> -> memref<128xi32, #tpu.memory_space<vmem>>
          %dma_wait3A_98 = arith.constant 0 : i32
          %dma_wait3A_99 = arith.constant 0 : i32
          %dma_wait3A_100 = tpu.memref_slice %arg8[%dma_wait3A_98, %dma_wait3A_99] : memref<10008x128xf32, #tpu.memory_space<vmem_shared>> -> memref<10008x128xf32, #tpu.memory_space<vmem_shared>>
          tpu.wait_indirect_dma semaphore(%arg15 : memref<!tpu.dma_semaphore, #tpu.memory_space<semaphore_mem>>) src(%arg11 : memref<128x128xf32, #tpu.memory_space<vmem>>) dst(%dma_wait3A_100 : memref<10008x128xf32, #tpu.memory_space<vmem_shared>>)
          %add3A = arith.constant 2 : i32
          %add3A_101 = arith.addi %mul3A_60, %add3A : i32
          "tpu.region"() ({
            %run_scoped3A_125 = tpu.sem_alloc : memref<!tpu.dma_semaphore, #tpu.memory_space<semaphore_mem>>
            %dma_start3A_126 = arith.constant 0 : i32
            %dma_start3A_127 = arith.constant 0 : i32
            %dma_start3A_128 = tpu.memref_slice %arg4[%arg1, %add3A_101, %dma_start3A_126, %dma_start3A_127] : memref<16x158x2x128xi32, #tpu.memory_space<hbm>> -> memref<1x1x2x128xi32, #tpu.memory_space<hbm>>
            %dma_start3A_129 = tpu.memref_squeeze %dma_start3A_128 : memref<1x1x2x128xi32, #tpu.memory_space<hbm>> -> memref<2x128xi32, #tpu.memory_space<hbm>>
            %dma_start3A_130 = arith.constant 0 : i32
            %dma_start3A_131 = arith.constant 0 : i32
            %dma_start3A_132 = tpu.memref_slice %arg4[%arg1, %add3A_101, %dma_start3A_130, %dma_start3A_131] : memref<16x158x2x128xi32, #tpu.memory_space<hbm>> -> memref<1x1x2x128xi32, #tpu.memory_space<hbm>>
            %dma_start3A_133 = tpu.memref_squeeze %dma_start3A_132 : memref<1x1x2x128xi32, #tpu.memory_space<hbm>> -> memref<2x128xi32, #tpu.memory_space<hbm>>
            tpu.enqueue_dma source(%dma_start3A_133 : memref<2x128xi32, #tpu.memory_space<hbm>>) target(%arg9 : memref<2x128xi32, #tpu.memory_space<vmem>>) target_semaphore(%run_scoped3A_125 : memref<!tpu.dma_semaphore, #tpu.memory_space<semaphore_mem>>)
            %dma_wait3A_134 = arith.constant 0 : i32
            %dma_wait3A_135 = arith.constant 0 : i32
            %dma_wait3A_136 = tpu.memref_slice %arg4[%arg1, %add3A_101, %dma_wait3A_134, %dma_wait3A_135] : memref<16x158x2x128xi32, #tpu.memory_space<hbm>> -> memref<1x1x2x128xi32, #tpu.memory_space<hbm>>
            %dma_wait3A_137 = tpu.memref_squeeze %dma_wait3A_136 : memref<1x1x2x128xi32, #tpu.memory_space<hbm>> -> memref<2x128xi32, #tpu.memory_space<hbm>>
            %dma_wait3A_138 = arith.constant 0 : i32
            %dma_wait3A_139 = arith.constant 0 : i32
            %dma_wait3A_140 = tpu.memref_slice %arg4[%arg1, %add3A_101, %dma_wait3A_138, %dma_wait3A_139] : memref<16x158x2x128xi32, #tpu.memory_space<hbm>> -> memref<1x1x2x128xi32, #tpu.memory_space<hbm>>
            %dma_wait3A_141 = tpu.memref_squeeze %dma_wait3A_140 : memref<1x1x2x128xi32, #tpu.memory_space<hbm>> -> memref<2x128xi32, #tpu.memory_space<hbm>>
            tpu.wait_dma2 semaphore(%run_scoped3A_125 : memref<!tpu.dma_semaphore, #tpu.memory_space<semaphore_mem>>) src(%dma_wait3A_141 : memref<2x128xi32, #tpu.memory_space<hbm>>) dst(%arg9 : memref<2x128xi32, #tpu.memory_space<vmem>>)
            tpu.yield
          }) : () -> ()
          %dma_start3A_102 = arith.constant 0 : i32
          %dma_start3A_103 = arith.constant 0 : i32
          %dma_start3A_104 = tpu.memref_slice %arg9[%dma_start3A_102, %dma_start3A_103] : memref<2x128xi32, #tpu.memory_space<vmem>> -> memref<1x128xi32, #tpu.memory_space<vmem>>
          %dma_start3A_105 = tpu.memref_squeeze %dma_start3A_104 : memref<1x128xi32, #tpu.memory_space<vmem>> -> memref<128xi32, #tpu.memory_space<vmem>>
          %dma_start3A_106 = arith.constant 0 : i32
          %dma_start3A_107 = arith.constant 0 : i32
          %dma_start3A_108 = tpu.memref_slice %arg2[%dma_start3A_106, %dma_start3A_107] : memref<10000x128xf32, #tpu.memory_space<hbm>> -> memref<10000x128xf32, #tpu.memory_space<hbm>>
          tpu.enqueue_indirect_dma source(%dma_start3A_108 : memref<10000x128xf32, #tpu.memory_space<hbm>>) target(%arg11 : memref<128x128xf32, #tpu.memory_space<vmem>>) offsets(%dma_start3A_105 : memref<128xi32, #tpu.memory_space<vmem>>) semaphore(%arg13 : memref<!tpu.dma_semaphore, #tpu.memory_space<semaphore_mem>>)
          %dma_wait3A_109 = arith.constant 1 : i32
          %dma_wait3A_110 = arith.constant 0 : i32
          %dma_wait3A_111 = tpu.memref_slice %arg10[%dma_wait3A_109, %dma_wait3A_110] : memref<2x128xi32, #tpu.memory_space<vmem>> -> memref<1x128xi32, #tpu.memory_space<vmem>>
          %dma_wait3A_112 = tpu.memref_squeeze %dma_wait3A_111 : memref<1x128xi32, #tpu.memory_space<vmem>> -> memref<128xi32, #tpu.memory_space<vmem>>
          %dma_wait3A_113 = arith.constant 0 : i32
          %dma_wait3A_114 = arith.constant 0 : i32
          %dma_wait3A_115 = tpu.memref_slice %arg8[%dma_wait3A_113, %dma_wait3A_114] : memref<10008x128xf32, #tpu.memory_space<vmem_shared>> -> memref<10008x128xf32, #tpu.memory_space<vmem_shared>>
          tpu.wait_indirect_dma semaphore(%arg16 : memref<!tpu.dma_semaphore, #tpu.memory_space<semaphore_mem>>) src(%arg12 : memref<128x128xf32, #tpu.memory_space<vmem>>) dst(%dma_wait3A_115 : memref<10008x128xf32, #tpu.memory_space<vmem_shared>>)
          %add3A_116 = arith.constant 3 : i32
          %add3A_117 = arith.addi %mul3A_60, %add3A_116 : i32
          "tpu.region"() ({
            %run_scoped3A_125 = tpu.sem_alloc : memref<!tpu.dma_semaphore, #tpu.memory_space<semaphore_mem>>
            %dma_start3A_126 = arith.constant 0 : i32
            %dma_start3A_127 = arith.constant 0 : i32
            %dma_start3A_128 = tpu.memref_slice %arg4[%arg1, %add3A_117, %dma_start3A_126, %dma_start3A_127] : memref<16x158x2x128xi32, #tpu.memory_space<hbm>> -> memref<1x1x2x128xi32, #tpu.memory_space<hbm>>
            %dma_start3A_129 = tpu.memref_squeeze %dma_start3A_128 : memref<1x1x2x128xi32, #tpu.memory_space<hbm>> -> memref<2x128xi32, #tpu.memory_space<hbm>>
            %dma_start3A_130 = arith.constant 0 : i32
            %dma_start3A_131 = arith.constant 0 : i32
            %dma_start3A_132 = tpu.memref_slice %arg4[%arg1, %add3A_117, %dma_start3A_130, %dma_start3A_131] : memref<16x158x2x128xi32, #tpu.memory_space<hbm>> -> memref<1x1x2x128xi32, #tpu.memory_space<hbm>>
            %dma_start3A_133 = tpu.memref_squeeze %dma_start3A_132 : memref<1x1x2x128xi32, #tpu.memory_space<hbm>> -> memref<2x128xi32, #tpu.memory_space<hbm>>
            tpu.enqueue_dma source(%dma_start3A_133 : memref<2x128xi32, #tpu.memory_space<hbm>>) target(%arg10 : memref<2x128xi32, #tpu.memory_space<vmem>>) target_semaphore(%run_scoped3A_125 : memref<!tpu.dma_semaphore, #tpu.memory_space<semaphore_mem>>)
            %dma_wait3A_134 = arith.constant 0 : i32
            %dma_wait3A_135 = arith.constant 0 : i32
            %dma_wait3A_136 = tpu.memref_slice %arg4[%arg1, %add3A_117, %dma_wait3A_134, %dma_wait3A_135] : memref<16x158x2x128xi32, #tpu.memory_space<hbm>> -> memref<1x1x2x128xi32, #tpu.memory_space<hbm>>
            %dma_wait3A_137 = tpu.memref_squeeze %dma_wait3A_136 : memref<1x1x2x128xi32, #tpu.memory_space<hbm>> -> memref<2x128xi32, #tpu.memory_space<hbm>>
            %dma_wait3A_138 = arith.constant 0 : i32
            %dma_wait3A_139 = arith.constant 0 : i32
            %dma_wait3A_140 = tpu.memref_slice %arg4[%arg1, %add3A_117, %dma_wait3A_138, %dma_wait3A_139] : memref<16x158x2x128xi32, #tpu.memory_space<hbm>> -> memref<1x1x2x128xi32, #tpu.memory_space<hbm>>
            %dma_wait3A_141 = tpu.memref_squeeze %dma_wait3A_140 : memref<1x1x2x128xi32, #tpu.memory_space<hbm>> -> memref<2x128xi32, #tpu.memory_space<hbm>>
            tpu.wait_dma2 semaphore(%run_scoped3A_125 : memref<!tpu.dma_semaphore, #tpu.memory_space<semaphore_mem>>) src(%dma_wait3A_141 : memref<2x128xi32, #tpu.memory_space<hbm>>) dst(%arg10 : memref<2x128xi32, #tpu.memory_space<vmem>>)
            tpu.yield
          }) : () -> ()
          %dma_start3A_118 = arith.constant 0 : i32
          %dma_start3A_119 = arith.constant 0 : i32
          %dma_start3A_120 = tpu.memref_slice %arg10[%dma_start3A_118, %dma_start3A_119] : memref<2x128xi32, #tpu.memory_space<vmem>> -> memref<1x128xi32, #tpu.memory_space<vmem>>
          %dma_start3A_121 = tpu.memref_squeeze %dma_start3A_120 : memref<1x128xi32, #tpu.memory_space<vmem>> -> memref<128xi32, #tpu.memory_space<vmem>>
          %dma_start3A_122 = arith.constant 0 : i32
          %dma_start3A_123 = arith.constant 0 : i32
          %dma_start3A_124 = tpu.memref_slice %arg2[%dma_start3A_122, %dma_start3A_123] : memref<10000x128xf32, #tpu.memory_space<hbm>> -> memref<10000x128xf32, #tpu.memory_space<hbm>>
          tpu.enqueue_indirect_dma source(%dma_start3A_124 : memref<10000x128xf32, #tpu.memory_space<hbm>>) target(%arg12 : memref<128x128xf32, #tpu.memory_space<vmem>>) offsets(%dma_start3A_121 : memref<128xi32, #tpu.memory_space<vmem>>) semaphore(%arg14 : memref<!tpu.dma_semaphore, #tpu.memory_space<semaphore_mem>>)
        } else {
        }
      }
      %scan3A_45 = arith.constant 79 : i32
      %dma_wait3A = arith.constant 1 : i32
      %dma_wait3A_46 = arith.constant 0 : i32
      %dma_wait3A_47 = tpu.memref_slice %arg9[%dma_wait3A, %dma_wait3A_46] : memref<2x128xi32, #tpu.memory_space<vmem>> -> memref<1x128xi32, #tpu.memory_space<vmem>>
      %dma_wait3A_48 = tpu.memref_squeeze %dma_wait3A_47 : memref<1x128xi32, #tpu.memory_space<vmem>> -> memref<128xi32, #tpu.memory_space<vmem>>
      %dma_wait3A_49 = arith.constant 0 : i32
      %dma_wait3A_50 = arith.constant 0 : i32
      %dma_wait3A_51 = tpu.memref_slice %arg8[%dma_wait3A_49, %dma_wait3A_50] : memref<10008x128xf32, #tpu.memory_space<vmem_shared>> -> memref<10008x128xf32, #tpu.memory_space<vmem_shared>>
      tpu.wait_indirect_dma semaphore(%arg15 : memref<!tpu.dma_semaphore, #tpu.memory_space<semaphore_mem>>) src(%arg11 : memref<128x128xf32, #tpu.memory_space<vmem>>) dst(%dma_wait3A_51 : memref<10008x128xf32, #tpu.memory_space<vmem_shared>>)
      %dma_wait3A_52 = arith.constant 1 : i32
      %dma_wait3A_53 = arith.constant 0 : i32
      %dma_wait3A_54 = tpu.memref_slice %arg10[%dma_wait3A_52, %dma_wait3A_53] : memref<2x128xi32, #tpu.memory_space<vmem>> -> memref<1x128xi32, #tpu.memory_space<vmem>>
      %dma_wait3A_55 = tpu.memref_squeeze %dma_wait3A_54 : memref<1x128xi32, #tpu.memory_space<vmem>> -> memref<128xi32, #tpu.memory_space<vmem>>
      %dma_wait3A_56 = arith.constant 0 : i32
      %dma_wait3A_57 = arith.constant 0 : i32
      %dma_wait3A_58 = tpu.memref_slice %arg8[%dma_wait3A_56, %dma_wait3A_57] : memref<10008x128xf32, #tpu.memory_space<vmem_shared>> -> memref<10008x128xf32, #tpu.memory_space<vmem_shared>>
      tpu.wait_indirect_dma semaphore(%arg16 : memref<!tpu.dma_semaphore, #tpu.memory_space<semaphore_mem>>) src(%arg12 : memref<128x128xf32, #tpu.memory_space<vmem>>) dst(%dma_wait3A_58 : memref<10008x128xf32, #tpu.memory_space<vmem_shared>>)
    } else {
    }
    %eq3A_11 = arith.constant 1 : i32
    %eq3A_12 = arith.cmpi eq, %arg0, %eq3A_11 : i32
    %convert_element_type3A_13 = arith.extui %eq3A_12 : i1 to i32
    %cond3A_14 = arith.constant 0 : i32
    %cond3A_15 = arith.cmpi ne, %convert_element_type3A_13, %cond3A_14 : i32
    scf.if %cond3A_15 {
      %run_scoped3A = arith.constant 0 : i32
      "tpu.region"() ({
        %run_scoped3A_59 = tpu.sem_alloc : memref<!tpu.dma_semaphore, #tpu.memory_space<semaphore_mem>>
        %dma_start3A_60 = arith.constant 0 : i32
        %dma_start3A_61 = arith.constant 0 : i32
        %dma_start3A_62 = tpu.memref_slice %arg4[%arg1, %run_scoped3A, %dma_start3A_60, %dma_start3A_61] : memref<16x158x2x128xi32, #tpu.memory_space<hbm>> -> memref<1x1x2x128xi32, #tpu.memory_space<hbm>>
        %dma_start3A_63 = tpu.memref_squeeze %dma_start3A_62 : memref<1x1x2x128xi32, #tpu.memory_space<hbm>> -> memref<2x128xi32, #tpu.memory_space<hbm>>
        %dma_start3A_64 = arith.constant 0 : i32
        %dma_start3A_65 = arith.constant 0 : i32
        %dma_start3A_66 = tpu.memref_slice %arg4[%arg1, %run_scoped3A, %dma_start3A_64, %dma_start3A_65] : memref<16x158x2x128xi32, #tpu.memory_space<hbm>> -> memref<1x1x2x128xi32, #tpu.memory_space<hbm>>
        %dma_start3A_67 = tpu.memref_squeeze %dma_start3A_66 : memref<1x1x2x128xi32, #tpu.memory_space<hbm>> -> memref<2x128xi32, #tpu.memory_space<hbm>>
        tpu.enqueue_dma source(%dma_start3A_67 : memref<2x128xi32, #tpu.memory_space<hbm>>) target(%arg9 : memref<2x128xi32, #tpu.memory_space<vmem>>) target_semaphore(%run_scoped3A_59 : memref<!tpu.dma_semaphore, #tpu.memory_space<semaphore_mem>>)
        %dma_wait3A_68 = arith.constant 0 : i32
        %dma_wait3A_69 = arith.constant 0 : i32
        %dma_wait3A_70 = tpu.memref_slice %arg4[%arg1, %run_scoped3A, %dma_wait3A_68, %dma_wait3A_69] : memref<16x158x2x128xi32, #tpu.memory_space<hbm>> -> memref<1x1x2x128xi32, #tpu.memory_space<hbm>>
        %dma_wait3A_71 = tpu.memref_squeeze %dma_wait3A_70 : memref<1x1x2x128xi32, #tpu.memory_space<hbm>> -> memref<2x128xi32, #tpu.memory_space<hbm>>
        %dma_wait3A_72 = arith.constant 0 : i32
        %dma_wait3A_73 = arith.constant 0 : i32
        %dma_wait3A_74 = tpu.memref_slice %arg4[%arg1, %run_scoped3A, %dma_wait3A_72, %dma_wait3A_73] : memref<16x158x2x128xi32, #tpu.memory_space<hbm>> -> memref<1x1x2x128xi32, #tpu.memory_space<hbm>>
        %dma_wait3A_75 = tpu.memref_squeeze %dma_wait3A_74 : memref<1x1x2x128xi32, #tpu.memory_space<hbm>> -> memref<2x128xi32, #tpu.memory_space<hbm>>
        tpu.wait_dma2 semaphore(%run_scoped3A_59 : memref<!tpu.dma_semaphore, #tpu.memory_space<semaphore_mem>>) src(%dma_wait3A_75 : memref<2x128xi32, #tpu.memory_space<hbm>>) dst(%arg9 : memref<2x128xi32, #tpu.memory_space<vmem>>)
        tpu.yield
      }) : () -> ()
      %run_scoped3A_27 = arith.constant 1 : i32
      "tpu.region"() ({
        %run_scoped3A_59 = tpu.sem_alloc : memref<!tpu.dma_semaphore, #tpu.memory_space<semaphore_mem>>
        %dma_start3A_60 = arith.constant 0 : i32
        %dma_start3A_61 = arith.constant 0 : i32
        %dma_start3A_62 = tpu.memref_slice %arg4[%arg1, %run_scoped3A_27, %dma_start3A_60, %dma_start3A_61] : memref<16x158x2x128xi32, #tpu.memory_space<hbm>> -> memref<1x1x2x128xi32, #tpu.memory_space<hbm>>
        %dma_start3A_63 = tpu.memref_squeeze %dma_start3A_62 : memref<1x1x2x128xi32, #tpu.memory_space<hbm>> -> memref<2x128xi32, #tpu.memory_space<hbm>>
        %dma_start3A_64 = arith.constant 0 : i32
        %dma_start3A_65 = arith.constant 0 : i32
        %dma_start3A_66 = tpu.memref_slice %arg4[%arg1, %run_scoped3A_27, %dma_start3A_64, %dma_start3A_65] : memref<16x158x2x128xi32, #tpu.memory_space<hbm>> -> memref<1x1x2x128xi32, #tpu.memory_space<hbm>>
        %dma_start3A_67 = tpu.memref_squeeze %dma_start3A_66 : memref<1x1x2x128xi32, #tpu.memory_space<hbm>> -> memref<2x128xi32, #tpu.memory_space<hbm>>
        tpu.enqueue_dma source(%dma_start3A_67 : memref<2x128xi32, #tpu.memory_space<hbm>>) target(%arg10 : memref<2x128xi32, #tpu.memory_space<vmem>>) target_semaphore(%run_scoped3A_59 : memref<!tpu.dma_semaphore, #tpu.memory_space<semaphore_mem>>)
        %dma_wait3A_68 = arith.constant 0 : i32
        %dma_wait3A_69 = arith.constant 0 : i32
        %dma_wait3A_70 = tpu.memref_slice %arg4[%arg1, %run_scoped3A_27, %dma_wait3A_68, %dma_wait3A_69] : memref<16x158x2x128xi32, #tpu.memory_space<hbm>> -> memref<1x1x2x128xi32, #tpu.memory_space<hbm>>
        %dma_wait3A_71 = tpu.memref_squeeze %dma_wait3A_70 : memref<1x1x2x128xi32, #tpu.memory_space<hbm>> -> memref<2x128xi32, #tpu.memory_space<hbm>>
        %dma_wait3A_72 = arith.constant 0 : i32
        %dma_wait3A_73 = arith.constant 0 : i32
        %dma_wait3A_74 = tpu.memref_slice %arg4[%arg1, %run_scoped3A_27, %dma_wait3A_72, %dma_wait3A_73] : memref<16x158x2x128xi32, #tpu.memory_space<hbm>> -> memref<1x1x2x128xi32, #tpu.memory_space<hbm>>
        %dma_wait3A_75 = tpu.memref_squeeze %dma_wait3A_74 : memref<1x1x2x128xi32, #tpu.memory_space<hbm>> -> memref<2x128xi32, #tpu.memory_space<hbm>>
        tpu.wait_dma2 semaphore(%run_scoped3A_59 : memref<!tpu.dma_semaphore, #tpu.memory_space<semaphore_mem>>) src(%dma_wait3A_75 : memref<2x128xi32, #tpu.memory_space<hbm>>) dst(%arg10 : memref<2x128xi32, #tpu.memory_space<vmem>>)
        tpu.yield
      }) : () -> ()
      %dma_start3A = arith.constant 0 : i32
      %dma_start3A_28 = arith.constant 0 : i32
      %dma_start3A_29 = tpu.memref_slice %arg9[%dma_start3A, %dma_start3A_28] : memref<2x128xi32, #tpu.memory_space<vmem>> -> memref<1x128xi32, #tpu.memory_space<vmem>>
      %dma_start3A_30 = tpu.memref_squeeze %dma_start3A_29 : memref<1x128xi32, #tpu.memory_space<vmem>> -> memref<128xi32, #tpu.memory_space<vmem>>
      %dma_start3A_31 = arith.constant 0 : i32
      %dma_start3A_32 = arith.constant 0 : i32
      %dma_start3A_33 = tpu.memref_slice %arg3[%dma_start3A_31, %dma_start3A_32] : memref<10000x128xf32, #tpu.memory_space<hbm>> -> memref<10000x128xf32, #tpu.memory_space<hbm>>
      tpu.enqueue_indirect_dma source(%dma_start3A_33 : memref<10000x128xf32, #tpu.memory_space<hbm>>) target(%arg11 : memref<128x128xf32, #tpu.memory_space<vmem>>) offsets(%dma_start3A_30 : memref<128xi32, #tpu.memory_space<vmem>>) semaphore(%arg13 : memref<!tpu.dma_semaphore, #tpu.memory_space<semaphore_mem>>)
      %dma_start3A_34 = arith.constant 0 : i32
      %dma_start3A_35 = arith.constant 0 : i32
      %dma_start3A_36 = tpu.memref_slice %arg10[%dma_start3A_34, %dma_start3A_35] : memref<2x128xi32, #tpu.memory_space<vmem>> -> memref<1x128xi32, #tpu.memory_space<vmem>>
      %dma_start3A_37 = tpu.memref_squeeze %dma_start3A_36 : memref<1x128xi32, #tpu.memory_space<vmem>> -> memref<128xi32, #tpu.memory_space<vmem>>
      %dma_start3A_38 = arith.constant 0 : i32
      %dma_start3A_39 = arith.constant 0 : i32
      %dma_start3A_40 = tpu.memref_slice %arg3[%dma_start3A_38, %dma_start3A_39] : memref<10000x128xf32, #tpu.memory_space<hbm>> -> memref<10000x128xf32, #tpu.memory_space<hbm>>
      tpu.enqueue_indirect_dma source(%dma_start3A_40 : memref<10000x128xf32, #tpu.memory_space<hbm>>) target(%arg12 : memref<128x128xf32, #tpu.memory_space<vmem>>) offsets(%dma_start3A_37 : memref<128xi32, #tpu.memory_space<vmem>>) semaphore(%arg14 : memref<!tpu.dma_semaphore, #tpu.memory_space<semaphore_mem>>)
      %scan3A = arith.constant 0 : i32
      %scan3A_41 = arith.constant 0 : i32
      %scan3A_42 = arith.constant 79 : i32
      %scan3A_43 = arith.addi %scan3A_41, %scan3A_42 : i32
      %scan3A_44 = arith.constant 1 : i32
      scf.for %scan3A_59 = %scan3A_41 to %scan3A_43 step %scan3A_44  : i32 {
        %mul3A = arith.constant 2 : i32
        %mul3A_60 = arith.muli %mul3A, %scan3A_59 : i32
        %dma_wait3A_61 = arith.constant 0 : i32
        %dma_wait3A_62 = arith.constant 0 : i32
        %dma_wait3A_63 = tpu.memref_slice %arg9[%dma_wait3A_61, %dma_wait3A_62] : memref<2x128xi32, #tpu.memory_space<vmem>> -> memref<1x128xi32, #tpu.memory_space<vmem>>
        %dma_wait3A_64 = tpu.memref_squeeze %dma_wait3A_63 : memref<1x128xi32, #tpu.memory_space<vmem>> -> memref<128xi32, #tpu.memory_space<vmem>>
        %dma_wait3A_65 = arith.constant 0 : i32
        %dma_wait3A_66 = arith.constant 0 : i32
        %dma_wait3A_67 = tpu.memref_slice %arg3[%dma_wait3A_65, %dma_wait3A_66] : memref<10000x128xf32, #tpu.memory_space<hbm>> -> memref<10000x128xf32, #tpu.memory_space<hbm>>
        tpu.wait_indirect_dma semaphore(%arg13 : memref<!tpu.dma_semaphore, #tpu.memory_space<semaphore_mem>>) src(%dma_wait3A_67 : memref<10000x128xf32, #tpu.memory_space<hbm>>) dst(%arg11 : memref<128x128xf32, #tpu.memory_space<vmem>>)
        %dma_start3A_68 = arith.constant 1 : i32
        %dma_start3A_69 = arith.constant 0 : i32
        %dma_start3A_70 = tpu.memref_slice %arg9[%dma_start3A_68, %dma_start3A_69] : memref<2x128xi32, #tpu.memory_space<vmem>> -> memref<1x128xi32, #tpu.memory_space<vmem>>
        %dma_start3A_71 = tpu.memref_squeeze %dma_start3A_70 : memref<1x128xi32, #tpu.memory_space<vmem>> -> memref<128xi32, #tpu.memory_space<vmem>>
        %dma_start3A_72 = arith.constant 0 : i32
        %dma_start3A_73 = arith.constant 0 : i32
        %dma_start3A_74 = tpu.memref_slice %arg8[%dma_start3A_72, %dma_start3A_73] : memref<10008x128xf32, #tpu.memory_space<vmem_shared>> -> memref<10008x128xf32, #tpu.memory_space<vmem_shared>>
        tpu.enqueue_indirect_dma source(%arg11 : memref<128x128xf32, #tpu.memory_space<vmem>>) target(%dma_start3A_74 : memref<10008x128xf32, #tpu.memory_space<vmem_shared>>) offsets(%dma_start3A_71 : memref<128xi32, #tpu.memory_space<vmem>>) semaphore(%arg15 : memref<!tpu.dma_semaphore, #tpu.memory_space<semaphore_mem>>) {add = true}
        %dma_wait3A_75 = arith.constant 0 : i32
        %dma_wait3A_76 = arith.constant 0 : i32
        %dma_wait3A_77 = tpu.memref_slice %arg10[%dma_wait3A_75, %dma_wait3A_76] : memref<2x128xi32, #tpu.memory_space<vmem>> -> memref<1x128xi32, #tpu.memory_space<vmem>>
        %dma_wait3A_78 = tpu.memref_squeeze %dma_wait3A_77 : memref<1x128xi32, #tpu.memory_space<vmem>> -> memref<128xi32, #tpu.memory_space<vmem>>
        %dma_wait3A_79 = arith.constant 0 : i32
        %dma_wait3A_80 = arith.constant 0 : i32
        %dma_wait3A_81 = tpu.memref_slice %arg3[%dma_wait3A_79, %dma_wait3A_80] : memref<10000x128xf32, #tpu.memory_space<hbm>> -> memref<10000x128xf32, #tpu.memory_space<hbm>>
        tpu.wait_indirect_dma semaphore(%arg14 : memref<!tpu.dma_semaphore, #tpu.memory_space<semaphore_mem>>) src(%dma_wait3A_81 : memref<10000x128xf32, #tpu.memory_space<hbm>>) dst(%arg12 : memref<128x128xf32, #tpu.memory_space<vmem>>)
        %dma_start3A_82 = arith.constant 1 : i32
        %dma_start3A_83 = arith.constant 0 : i32
        %dma_start3A_84 = tpu.memref_slice %arg10[%dma_start3A_82, %dma_start3A_83] : memref<2x128xi32, #tpu.memory_space<vmem>> -> memref<1x128xi32, #tpu.memory_space<vmem>>
        %dma_start3A_85 = tpu.memref_squeeze %dma_start3A_84 : memref<1x128xi32, #tpu.memory_space<vmem>> -> memref<128xi32, #tpu.memory_space<vmem>>
        %dma_start3A_86 = arith.constant 0 : i32
        %dma_start3A_87 = arith.constant 0 : i32
        %dma_start3A_88 = tpu.memref_slice %arg8[%dma_start3A_86, %dma_start3A_87] : memref<10008x128xf32, #tpu.memory_space<vmem_shared>> -> memref<10008x128xf32, #tpu.memory_space<vmem_shared>>
        tpu.enqueue_indirect_dma source(%arg12 : memref<128x128xf32, #tpu.memory_space<vmem>>) target(%dma_start3A_88 : memref<10008x128xf32, #tpu.memory_space<vmem_shared>>) offsets(%dma_start3A_85 : memref<128xi32, #tpu.memory_space<vmem>>) semaphore(%arg16 : memref<!tpu.dma_semaphore, #tpu.memory_space<semaphore_mem>>) {add = true}
        %lt3A_89 = arith.constant 78 : i32
        %lt3A_90 = arith.cmpi slt, %scan3A_59, %lt3A_89 : i32
        %convert_element_type3A_91 = arith.extui %lt3A_90 : i1 to i32
        %cond3A_92 = arith.constant 0 : i32
        %cond3A_93 = arith.cmpi ne, %convert_element_type3A_91, %cond3A_92 : i32
        scf.if %cond3A_93 {
          %dma_wait3A_94 = arith.constant 1 : i32
          %dma_wait3A_95 = arith.constant 0 : i32
          %dma_wait3A_96 = tpu.memref_slice %arg9[%dma_wait3A_94, %dma_wait3A_95] : memref<2x128xi32, #tpu.memory_space<vmem>> -> memref<1x128xi32, #tpu.memory_space<vmem>>
          %dma_wait3A_97 = tpu.memref_squeeze %dma_wait3A_96 : memref<1x128xi32, #tpu.memory_space<vmem>> -> memref<128xi32, #tpu.memory_space<vmem>>
          %dma_wait3A_98 = arith.constant 0 : i32
          %dma_wait3A_99 = arith.constant 0 : i32
          %dma_wait3A_100 = tpu.memref_slice %arg8[%dma_wait3A_98, %dma_wait3A_99] : memref<10008x128xf32, #tpu.memory_space<vmem_shared>> -> memref<10008x128xf32, #tpu.memory_space<vmem_shared>>
          tpu.wait_indirect_dma semaphore(%arg15 : memref<!tpu.dma_semaphore, #tpu.memory_space<semaphore_mem>>) src(%arg11 : memref<128x128xf32, #tpu.memory_space<vmem>>) dst(%dma_wait3A_100 : memref<10008x128xf32, #tpu.memory_space<vmem_shared>>)
          %add3A = arith.constant 2 : i32
          %add3A_101 = arith.addi %mul3A_60, %add3A : i32
          "tpu.region"() ({
            %run_scoped3A_125 = tpu.sem_alloc : memref<!tpu.dma_semaphore, #tpu.memory_space<semaphore_mem>>
            %dma_start3A_126 = arith.constant 0 : i32
            %dma_start3A_127 = arith.constant 0 : i32
            %dma_start3A_128 = tpu.memref_slice %arg4[%arg1, %add3A_101, %dma_start3A_126, %dma_start3A_127] : memref<16x158x2x128xi32, #tpu.memory_space<hbm>> -> memref<1x1x2x128xi32, #tpu.memory_space<hbm>>
            %dma_start3A_129 = tpu.memref_squeeze %dma_start3A_128 : memref<1x1x2x128xi32, #tpu.memory_space<hbm>> -> memref<2x128xi32, #tpu.memory_space<hbm>>
            %dma_start3A_130 = arith.constant 0 : i32
            %dma_start3A_131 = arith.constant 0 : i32
            %dma_start3A_132 = tpu.memref_slice %arg4[%arg1, %add3A_101, %dma_start3A_130, %dma_start3A_131] : memref<16x158x2x128xi32, #tpu.memory_space<hbm>> -> memref<1x1x2x128xi32, #tpu.memory_space<hbm>>
            %dma_start3A_133 = tpu.memref_squeeze %dma_start3A_132 : memref<1x1x2x128xi32, #tpu.memory_space<hbm>> -> memref<2x128xi32, #tpu.memory_space<hbm>>
            tpu.enqueue_dma source(%dma_start3A_133 : memref<2x128xi32, #tpu.memory_space<hbm>>) target(%arg9 : memref<2x128xi32, #tpu.memory_space<vmem>>) target_semaphore(%run_scoped3A_125 : memref<!tpu.dma_semaphore, #tpu.memory_space<semaphore_mem>>)
            %dma_wait3A_134 = arith.constant 0 : i32
            %dma_wait3A_135 = arith.constant 0 : i32
            %dma_wait3A_136 = tpu.memref_slice %arg4[%arg1, %add3A_101, %dma_wait3A_134, %dma_wait3A_135] : memref<16x158x2x128xi32, #tpu.memory_space<hbm>> -> memref<1x1x2x128xi32, #tpu.memory_space<hbm>>
            %dma_wait3A_137 = tpu.memref_squeeze %dma_wait3A_136 : memref<1x1x2x128xi32, #tpu.memory_space<hbm>> -> memref<2x128xi32, #tpu.memory_space<hbm>>
            %dma_wait3A_138 = arith.constant 0 : i32
            %dma_wait3A_139 = arith.constant 0 : i32
            %dma_wait3A_140 = tpu.memref_slice %arg4[%arg1, %add3A_101, %dma_wait3A_138, %dma_wait3A_139] : memref<16x158x2x128xi32, #tpu.memory_space<hbm>> -> memref<1x1x2x128xi32, #tpu.memory_space<hbm>>
            %dma_wait3A_141 = tpu.memref_squeeze %dma_wait3A_140 : memref<1x1x2x128xi32, #tpu.memory_space<hbm>> -> memref<2x128xi32, #tpu.memory_space<hbm>>
            tpu.wait_dma2 semaphore(%run_scoped3A_125 : memref<!tpu.dma_semaphore, #tpu.memory_space<semaphore_mem>>) src(%dma_wait3A_141 : memref<2x128xi32, #tpu.memory_space<hbm>>) dst(%arg9 : memref<2x128xi32, #tpu.memory_space<vmem>>)
            tpu.yield
          }) : () -> ()
          %dma_start3A_102 = arith.constant 0 : i32
          %dma_start3A_103 = arith.constant 0 : i32
          %dma_start3A_104 = tpu.memref_slice %arg9[%dma_start3A_102, %dma_start3A_103] : memref<2x128xi32, #tpu.memory_space<vmem>> -> memref<1x128xi32, #tpu.memory_space<vmem>>
          %dma_start3A_105 = tpu.memref_squeeze %dma_start3A_104 : memref<1x128xi32, #tpu.memory_space<vmem>> -> memref<128xi32, #tpu.memory_space<vmem>>
          %dma_start3A_106 = arith.constant 0 : i32
          %dma_start3A_107 = arith.constant 0 : i32
          %dma_start3A_108 = tpu.memref_slice %arg3[%dma_start3A_106, %dma_start3A_107] : memref<10000x128xf32, #tpu.memory_space<hbm>> -> memref<10000x128xf32, #tpu.memory_space<hbm>>
          tpu.enqueue_indirect_dma source(%dma_start3A_108 : memref<10000x128xf32, #tpu.memory_space<hbm>>) target(%arg11 : memref<128x128xf32, #tpu.memory_space<vmem>>) offsets(%dma_start3A_105 : memref<128xi32, #tpu.memory_space<vmem>>) semaphore(%arg13 : memref<!tpu.dma_semaphore, #tpu.memory_space<semaphore_mem>>)
          %dma_wait3A_109 = arith.constant 1 : i32
          %dma_wait3A_110 = arith.constant 0 : i32
          %dma_wait3A_111 = tpu.memref_slice %arg10[%dma_wait3A_109, %dma_wait3A_110] : memref<2x128xi32, #tpu.memory_space<vmem>> -> memref<1x128xi32, #tpu.memory_space<vmem>>
          %dma_wait3A_112 = tpu.memref_squeeze %dma_wait3A_111 : memref<1x128xi32, #tpu.memory_space<vmem>> -> memref<128xi32, #tpu.memory_space<vmem>>
          %dma_wait3A_113 = arith.constant 0 : i32
          %dma_wait3A_114 = arith.constant 0 : i32
          %dma_wait3A_115 = tpu.memref_slice %arg8[%dma_wait3A_113, %dma_wait3A_114] : memref<10008x128xf32, #tpu.memory_space<vmem_shared>> -> memref<10008x128xf32, #tpu.memory_space<vmem_shared>>
          tpu.wait_indirect_dma semaphore(%arg16 : memref<!tpu.dma_semaphore, #tpu.memory_space<semaphore_mem>>) src(%arg12 : memref<128x128xf32, #tpu.memory_space<vmem>>) dst(%dma_wait3A_115 : memref<10008x128xf32, #tpu.memory_space<vmem_shared>>)
          %add3A_116 = arith.constant 3 : i32
          %add3A_117 = arith.addi %mul3A_60, %add3A_116 : i32
          "tpu.region"() ({
            %run_scoped3A_125 = tpu.sem_alloc : memref<!tpu.dma_semaphore, #tpu.memory_space<semaphore_mem>>
            %dma_start3A_126 = arith.constant 0 : i32
            %dma_start3A_127 = arith.constant 0 : i32
            %dma_start3A_128 = tpu.memref_slice %arg4[%arg1, %add3A_117, %dma_start3A_126, %dma_start3A_127] : memref<16x158x2x128xi32, #tpu.memory_space<hbm>> -> memref<1x1x2x128xi32, #tpu.memory_space<hbm>>
            %dma_start3A_129 = tpu.memref_squeeze %dma_start3A_128 : memref<1x1x2x128xi32, #tpu.memory_space<hbm>> -> memref<2x128xi32, #tpu.memory_space<hbm>>
            %dma_start3A_130 = arith.constant 0 : i32
            %dma_start3A_131 = arith.constant 0 : i32
            %dma_start3A_132 = tpu.memref_slice %arg4[%arg1, %add3A_117, %dma_start3A_130, %dma_start3A_131] : memref<16x158x2x128xi32, #tpu.memory_space<hbm>> -> memref<1x1x2x128xi32, #tpu.memory_space<hbm>>
            %dma_start3A_133 = tpu.memref_squeeze %dma_start3A_132 : memref<1x1x2x128xi32, #tpu.memory_space<hbm>> -> memref<2x128xi32, #tpu.memory_space<hbm>>
            tpu.enqueue_dma source(%dma_start3A_133 : memref<2x128xi32, #tpu.memory_space<hbm>>) target(%arg10 : memref<2x128xi32, #tpu.memory_space<vmem>>) target_semaphore(%run_scoped3A_125 : memref<!tpu.dma_semaphore, #tpu.memory_space<semaphore_mem>>)
            %dma_wait3A_134 = arith.constant 0 : i32
            %dma_wait3A_135 = arith.constant 0 : i32
            %dma_wait3A_136 = tpu.memref_slice %arg4[%arg1, %add3A_117, %dma_wait3A_134, %dma_wait3A_135] : memref<16x158x2x128xi32, #tpu.memory_space<hbm>> -> memref<1x1x2x128xi32, #tpu.memory_space<hbm>>
            %dma_wait3A_137 = tpu.memref_squeeze %dma_wait3A_136 : memref<1x1x2x128xi32, #tpu.memory_space<hbm>> -> memref<2x128xi32, #tpu.memory_space<hbm>>
            %dma_wait3A_138 = arith.constant 0 : i32
            %dma_wait3A_139 = arith.constant 0 : i32
            %dma_wait3A_140 = tpu.memref_slice %arg4[%arg1, %add3A_117, %dma_wait3A_138, %dma_wait3A_139] : memref<16x158x2x128xi32, #tpu.memory_space<hbm>> -> memref<1x1x2x128xi32, #tpu.memory_space<hbm>>
            %dma_wait3A_141 = tpu.memref_squeeze %dma_wait3A_140 : memref<1x1x2x128xi32, #tpu.memory_space<hbm>> -> memref<2x128xi32, #tpu.memory_space<hbm>>
            tpu.wait_dma2 semaphore(%run_scoped3A_125 : memref<!tpu.dma_semaphore, #tpu.memory_space<semaphore_mem>>) src(%dma_wait3A_141 : memref<2x128xi32, #tpu.memory_space<hbm>>) dst(%arg10 : memref<2x128xi32, #tpu.memory_space<vmem>>)
            tpu.yield
          }) : () -> ()
          %dma_start3A_118 = arith.constant 0 : i32
          %dma_start3A_119 = arith.constant 0 : i32
          %dma_start3A_120 = tpu.memref_slice %arg10[%dma_start3A_118, %dma_start3A_119] : memref<2x128xi32, #tpu.memory_space<vmem>> -> memref<1x128xi32, #tpu.memory_space<vmem>>
          %dma_start3A_121 = tpu.memref_squeeze %dma_start3A_120 : memref<1x128xi32, #tpu.memory_space<vmem>> -> memref<128xi32, #tpu.memory_space<vmem>>
          %dma_start3A_122 = arith.constant 0 : i32
          %dma_start3A_123 = arith.constant 0 : i32
          %dma_start3A_124 = tpu.memref_slice %arg3[%dma_start3A_122, %dma_start3A_123] : memref<10000x128xf32, #tpu.memory_space<hbm>> -> memref<10000x128xf32, #tpu.memory_space<hbm>>
          tpu.enqueue_indirect_dma source(%dma_start3A_124 : memref<10000x128xf32, #tpu.memory_space<hbm>>) target(%arg12 : memref<128x128xf32, #tpu.memory_space<vmem>>) offsets(%dma_start3A_121 : memref<128xi32, #tpu.memory_space<vmem>>) semaphore(%arg14 : memref<!tpu.dma_semaphore, #tpu.memory_space<semaphore_mem>>)
        } else {
        }
      }
      %scan3A_45 = arith.constant 79 : i32
      %dma_wait3A = arith.constant 1 : i32
      %dma_wait3A_46 = arith.constant 0 : i32
      %dma_wait3A_47 = tpu.memref_slice %arg9[%dma_wait3A, %dma_wait3A_46] : memref<2x128xi32, #tpu.memory_space<vmem>> -> memref<1x128xi32, #tpu.memory_space<vmem>>
      %dma_wait3A_48 = tpu.memref_squeeze %dma_wait3A_47 : memref<1x128xi32, #tpu.memory_space<vmem>> -> memref<128xi32, #tpu.memory_space<vmem>>
      %dma_wait3A_49 = arith.constant 0 : i32
      %dma_wait3A_50 = arith.constant 0 : i32
      %dma_wait3A_51 = tpu.memref_slice %arg8[%dma_wait3A_49, %dma_wait3A_50] : memref<10008x128xf32, #tpu.memory_space<vmem_shared>> -> memref<10008x128xf32, #tpu.memory_space<vmem_shared>>
      tpu.wait_indirect_dma semaphore(%arg15 : memref<!tpu.dma_semaphore, #tpu.memory_space<semaphore_mem>>) src(%arg11 : memref<128x128xf32, #tpu.memory_space<vmem>>) dst(%dma_wait3A_51 : memref<10008x128xf32, #tpu.memory_space<vmem_shared>>)
      %dma_wait3A_52 = arith.constant 1 : i32
      %dma_wait3A_53 = arith.constant 0 : i32
      %dma_wait3A_54 = tpu.memref_slice %arg10[%dma_wait3A_52, %dma_wait3A_53] : memref<2x128xi32, #tpu.memory_space<vmem>> -> memref<1x128xi32, #tpu.memory_space<vmem>>
      %dma_wait3A_55 = tpu.memref_squeeze %dma_wait3A_54 : memref<1x128xi32, #tpu.memory_space<vmem>> -> memref<128xi32, #tpu.memory_space<vmem>>
      %dma_wait3A_56 = arith.constant 0 : i32
      %dma_wait3A_57 = arith.constant 0 : i32
      %dma_wait3A_58 = tpu.memref_slice %arg8[%dma_wait3A_56, %dma_wait3A_57] : memref<10008x128xf32, #tpu.memory_space<vmem_shared>> -> memref<10008x128xf32, #tpu.memory_space<vmem_shared>>
      tpu.wait_indirect_dma semaphore(%arg16 : memref<!tpu.dma_semaphore, #tpu.memory_space<semaphore_mem>>) src(%arg12 : memref<128x128xf32, #tpu.memory_space<vmem>>) dst(%dma_wait3A_58 : memref<10008x128xf32, #tpu.memory_space<vmem_shared>>)
    } else {
    }
    %barrier3A_16 = arith.constant 0 : index
    tpu.barrier barrier_id(%barrier3A_16)
    %eq3A_17 = arith.constant 0 : i32
    %eq3A_18 = arith.cmpi eq, %arg0, %eq3A_17 : i32
    %convert_element_type3A_19 = arith.extui %eq3A_18 : i1 to i32
    %cond3A_20 = arith.constant 0 : i32
    %cond3A_21 = arith.cmpi ne, %convert_element_type3A_19, %cond3A_20 : i32
    scf.if %cond3A_21 {
      %lt3A_27 = arith.constant 15 : i32
      %lt3A_28 = arith.cmpi slt, %arg1, %lt3A_27 : i32
      %convert_element_type3A_29 = arith.extui %lt3A_28 : i1 to i32
      %cond3A_30 = arith.constant 0 : i32
      %cond3A_31 = arith.cmpi ne, %convert_element_type3A_29, %cond3A_30 : i32
      scf.if %cond3A_31 {
        %mul3A = arith.constant 624 : i32
        %mul3A_37 = arith.muli %arg1, %mul3A : i32
        %multiple_of3A = tpu.assume_multiple %mul3A_37, 8 : i32
        "tpu.region"() ({
          %run_scoped3A = tpu.sem_alloc : memref<!tpu.dma_semaphore, #tpu.memory_space<semaphore_mem>>
          %dma_start3A = arith.constant 0 : i32
          %dma_start3A_38 = tpu.memref_slice %arg6[%multiple_of3A, %dma_start3A] : memref<10000x128xf32, #tpu.memory_space<hbm>> -> memref<624x128xf32, #tpu.memory_space<hbm>>
          %dma_start3A_39 = arith.constant 0 : i32
          %dma_start3A_40 = tpu.memref_slice %arg8[%multiple_of3A, %dma_start3A_39] : memref<10008x128xf32, #tpu.memory_space<vmem_shared>> -> memref<624x128xf32, #tpu.memory_space<vmem_shared>>
          tpu.enqueue_dma source(%dma_start3A_40 : memref<624x128xf32, #tpu.memory_space<vmem_shared>>) target(%dma_start3A_38 : memref<624x128xf32, #tpu.memory_space<hbm>>) target_semaphore(%run_scoped3A : memref<!tpu.dma_semaphore, #tpu.memory_space<semaphore_mem>>)
          %dma_wait3A = arith.constant 0 : i32
          %dma_wait3A_41 = tpu.memref_slice %arg6[%multiple_of3A, %dma_wait3A] : memref<10000x128xf32, #tpu.memory_space<hbm>> -> memref<624x128xf32, #tpu.memory_space<hbm>>
          %dma_wait3A_42 = arith.constant 0 : i32
          %dma_wait3A_43 = tpu.memref_slice %arg8[%multiple_of3A, %dma_wait3A_42] : memref<10008x128xf32, #tpu.memory_space<vmem_shared>> -> memref<624x128xf32, #tpu.memory_space<vmem_shared>>
          tpu.wait_dma2 semaphore(%run_scoped3A : memref<!tpu.dma_semaphore, #tpu.memory_space<semaphore_mem>>) src(%dma_wait3A_43 : memref<624x128xf32, #tpu.memory_space<vmem_shared>>) dst(%dma_wait3A_41 : memref<624x128xf32, #tpu.memory_space<hbm>>)
          tpu.yield
        }) : () -> ()
      } else {
      }
      %eq3A_32 = arith.constant 15 : i32
      %eq3A_33 = arith.cmpi eq, %arg1, %eq3A_32 : i32
      %convert_element_type3A_34 = arith.extui %eq3A_33 : i1 to i32
      %cond3A_35 = arith.constant 0 : i32
      %cond3A_36 = arith.cmpi ne, %convert_element_type3A_34, %cond3A_35 : i32
      scf.if %cond3A_36 {
        "tpu.region"() ({
          %run_scoped3A = tpu.sem_alloc : memref<!tpu.dma_semaphore, #tpu.memory_space<semaphore_mem>>
          %dma_start3A = arith.constant 9360 : i32
          %dma_start3A_37 = arith.constant 0 : i32
          %dma_start3A_38 = tpu.memref_slice %arg6[%dma_start3A, %dma_start3A_37] : memref<10000x128xf32, #tpu.memory_space<hbm>> -> memref<640x128xf32, #tpu.memory_space<hbm>>
          %dma_start3A_39 = arith.constant 9360 : i32
          %dma_start3A_40 = arith.constant 0 : i32
          %dma_start3A_41 = tpu.memref_slice %arg8[%dma_start3A_39, %dma_start3A_40] : memref<10008x128xf32, #tpu.memory_space<vmem_shared>> -> memref<640x128xf32, #tpu.memory_space<vmem_shared>>
          tpu.enqueue_dma source(%dma_start3A_41 : memref<640x128xf32, #tpu.memory_space<vmem_shared>>) target(%dma_start3A_38 : memref<640x128xf32, #tpu.memory_space<hbm>>) target_semaphore(%run_scoped3A : memref<!tpu.dma_semaphore, #tpu.memory_space<semaphore_mem>>)
          %dma_wait3A = arith.constant 9360 : i32
          %dma_wait3A_42 = arith.constant 0 : i32
          %dma_wait3A_43 = tpu.memref_slice %arg6[%dma_wait3A, %dma_wait3A_42] : memref<10000x128xf32, #tpu.memory_space<hbm>> -> memref<640x128xf32, #tpu.memory_space<hbm>>
          %dma_wait3A_44 = arith.constant 9360 : i32
          %dma_wait3A_45 = arith.constant 0 : i32
          %dma_wait3A_46 = tpu.memref_slice %arg8[%dma_wait3A_44, %dma_wait3A_45] : memref<10008x128xf32, #tpu.memory_space<vmem_shared>> -> memref<640x128xf32, #tpu.memory_space<vmem_shared>>
          tpu.wait_dma2 semaphore(%run_scoped3A : memref<!tpu.dma_semaphore, #tpu.memory_space<semaphore_mem>>) src(%dma_wait3A_46 : memref<640x128xf32, #tpu.memory_space<vmem_shared>>) dst(%dma_wait3A_43 : memref<640x128xf32, #tpu.memory_space<hbm>>)
          tpu.yield
        }) : () -> ()
      } else {
      }
    } else {
    }
    %eq3A_22 = arith.constant 1 : i32
    %eq3A_23 = arith.cmpi eq, %arg0, %eq3A_22 : i32
    %convert_element_type3A_24 = arith.extui %eq3A_23 : i1 to i32
    %cond3A_25 = arith.constant 0 : i32
    %cond3A_26 = arith.cmpi ne, %convert_element_type3A_24, %cond3A_25 : i32
    scf.if %cond3A_26 {
      %lt3A_27 = arith.constant 15 : i32
      %lt3A_28 = arith.cmpi slt, %arg1, %lt3A_27 : i32
      %convert_element_type3A_29 = arith.extui %lt3A_28 : i1 to i32
      %cond3A_30 = arith.constant 0 : i32
      %cond3A_31 = arith.cmpi ne, %convert_element_type3A_29, %cond3A_30 : i32
      scf.if %cond3A_31 {
        %mul3A = arith.constant 624 : i32
        %mul3A_37 = arith.muli %arg1, %mul3A : i32
        %multiple_of3A = tpu.assume_multiple %mul3A_37, 8 : i32
        "tpu.region"() ({
          %run_scoped3A = tpu.sem_alloc : memref<!tpu.dma_semaphore, #tpu.memory_space<semaphore_mem>>
          %dma_start3A = arith.constant 0 : i32
          %dma_start3A_38 = tpu.memref_slice %arg7[%multiple_of3A, %dma_start3A] : memref<10000x128xf32, #tpu.memory_space<hbm>> -> memref<624x128xf32, #tpu.memory_space<hbm>>
          %dma_start3A_39 = arith.constant 0 : i32
          %dma_start3A_40 = tpu.memref_slice %arg8[%multiple_of3A, %dma_start3A_39] : memref<10008x128xf32, #tpu.memory_space<vmem_shared>> -> memref<624x128xf32, #tpu.memory_space<vmem_shared>>
          tpu.enqueue_dma source(%dma_start3A_40 : memref<624x128xf32, #tpu.memory_space<vmem_shared>>) target(%dma_start3A_38 : memref<624x128xf32, #tpu.memory_space<hbm>>) target_semaphore(%run_scoped3A : memref<!tpu.dma_semaphore, #tpu.memory_space<semaphore_mem>>)
          %dma_wait3A = arith.constant 0 : i32
          %dma_wait3A_41 = tpu.memref_slice %arg7[%multiple_of3A, %dma_wait3A] : memref<10000x128xf32, #tpu.memory_space<hbm>> -> memref<624x128xf32, #tpu.memory_space<hbm>>
          %dma_wait3A_42 = arith.constant 0 : i32
          %dma_wait3A_43 = tpu.memref_slice %arg8[%multiple_of3A, %dma_wait3A_42] : memref<10008x128xf32, #tpu.memory_space<vmem_shared>> -> memref<624x128xf32, #tpu.memory_space<vmem_shared>>
          tpu.wait_dma2 semaphore(%run_scoped3A : memref<!tpu.dma_semaphore, #tpu.memory_space<semaphore_mem>>) src(%dma_wait3A_43 : memref<624x128xf32, #tpu.memory_space<vmem_shared>>) dst(%dma_wait3A_41 : memref<624x128xf32, #tpu.memory_space<hbm>>)
          tpu.yield
        }) : () -> ()
      } else {
      }
      %eq3A_32 = arith.constant 15 : i32
      %eq3A_33 = arith.cmpi eq, %arg1, %eq3A_32 : i32
      %convert_element_type3A_34 = arith.extui %eq3A_33 : i1 to i32
      %cond3A_35 = arith.constant 0 : i32
      %cond3A_36 = arith.cmpi ne, %convert_element_type3A_34, %cond3A_35 : i32
      scf.if %cond3A_36 {
        "tpu.region"() ({
          %run_scoped3A = tpu.sem_alloc : memref<!tpu.dma_semaphore, #tpu.memory_space<semaphore_mem>>
          %dma_start3A = arith.constant 9360 : i32
          %dma_start3A_37 = arith.constant 0 : i32
          %dma_start3A_38 = tpu.memref_slice %arg7[%dma_start3A, %dma_start3A_37] : memref<10000x128xf32, #tpu.memory_space<hbm>> -> memref<640x128xf32, #tpu.memory_space<hbm>>
          %dma_start3A_39 = arith.constant 9360 : i32
          %dma_start3A_40 = arith.constant 0 : i32
          %dma_start3A_41 = tpu.memref_slice %arg8[%dma_start3A_39, %dma_start3A_40] : memref<10008x128xf32, #tpu.memory_space<vmem_shared>> -> memref<640x128xf32, #tpu.memory_space<vmem_shared>>
          tpu.enqueue_dma source(%dma_start3A_41 : memref<640x128xf32, #tpu.memory_space<vmem_shared>>) target(%dma_start3A_38 : memref<640x128xf32, #tpu.memory_space<hbm>>) target_semaphore(%run_scoped3A : memref<!tpu.dma_semaphore, #tpu.memory_space<semaphore_mem>>)
          %dma_wait3A = arith.constant 9360 : i32
          %dma_wait3A_42 = arith.constant 0 : i32
          %dma_wait3A_43 = tpu.memref_slice %arg7[%dma_wait3A, %dma_wait3A_42] : memref<10000x128xf32, #tpu.memory_space<hbm>> -> memref<640x128xf32, #tpu.memory_space<hbm>>
          %dma_wait3A_44 = arith.constant 9360 : i32
          %dma_wait3A_45 = arith.constant 0 : i32
          %dma_wait3A_46 = tpu.memref_slice %arg8[%dma_wait3A_44, %dma_wait3A_45] : memref<10008x128xf32, #tpu.memory_space<vmem_shared>> -> memref<640x128xf32, #tpu.memory_space<vmem_shared>>
          tpu.wait_dma2 semaphore(%run_scoped3A : memref<!tpu.dma_semaphore, #tpu.memory_space<semaphore_mem>>) src(%dma_wait3A_46 : memref<640x128xf32, #tpu.memory_space<vmem_shared>>) dst(%dma_wait3A_43 : memref<640x128xf32, #tpu.memory_space<hbm>>)
          tpu.yield
        }) : () -> ()
      } else {
      }
    } else {
    }
    return
  }
}

#map = affine_map<(d0, d1) -> (0, 0)>
#map1 = affine_map<(d0, d1) -> (0, 0, 0, 0)>
module attributes {stable_mosaic.version = 14 : i64} {
  func.func @stage(%arg0: i32, %arg1: i32, %arg2: memref<10000x128xf32, #tpu.memory_space<hbm>>, %arg3: memref<10000x128xf32, #tpu.memory_space<hbm>>, %arg4: memref<16x158x2x128xi32, #tpu.memory_space<hbm>>, %arg5: memref<640x128xf32, #tpu.memory_space<hbm>>, %arg6: memref<10000x128xf32, #tpu.memory_space<hbm>>, %arg7: memref<10000x128xf32, #tpu.memory_space<hbm>>, %arg8: memref<10008x128xf32, #tpu.memory_space<vmem_shared>>, %arg9: memref<2x128xi32, #tpu.memory_space<vmem>>, %arg10: memref<2x128xi32, #tpu.memory_space<vmem>>, %arg11: memref<128x128xf32, #tpu.memory_space<vmem>>, %arg12: memref<128x128xf32, #tpu.memory_space<vmem>>, %arg13: memref<!tpu.dma_semaphore, #tpu.memory_space<semaphore_mem>>, %arg14: memref<!tpu.dma_semaphore, #tpu.memory_space<semaphore_mem>>, %arg15: memref<!tpu.dma_semaphore, #tpu.memory_space<semaphore_mem>>, %arg16: memref<!tpu.dma_semaphore, #tpu.memory_space<semaphore_mem>>) attributes {dimension_semantics = [#tpu.dimension_semantics<core_parallel>, #tpu.dimension_semantics<subcore_parallel>], iteration_bounds = array<i64: 2, 16>, scalar_prefetch = 0 : i64, scratch_operands = 9 : i64, tpu.core_type = #tpu.core_type<sc_vector_subcore>, window_params = [{transform_indices = #map}, {transform_indices = #map}, {transform_indices = #map1}, {transform_indices = #map}, {transform_indices = #map}, {transform_indices = #map}]} {
    %lt3A = arith.constant 15 : i32
    %lt3A_0 = arith.cmpi slt, %arg1, %lt3A : i32
    %convert_element_type3A = arith.extui %lt3A_0 : i1 to i32
    %cond3A = arith.constant 0 : i32
    %cond3A_1 = arith.cmpi ne, %convert_element_type3A, %cond3A : i32
    scf.if %cond3A_1 {
      %mul3A = arith.constant 624 : i32
      %mul3A_27 = arith.muli %arg1, %mul3A : i32
      %multiple_of3A = tpu.assume_multiple %mul3A_27, 8 : i32
      "tpu.region"() ({
        %run_scoped3A = tpu.sem_alloc : memref<!tpu.dma_semaphore, #tpu.memory_space<semaphore_mem>>
        %dma_start3A = arith.constant 0 : i32
        %dma_start3A_28 = tpu.memref_slice %arg8[%multiple_of3A, %dma_start3A] : memref<10008x128xf32, #tpu.memory_space<vmem_shared>> -> memref<624x128xf32, #tpu.memory_space<vmem_shared>>
        %dma_start3A_29 = arith.constant 0 : i32
        %dma_start3A_30 = arith.constant 0 : i32
        %dma_start3A_31 = tpu.memref_slice %arg5[%dma_start3A_29, %dma_start3A_30] : memref<640x128xf32, #tpu.memory_space<hbm>> -> memref<624x128xf32, #tpu.memory_space<hbm>>
        tpu.enqueue_dma source(%dma_start3A_31 : memref<624x128xf32, #tpu.memory_space<hbm>>) target(%dma_start3A_28 : memref<624x128xf32, #tpu.memory_space<vmem_shared>>) target_semaphore(%run_scoped3A : memref<!tpu.dma_semaphore, #tpu.memory_space<semaphore_mem>>)
        %dma_wait3A = arith.constant 0 : i32
        %dma_wait3A_32 = tpu.memref_slice %arg8[%multiple_of3A, %dma_wait3A] : memref<10008x128xf32, #tpu.memory_space<vmem_shared>> -> memref<624x128xf32, #tpu.memory_space<vmem_shared>>
        %dma_wait3A_33 = arith.constant 0 : i32
        %dma_wait3A_34 = arith.constant 0 : i32
        %dma_wait3A_35 = tpu.memref_slice %arg5[%dma_wait3A_33, %dma_wait3A_34] : memref<640x128xf32, #tpu.memory_space<hbm>> -> memref<624x128xf32, #tpu.memory_space<hbm>>
        tpu.wait_dma2 semaphore(%run_scoped3A : memref<!tpu.dma_semaphore, #tpu.memory_space<semaphore_mem>>) src(%dma_wait3A_35 : memref<624x128xf32, #tpu.memory_space<hbm>>) dst(%dma_wait3A_32 : memref<624x128xf32, #tpu.memory_space<vmem_shared>>)
        tpu.yield
      }) : () -> ()
    } else {
    }
    %eq3A = arith.constant 15 : i32
    %eq3A_2 = arith.cmpi eq, %arg1, %eq3A : i32
    %convert_element_type3A_3 = arith.extui %eq3A_2 : i1 to i32
    %cond3A_4 = arith.constant 0 : i32
    %cond3A_5 = arith.cmpi ne, %convert_element_type3A_3, %cond3A_4 : i32
    scf.if %cond3A_5 {
      "tpu.region"() ({
        %run_scoped3A = tpu.sem_alloc : memref<!tpu.dma_semaphore, #tpu.memory_space<semaphore_mem>>
        %dma_start3A = arith.constant 9360 : i32
        %dma_start3A_27 = arith.constant 0 : i32
        %dma_start3A_28 = tpu.memref_slice %arg8[%dma_start3A, %dma_start3A_27] : memref<10008x128xf32, #tpu.memory_space<vmem_shared>> -> memref<640x128xf32, #tpu.memory_space<vmem_shared>>
        %dma_start3A_29 = arith.constant 0 : i32
        %dma_start3A_30 = arith.constant 0 : i32
        %dma_start3A_31 = tpu.memref_slice %arg5[%dma_start3A_29, %dma_start3A_30] : memref<640x128xf32, #tpu.memory_space<hbm>> -> memref<640x128xf32, #tpu.memory_space<hbm>>
        tpu.enqueue_dma source(%dma_start3A_31 : memref<640x128xf32, #tpu.memory_space<hbm>>) target(%dma_start3A_28 : memref<640x128xf32, #tpu.memory_space<vmem_shared>>) target_semaphore(%run_scoped3A : memref<!tpu.dma_semaphore, #tpu.memory_space<semaphore_mem>>)
        %dma_wait3A = arith.constant 9360 : i32
        %dma_wait3A_32 = arith.constant 0 : i32
        %dma_wait3A_33 = tpu.memref_slice %arg8[%dma_wait3A, %dma_wait3A_32] : memref<10008x128xf32, #tpu.memory_space<vmem_shared>> -> memref<640x128xf32, #tpu.memory_space<vmem_shared>>
        %dma_wait3A_34 = arith.constant 0 : i32
        %dma_wait3A_35 = arith.constant 0 : i32
        %dma_wait3A_36 = tpu.memref_slice %arg5[%dma_wait3A_34, %dma_wait3A_35] : memref<640x128xf32, #tpu.memory_space<hbm>> -> memref<640x128xf32, #tpu.memory_space<hbm>>
        tpu.wait_dma2 semaphore(%run_scoped3A : memref<!tpu.dma_semaphore, #tpu.memory_space<semaphore_mem>>) src(%dma_wait3A_36 : memref<640x128xf32, #tpu.memory_space<hbm>>) dst(%dma_wait3A_33 : memref<640x128xf32, #tpu.memory_space<vmem_shared>>)
        tpu.yield
      }) : () -> ()
    } else {
    }
    %barrier3A = arith.constant 0 : index
    tpu.barrier barrier_id(%barrier3A)
    %eq3A_6 = arith.constant 0 : i32
    %eq3A_7 = arith.cmpi eq, %arg0, %eq3A_6 : i32
    %convert_element_type3A_8 = arith.extui %eq3A_7 : i1 to i32
    %cond3A_9 = arith.constant 0 : i32
    %cond3A_10 = arith.cmpi ne, %convert_element_type3A_8, %cond3A_9 : i32
    scf.if %cond3A_10 {
      %run_scoped3A = arith.constant 0 : i32
      "tpu.region"() ({
        %run_scoped3A_59 = tpu.sem_alloc : memref<!tpu.dma_semaphore, #tpu.memory_space<semaphore_mem>>
        %dma_start3A_60 = arith.constant 0 : i32
        %dma_start3A_61 = arith.constant 0 : i32
        %dma_start3A_62 = tpu.memref_slice %arg4[%arg1, %run_scoped3A, %dma_start3A_60, %dma_start3A_61] : memref<16x158x2x128xi32, #tpu.memory_space<hbm>> -> memref<1x1x2x128xi32, #tpu.memory_space<hbm>>
        %dma_start3A_63 = tpu.memref_squeeze %dma_start3A_62 : memref<1x1x2x128xi32, #tpu.memory_space<hbm>> -> memref<2x128xi32, #tpu.memory_space<hbm>>
        %dma_start3A_64 = arith.constant 0 : i32
        %dma_start3A_65 = arith.constant 0 : i32
        %dma_start3A_66 = tpu.memref_slice %arg4[%arg1, %run_scoped3A, %dma_start3A_64, %dma_start3A_65] : memref<16x158x2x128xi32, #tpu.memory_space<hbm>> -> memref<1x1x2x128xi32, #tpu.memory_space<hbm>>
        %dma_start3A_67 = tpu.memref_squeeze %dma_start3A_66 : memref<1x1x2x128xi32, #tpu.memory_space<hbm>> -> memref<2x128xi32, #tpu.memory_space<hbm>>
        tpu.enqueue_dma source(%dma_start3A_67 : memref<2x128xi32, #tpu.memory_space<hbm>>) target(%arg9 : memref<2x128xi32, #tpu.memory_space<vmem>>) target_semaphore(%run_scoped3A_59 : memref<!tpu.dma_semaphore, #tpu.memory_space<semaphore_mem>>)
        %dma_wait3A_68 = arith.constant 0 : i32
        %dma_wait3A_69 = arith.constant 0 : i32
        %dma_wait3A_70 = tpu.memref_slice %arg4[%arg1, %run_scoped3A, %dma_wait3A_68, %dma_wait3A_69] : memref<16x158x2x128xi32, #tpu.memory_space<hbm>> -> memref<1x1x2x128xi32, #tpu.memory_space<hbm>>
        %dma_wait3A_71 = tpu.memref_squeeze %dma_wait3A_70 : memref<1x1x2x128xi32, #tpu.memory_space<hbm>> -> memref<2x128xi32, #tpu.memory_space<hbm>>
        %dma_wait3A_72 = arith.constant 0 : i32
        %dma_wait3A_73 = arith.constant 0 : i32
        %dma_wait3A_74 = tpu.memref_slice %arg4[%arg1, %run_scoped3A, %dma_wait3A_72, %dma_wait3A_73] : memref<16x158x2x128xi32, #tpu.memory_space<hbm>> -> memref<1x1x2x128xi32, #tpu.memory_space<hbm>>
        %dma_wait3A_75 = tpu.memref_squeeze %dma_wait3A_74 : memref<1x1x2x128xi32, #tpu.memory_space<hbm>> -> memref<2x128xi32, #tpu.memory_space<hbm>>
        tpu.wait_dma2 semaphore(%run_scoped3A_59 : memref<!tpu.dma_semaphore, #tpu.memory_space<semaphore_mem>>) src(%dma_wait3A_75 : memref<2x128xi32, #tpu.memory_space<hbm>>) dst(%arg9 : memref<2x128xi32, #tpu.memory_space<vmem>>)
        tpu.yield
      }) : () -> ()
      %run_scoped3A_27 = arith.constant 1 : i32
      "tpu.region"() ({
        %run_scoped3A_59 = tpu.sem_alloc : memref<!tpu.dma_semaphore, #tpu.memory_space<semaphore_mem>>
        %dma_start3A_60 = arith.constant 0 : i32
        %dma_start3A_61 = arith.constant 0 : i32
        %dma_start3A_62 = tpu.memref_slice %arg4[%arg1, %run_scoped3A_27, %dma_start3A_60, %dma_start3A_61] : memref<16x158x2x128xi32, #tpu.memory_space<hbm>> -> memref<1x1x2x128xi32, #tpu.memory_space<hbm>>
        %dma_start3A_63 = tpu.memref_squeeze %dma_start3A_62 : memref<1x1x2x128xi32, #tpu.memory_space<hbm>> -> memref<2x128xi32, #tpu.memory_space<hbm>>
        %dma_start3A_64 = arith.constant 0 : i32
        %dma_start3A_65 = arith.constant 0 : i32
        %dma_start3A_66 = tpu.memref_slice %arg4[%arg1, %run_scoped3A_27, %dma_start3A_64, %dma_start3A_65] : memref<16x158x2x128xi32, #tpu.memory_space<hbm>> -> memref<1x1x2x128xi32, #tpu.memory_space<hbm>>
        %dma_start3A_67 = tpu.memref_squeeze %dma_start3A_66 : memref<1x1x2x128xi32, #tpu.memory_space<hbm>> -> memref<2x128xi32, #tpu.memory_space<hbm>>
        tpu.enqueue_dma source(%dma_start3A_67 : memref<2x128xi32, #tpu.memory_space<hbm>>) target(%arg10 : memref<2x128xi32, #tpu.memory_space<vmem>>) target_semaphore(%run_scoped3A_59 : memref<!tpu.dma_semaphore, #tpu.memory_space<semaphore_mem>>)
        %dma_wait3A_68 = arith.constant 0 : i32
        %dma_wait3A_69 = arith.constant 0 : i32
        %dma_wait3A_70 = tpu.memref_slice %arg4[%arg1, %run_scoped3A_27, %dma_wait3A_68, %dma_wait3A_69] : memref<16x158x2x128xi32, #tpu.memory_space<hbm>> -> memref<1x1x2x128xi32, #tpu.memory_space<hbm>>
        %dma_wait3A_71 = tpu.memref_squeeze %dma_wait3A_70 : memref<1x1x2x128xi32, #tpu.memory_space<hbm>> -> memref<2x128xi32, #tpu.memory_space<hbm>>
        %dma_wait3A_72 = arith.constant 0 : i32
        %dma_wait3A_73 = arith.constant 0 : i32
        %dma_wait3A_74 = tpu.memref_slice %arg4[%arg1, %run_scoped3A_27, %dma_wait3A_72, %dma_wait3A_73] : memref<16x158x2x128xi32, #tpu.memory_space<hbm>> -> memref<1x1x2x128xi32, #tpu.memory_space<hbm>>
        %dma_wait3A_75 = tpu.memref_squeeze %dma_wait3A_74 : memref<1x1x2x128xi32, #tpu.memory_space<hbm>> -> memref<2x128xi32, #tpu.memory_space<hbm>>
        tpu.wait_dma2 semaphore(%run_scoped3A_59 : memref<!tpu.dma_semaphore, #tpu.memory_space<semaphore_mem>>) src(%dma_wait3A_75 : memref<2x128xi32, #tpu.memory_space<hbm>>) dst(%arg10 : memref<2x128xi32, #tpu.memory_space<vmem>>)
        tpu.yield
      }) : () -> ()
      %dma_start3A = arith.constant 0 : i32
      %dma_start3A_28 = arith.constant 0 : i32
      %dma_start3A_29 = tpu.memref_slice %arg9[%dma_start3A, %dma_start3A_28] : memref<2x128xi32, #tpu.memory_space<vmem>> -> memref<1x128xi32, #tpu.memory_space<vmem>>
      %dma_start3A_30 = tpu.memref_squeeze %dma_start3A_29 : memref<1x128xi32, #tpu.memory_space<vmem>> -> memref<128xi32, #tpu.memory_space<vmem>>
      %dma_start3A_31 = arith.constant 0 : i32
      %dma_start3A_32 = arith.constant 0 : i32
      %dma_start3A_33 = tpu.memref_slice %arg2[%dma_start3A_31, %dma_start3A_32] : memref<10000x128xf32, #tpu.memory_space<hbm>> -> memref<10000x128xf32, #tpu.memory_space<hbm>>
      tpu.enqueue_indirect_dma source(%dma_start3A_33 : memref<10000x128xf32, #tpu.memory_space<hbm>>) target(%arg11 : memref<128x128xf32, #tpu.memory_space<vmem>>) offsets(%dma_start3A_30 : memref<128xi32, #tpu.memory_space<vmem>>) semaphore(%arg13 : memref<!tpu.dma_semaphore, #tpu.memory_space<semaphore_mem>>)
      %dma_start3A_34 = arith.constant 0 : i32
      %dma_start3A_35 = arith.constant 0 : i32
      %dma_start3A_36 = tpu.memref_slice %arg10[%dma_start3A_34, %dma_start3A_35] : memref<2x128xi32, #tpu.memory_space<vmem>> -> memref<1x128xi32, #tpu.memory_space<vmem>>
      %dma_start3A_37 = tpu.memref_squeeze %dma_start3A_36 : memref<1x128xi32, #tpu.memory_space<vmem>> -> memref<128xi32, #tpu.memory_space<vmem>>
      %dma_start3A_38 = arith.constant 0 : i32
      %dma_start3A_39 = arith.constant 0 : i32
      %dma_start3A_40 = tpu.memref_slice %arg2[%dma_start3A_38, %dma_start3A_39] : memref<10000x128xf32, #tpu.memory_space<hbm>> -> memref<10000x128xf32, #tpu.memory_space<hbm>>
      tpu.enqueue_indirect_dma source(%dma_start3A_40 : memref<10000x128xf32, #tpu.memory_space<hbm>>) target(%arg12 : memref<128x128xf32, #tpu.memory_space<vmem>>) offsets(%dma_start3A_37 : memref<128xi32, #tpu.memory_space<vmem>>) semaphore(%arg14 : memref<!tpu.dma_semaphore, #tpu.memory_space<semaphore_mem>>)
      %scan3A = arith.constant 0 : i32
      %scan3A_41 = arith.constant 0 : i32
      %scan3A_42 = arith.constant 79 : i32
      %scan3A_43 = arith.addi %scan3A_41, %scan3A_42 : i32
      %scan3A_44 = arith.constant 1 : i32
      scf.for %scan3A_59 = %scan3A_41 to %scan3A_43 step %scan3A_44  : i32 {
        %mul3A = arith.constant 2 : i32
        %mul3A_60 = arith.muli %mul3A, %scan3A_59 : i32
        %dma_wait3A_61 = arith.constant 0 : i32
        %dma_wait3A_62 = arith.constant 0 : i32
        %dma_wait3A_63 = tpu.memref_slice %arg9[%dma_wait3A_61, %dma_wait3A_62] : memref<2x128xi32, #tpu.memory_space<vmem>> -> memref<1x128xi32, #tpu.memory_space<vmem>>
        %dma_wait3A_64 = tpu.memref_squeeze %dma_wait3A_63 : memref<1x128xi32, #tpu.memory_space<vmem>> -> memref<128xi32, #tpu.memory_space<vmem>>
        %dma_wait3A_65 = arith.constant 0 : i32
        %dma_wait3A_66 = arith.constant 0 : i32
        %dma_wait3A_67 = tpu.memref_slice %arg2[%dma_wait3A_65, %dma_wait3A_66] : memref<10000x128xf32, #tpu.memory_space<hbm>> -> memref<10000x128xf32, #tpu.memory_space<hbm>>
        tpu.wait_indirect_dma semaphore(%arg13 : memref<!tpu.dma_semaphore, #tpu.memory_space<semaphore_mem>>) src(%dma_wait3A_67 : memref<10000x128xf32, #tpu.memory_space<hbm>>) dst(%arg11 : memref<128x128xf32, #tpu.memory_space<vmem>>)
        %dma_start3A_68 = arith.constant 1 : i32
        %dma_start3A_69 = arith.constant 0 : i32
        %dma_start3A_70 = tpu.memref_slice %arg9[%dma_start3A_68, %dma_start3A_69] : memref<2x128xi32, #tpu.memory_space<vmem>> -> memref<1x128xi32, #tpu.memory_space<vmem>>
        %dma_start3A_71 = tpu.memref_squeeze %dma_start3A_70 : memref<1x128xi32, #tpu.memory_space<vmem>> -> memref<128xi32, #tpu.memory_space<vmem>>
        %dma_start3A_72 = arith.constant 0 : i32
        %dma_start3A_73 = arith.constant 0 : i32
        %dma_start3A_74 = tpu.memref_slice %arg8[%dma_start3A_72, %dma_start3A_73] : memref<10008x128xf32, #tpu.memory_space<vmem_shared>> -> memref<10008x128xf32, #tpu.memory_space<vmem_shared>>
        tpu.enqueue_indirect_dma source(%arg11 : memref<128x128xf32, #tpu.memory_space<vmem>>) target(%dma_start3A_74 : memref<10008x128xf32, #tpu.memory_space<vmem_shared>>) offsets(%dma_start3A_71 : memref<128xi32, #tpu.memory_space<vmem>>) semaphore(%arg15 : memref<!tpu.dma_semaphore, #tpu.memory_space<semaphore_mem>>) {add = true}
        %dma_wait3A_75 = arith.constant 0 : i32
        %dma_wait3A_76 = arith.constant 0 : i32
        %dma_wait3A_77 = tpu.memref_slice %arg10[%dma_wait3A_75, %dma_wait3A_76] : memref<2x128xi32, #tpu.memory_space<vmem>> -> memref<1x128xi32, #tpu.memory_space<vmem>>
        %dma_wait3A_78 = tpu.memref_squeeze %dma_wait3A_77 : memref<1x128xi32, #tpu.memory_space<vmem>> -> memref<128xi32, #tpu.memory_space<vmem>>
        %dma_wait3A_79 = arith.constant 0 : i32
        %dma_wait3A_80 = arith.constant 0 : i32
        %dma_wait3A_81 = tpu.memref_slice %arg2[%dma_wait3A_79, %dma_wait3A_80] : memref<10000x128xf32, #tpu.memory_space<hbm>> -> memref<10000x128xf32, #tpu.memory_space<hbm>>
        tpu.wait_indirect_dma semaphore(%arg14 : memref<!tpu.dma_semaphore, #tpu.memory_space<semaphore_mem>>) src(%dma_wait3A_81 : memref<10000x128xf32, #tpu.memory_space<hbm>>) dst(%arg12 : memref<128x128xf32, #tpu.memory_space<vmem>>)
        %dma_start3A_82 = arith.constant 1 : i32
        %dma_start3A_83 = arith.constant 0 : i32
        %dma_start3A_84 = tpu.memref_slice %arg10[%dma_start3A_82, %dma_start3A_83] : memref<2x128xi32, #tpu.memory_space<vmem>> -> memref<1x128xi32, #tpu.memory_space<vmem>>
        %dma_start3A_85 = tpu.memref_squeeze %dma_start3A_84 : memref<1x128xi32, #tpu.memory_space<vmem>> -> memref<128xi32, #tpu.memory_space<vmem>>
        %dma_start3A_86 = arith.constant 0 : i32
        %dma_start3A_87 = arith.constant 0 : i32
        %dma_start3A_88 = tpu.memref_slice %arg8[%dma_start3A_86, %dma_start3A_87] : memref<10008x128xf32, #tpu.memory_space<vmem_shared>> -> memref<10008x128xf32, #tpu.memory_space<vmem_shared>>
        tpu.enqueue_indirect_dma source(%arg12 : memref<128x128xf32, #tpu.memory_space<vmem>>) target(%dma_start3A_88 : memref<10008x128xf32, #tpu.memory_space<vmem_shared>>) offsets(%dma_start3A_85 : memref<128xi32, #tpu.memory_space<vmem>>) semaphore(%arg16 : memref<!tpu.dma_semaphore, #tpu.memory_space<semaphore_mem>>) {add = true}
        %lt3A_89 = arith.constant 78 : i32
        %lt3A_90 = arith.cmpi slt, %scan3A_59, %lt3A_89 : i32
        %convert_element_type3A_91 = arith.extui %lt3A_90 : i1 to i32
        %cond3A_92 = arith.constant 0 : i32
        %cond3A_93 = arith.cmpi ne, %convert_element_type3A_91, %cond3A_92 : i32
        scf.if %cond3A_93 {
          %dma_wait3A_94 = arith.constant 1 : i32
          %dma_wait3A_95 = arith.constant 0 : i32
          %dma_wait3A_96 = tpu.memref_slice %arg9[%dma_wait3A_94, %dma_wait3A_95] : memref<2x128xi32, #tpu.memory_space<vmem>> -> memref<1x128xi32, #tpu.memory_space<vmem>>
          %dma_wait3A_97 = tpu.memref_squeeze %dma_wait3A_96 : memref<1x128xi32, #tpu.memory_space<vmem>> -> memref<128xi32, #tpu.memory_space<vmem>>
          %dma_wait3A_98 = arith.constant 0 : i32
          %dma_wait3A_99 = arith.constant 0 : i32
          %dma_wait3A_100 = tpu.memref_slice %arg8[%dma_wait3A_98, %dma_wait3A_99] : memref<10008x128xf32, #tpu.memory_space<vmem_shared>> -> memref<10008x128xf32, #tpu.memory_space<vmem_shared>>
          tpu.wait_indirect_dma semaphore(%arg15 : memref<!tpu.dma_semaphore, #tpu.memory_space<semaphore_mem>>) src(%arg11 : memref<128x128xf32, #tpu.memory_space<vmem>>) dst(%dma_wait3A_100 : memref<10008x128xf32, #tpu.memory_space<vmem_shared>>)
          %add3A = arith.constant 2 : i32
          %add3A_101 = arith.addi %mul3A_60, %add3A : i32
          "tpu.region"() ({
            %run_scoped3A_125 = tpu.sem_alloc : memref<!tpu.dma_semaphore, #tpu.memory_space<semaphore_mem>>
            %dma_start3A_126 = arith.constant 0 : i32
            %dma_start3A_127 = arith.constant 0 : i32
            %dma_start3A_128 = tpu.memref_slice %arg4[%arg1, %add3A_101, %dma_start3A_126, %dma_start3A_127] : memref<16x158x2x128xi32, #tpu.memory_space<hbm>> -> memref<1x1x2x128xi32, #tpu.memory_space<hbm>>
            %dma_start3A_129 = tpu.memref_squeeze %dma_start3A_128 : memref<1x1x2x128xi32, #tpu.memory_space<hbm>> -> memref<2x128xi32, #tpu.memory_space<hbm>>
            %dma_start3A_130 = arith.constant 0 : i32
            %dma_start3A_131 = arith.constant 0 : i32
            %dma_start3A_132 = tpu.memref_slice %arg4[%arg1, %add3A_101, %dma_start3A_130, %dma_start3A_131] : memref<16x158x2x128xi32, #tpu.memory_space<hbm>> -> memref<1x1x2x128xi32, #tpu.memory_space<hbm>>
            %dma_start3A_133 = tpu.memref_squeeze %dma_start3A_132 : memref<1x1x2x128xi32, #tpu.memory_space<hbm>> -> memref<2x128xi32, #tpu.memory_space<hbm>>
            tpu.enqueue_dma source(%dma_start3A_133 : memref<2x128xi32, #tpu.memory_space<hbm>>) target(%arg9 : memref<2x128xi32, #tpu.memory_space<vmem>>) target_semaphore(%run_scoped3A_125 : memref<!tpu.dma_semaphore, #tpu.memory_space<semaphore_mem>>)
            %dma_wait3A_134 = arith.constant 0 : i32
            %dma_wait3A_135 = arith.constant 0 : i32
            %dma_wait3A_136 = tpu.memref_slice %arg4[%arg1, %add3A_101, %dma_wait3A_134, %dma_wait3A_135] : memref<16x158x2x128xi32, #tpu.memory_space<hbm>> -> memref<1x1x2x128xi32, #tpu.memory_space<hbm>>
            %dma_wait3A_137 = tpu.memref_squeeze %dma_wait3A_136 : memref<1x1x2x128xi32, #tpu.memory_space<hbm>> -> memref<2x128xi32, #tpu.memory_space<hbm>>
            %dma_wait3A_138 = arith.constant 0 : i32
            %dma_wait3A_139 = arith.constant 0 : i32
            %dma_wait3A_140 = tpu.memref_slice %arg4[%arg1, %add3A_101, %dma_wait3A_138, %dma_wait3A_139] : memref<16x158x2x128xi32, #tpu.memory_space<hbm>> -> memref<1x1x2x128xi32, #tpu.memory_space<hbm>>
            %dma_wait3A_141 = tpu.memref_squeeze %dma_wait3A_140 : memref<1x1x2x128xi32, #tpu.memory_space<hbm>> -> memref<2x128xi32, #tpu.memory_space<hbm>>
            tpu.wait_dma2 semaphore(%run_scoped3A_125 : memref<!tpu.dma_semaphore, #tpu.memory_space<semaphore_mem>>) src(%dma_wait3A_141 : memref<2x128xi32, #tpu.memory_space<hbm>>) dst(%arg9 : memref<2x128xi32, #tpu.memory_space<vmem>>)
            tpu.yield
          }) : () -> ()
          %dma_start3A_102 = arith.constant 0 : i32
          %dma_start3A_103 = arith.constant 0 : i32
          %dma_start3A_104 = tpu.memref_slice %arg9[%dma_start3A_102, %dma_start3A_103] : memref<2x128xi32, #tpu.memory_space<vmem>> -> memref<1x128xi32, #tpu.memory_space<vmem>>
          %dma_start3A_105 = tpu.memref_squeeze %dma_start3A_104 : memref<1x128xi32, #tpu.memory_space<vmem>> -> memref<128xi32, #tpu.memory_space<vmem>>
          %dma_start3A_106 = arith.constant 0 : i32
          %dma_start3A_107 = arith.constant 0 : i32
          %dma_start3A_108 = tpu.memref_slice %arg2[%dma_start3A_106, %dma_start3A_107] : memref<10000x128xf32, #tpu.memory_space<hbm>> -> memref<10000x128xf32, #tpu.memory_space<hbm>>
          tpu.enqueue_indirect_dma source(%dma_start3A_108 : memref<10000x128xf32, #tpu.memory_space<hbm>>) target(%arg11 : memref<128x128xf32, #tpu.memory_space<vmem>>) offsets(%dma_start3A_105 : memref<128xi32, #tpu.memory_space<vmem>>) semaphore(%arg13 : memref<!tpu.dma_semaphore, #tpu.memory_space<semaphore_mem>>)
          %dma_wait3A_109 = arith.constant 1 : i32
          %dma_wait3A_110 = arith.constant 0 : i32
          %dma_wait3A_111 = tpu.memref_slice %arg10[%dma_wait3A_109, %dma_wait3A_110] : memref<2x128xi32, #tpu.memory_space<vmem>> -> memref<1x128xi32, #tpu.memory_space<vmem>>
          %dma_wait3A_112 = tpu.memref_squeeze %dma_wait3A_111 : memref<1x128xi32, #tpu.memory_space<vmem>> -> memref<128xi32, #tpu.memory_space<vmem>>
          %dma_wait3A_113 = arith.constant 0 : i32
          %dma_wait3A_114 = arith.constant 0 : i32
          %dma_wait3A_115 = tpu.memref_slice %arg8[%dma_wait3A_113, %dma_wait3A_114] : memref<10008x128xf32, #tpu.memory_space<vmem_shared>> -> memref<10008x128xf32, #tpu.memory_space<vmem_shared>>
          tpu.wait_indirect_dma semaphore(%arg16 : memref<!tpu.dma_semaphore, #tpu.memory_space<semaphore_mem>>) src(%arg12 : memref<128x128xf32, #tpu.memory_space<vmem>>) dst(%dma_wait3A_115 : memref<10008x128xf32, #tpu.memory_space<vmem_shared>>)
          %add3A_116 = arith.constant 3 : i32
          %add3A_117 = arith.addi %mul3A_60, %add3A_116 : i32
          "tpu.region"() ({
            %run_scoped3A_125 = tpu.sem_alloc : memref<!tpu.dma_semaphore, #tpu.memory_space<semaphore_mem>>
            %dma_start3A_126 = arith.constant 0 : i32
            %dma_start3A_127 = arith.constant 0 : i32
            %dma_start3A_128 = tpu.memref_slice %arg4[%arg1, %add3A_117, %dma_start3A_126, %dma_start3A_127] : memref<16x158x2x128xi32, #tpu.memory_space<hbm>> -> memref<1x1x2x128xi32, #tpu.memory_space<hbm>>
            %dma_start3A_129 = tpu.memref_squeeze %dma_start3A_128 : memref<1x1x2x128xi32, #tpu.memory_space<hbm>> -> memref<2x128xi32, #tpu.memory_space<hbm>>
            %dma_start3A_130 = arith.constant 0 : i32
            %dma_start3A_131 = arith.constant 0 : i32
            %dma_start3A_132 = tpu.memref_slice %arg4[%arg1, %add3A_117, %dma_start3A_130, %dma_start3A_131] : memref<16x158x2x128xi32, #tpu.memory_space<hbm>> -> memref<1x1x2x128xi32, #tpu.memory_space<hbm>>
            %dma_start3A_133 = tpu.memref_squeeze %dma_start3A_132 : memref<1x1x2x128xi32, #tpu.memory_space<hbm>> -> memref<2x128xi32, #tpu.memory_space<hbm>>
            tpu.enqueue_dma source(%dma_start3A_133 : memref<2x128xi32, #tpu.memory_space<hbm>>) target(%arg10 : memref<2x128xi32, #tpu.memory_space<vmem>>) target_semaphore(%run_scoped3A_125 : memref<!tpu.dma_semaphore, #tpu.memory_space<semaphore_mem>>)
            %dma_wait3A_134 = arith.constant 0 : i32
            %dma_wait3A_135 = arith.constant 0 : i32
            %dma_wait3A_136 = tpu.memref_slice %arg4[%arg1, %add3A_117, %dma_wait3A_134, %dma_wait3A_135] : memref<16x158x2x128xi32, #tpu.memory_space<hbm>> -> memref<1x1x2x128xi32, #tpu.memory_space<hbm>>
            %dma_wait3A_137 = tpu.memref_squeeze %dma_wait3A_136 : memref<1x1x2x128xi32, #tpu.memory_space<hbm>> -> memref<2x128xi32, #tpu.memory_space<hbm>>
            %dma_wait3A_138 = arith.constant 0 : i32
            %dma_wait3A_139 = arith.constant 0 : i32
            %dma_wait3A_140 = tpu.memref_slice %arg4[%arg1, %add3A_117, %dma_wait3A_138, %dma_wait3A_139] : memref<16x158x2x128xi32, #tpu.memory_space<hbm>> -> memref<1x1x2x128xi32, #tpu.memory_space<hbm>>
            %dma_wait3A_141 = tpu.memref_squeeze %dma_wait3A_140 : memref<1x1x2x128xi32, #tpu.memory_space<hbm>> -> memref<2x128xi32, #tpu.memory_space<hbm>>
            tpu.wait_dma2 semaphore(%run_scoped3A_125 : memref<!tpu.dma_semaphore, #tpu.memory_space<semaphore_mem>>) src(%dma_wait3A_141 : memref<2x128xi32, #tpu.memory_space<hbm>>) dst(%arg10 : memref<2x128xi32, #tpu.memory_space<vmem>>)
            tpu.yield
          }) : () -> ()
          %dma_start3A_118 = arith.constant 0 : i32
          %dma_start3A_119 = arith.constant 0 : i32
          %dma_start3A_120 = tpu.memref_slice %arg10[%dma_start3A_118, %dma_start3A_119] : memref<2x128xi32, #tpu.memory_space<vmem>> -> memref<1x128xi32, #tpu.memory_space<vmem>>
          %dma_start3A_121 = tpu.memref_squeeze %dma_start3A_120 : memref<1x128xi32, #tpu.memory_space<vmem>> -> memref<128xi32, #tpu.memory_space<vmem>>
          %dma_start3A_122 = arith.constant 0 : i32
          %dma_start3A_123 = arith.constant 0 : i32
          %dma_start3A_124 = tpu.memref_slice %arg2[%dma_start3A_122, %dma_start3A_123] : memref<10000x128xf32, #tpu.memory_space<hbm>> -> memref<10000x128xf32, #tpu.memory_space<hbm>>
          tpu.enqueue_indirect_dma source(%dma_start3A_124 : memref<10000x128xf32, #tpu.memory_space<hbm>>) target(%arg12 : memref<128x128xf32, #tpu.memory_space<vmem>>) offsets(%dma_start3A_121 : memref<128xi32, #tpu.memory_space<vmem>>) semaphore(%arg14 : memref<!tpu.dma_semaphore, #tpu.memory_space<semaphore_mem>>)
        } else {
        }
      }
      %scan3A_45 = arith.constant 79 : i32
      %dma_wait3A = arith.constant 1 : i32
      %dma_wait3A_46 = arith.constant 0 : i32
      %dma_wait3A_47 = tpu.memref_slice %arg9[%dma_wait3A, %dma_wait3A_46] : memref<2x128xi32, #tpu.memory_space<vmem>> -> memref<1x128xi32, #tpu.memory_space<vmem>>
      %dma_wait3A_48 = tpu.memref_squeeze %dma_wait3A_47 : memref<1x128xi32, #tpu.memory_space<vmem>> -> memref<128xi32, #tpu.memory_space<vmem>>
      %dma_wait3A_49 = arith.constant 0 : i32
      %dma_wait3A_50 = arith.constant 0 : i32
      %dma_wait3A_51 = tpu.memref_slice %arg8[%dma_wait3A_49, %dma_wait3A_50] : memref<10008x128xf32, #tpu.memory_space<vmem_shared>> -> memref<10008x128xf32, #tpu.memory_space<vmem_shared>>
      tpu.wait_indirect_dma semaphore(%arg15 : memref<!tpu.dma_semaphore, #tpu.memory_space<semaphore_mem>>) src(%arg11 : memref<128x128xf32, #tpu.memory_space<vmem>>) dst(%dma_wait3A_51 : memref<10008x128xf32, #tpu.memory_space<vmem_shared>>)
      %dma_wait3A_52 = arith.constant 1 : i32
      %dma_wait3A_53 = arith.constant 0 : i32
      %dma_wait3A_54 = tpu.memref_slice %arg10[%dma_wait3A_52, %dma_wait3A_53] : memref<2x128xi32, #tpu.memory_space<vmem>> -> memref<1x128xi32, #tpu.memory_space<vmem>>
      %dma_wait3A_55 = tpu.memref_squeeze %dma_wait3A_54 : memref<1x128xi32, #tpu.memory_space<vmem>> -> memref<128xi32, #tpu.memory_space<vmem>>
      %dma_wait3A_56 = arith.constant 0 : i32
      %dma_wait3A_57 = arith.constant 0 : i32
      %dma_wait3A_58 = tpu.memref_slice %arg8[%dma_wait3A_56, %dma_wait3A_57] : memref<10008x128xf32, #tpu.memory_space<vmem_shared>> -> memref<10008x128xf32, #tpu.memory_space<vmem_shared>>
      tpu.wait_indirect_dma semaphore(%arg16 : memref<!tpu.dma_semaphore, #tpu.memory_space<semaphore_mem>>) src(%arg12 : memref<128x128xf32, #tpu.memory_space<vmem>>) dst(%dma_wait3A_58 : memref<10008x128xf32, #tpu.memory_space<vmem_shared>>)
    } else {
    }
    %eq3A_11 = arith.constant 1 : i32
    %eq3A_12 = arith.cmpi eq, %arg0, %eq3A_11 : i32
    %convert_element_type3A_13 = arith.extui %eq3A_12 : i1 to i32
    %cond3A_14 = arith.constant 0 : i32
    %cond3A_15 = arith.cmpi ne, %convert_element_type3A_13, %cond3A_14 : i32
    scf.if %cond3A_15 {
      %run_scoped3A = arith.constant 0 : i32
      "tpu.region"() ({
        %run_scoped3A_59 = tpu.sem_alloc : memref<!tpu.dma_semaphore, #tpu.memory_space<semaphore_mem>>
        %dma_start3A_60 = arith.constant 0 : i32
        %dma_start3A_61 = arith.constant 0 : i32
        %dma_start3A_62 = tpu.memref_slice %arg4[%arg1, %run_scoped3A, %dma_start3A_60, %dma_start3A_61] : memref<16x158x2x128xi32, #tpu.memory_space<hbm>> -> memref<1x1x2x128xi32, #tpu.memory_space<hbm>>
        %dma_start3A_63 = tpu.memref_squeeze %dma_start3A_62 : memref<1x1x2x128xi32, #tpu.memory_space<hbm>> -> memref<2x128xi32, #tpu.memory_space<hbm>>
        %dma_start3A_64 = arith.constant 0 : i32
        %dma_start3A_65 = arith.constant 0 : i32
        %dma_start3A_66 = tpu.memref_slice %arg4[%arg1, %run_scoped3A, %dma_start3A_64, %dma_start3A_65] : memref<16x158x2x128xi32, #tpu.memory_space<hbm>> -> memref<1x1x2x128xi32, #tpu.memory_space<hbm>>
        %dma_start3A_67 = tpu.memref_squeeze %dma_start3A_66 : memref<1x1x2x128xi32, #tpu.memory_space<hbm>> -> memref<2x128xi32, #tpu.memory_space<hbm>>
        tpu.enqueue_dma source(%dma_start3A_67 : memref<2x128xi32, #tpu.memory_space<hbm>>) target(%arg9 : memref<2x128xi32, #tpu.memory_space<vmem>>) target_semaphore(%run_scoped3A_59 : memref<!tpu.dma_semaphore, #tpu.memory_space<semaphore_mem>>)
        %dma_wait3A_68 = arith.constant 0 : i32
        %dma_wait3A_69 = arith.constant 0 : i32
        %dma_wait3A_70 = tpu.memref_slice %arg4[%arg1, %run_scoped3A, %dma_wait3A_68, %dma_wait3A_69] : memref<16x158x2x128xi32, #tpu.memory_space<hbm>> -> memref<1x1x2x128xi32, #tpu.memory_space<hbm>>
        %dma_wait3A_71 = tpu.memref_squeeze %dma_wait3A_70 : memref<1x1x2x128xi32, #tpu.memory_space<hbm>> -> memref<2x128xi32, #tpu.memory_space<hbm>>
        %dma_wait3A_72 = arith.constant 0 : i32
        %dma_wait3A_73 = arith.constant 0 : i32
        %dma_wait3A_74 = tpu.memref_slice %arg4[%arg1, %run_scoped3A, %dma_wait3A_72, %dma_wait3A_73] : memref<16x158x2x128xi32, #tpu.memory_space<hbm>> -> memref<1x1x2x128xi32, #tpu.memory_space<hbm>>
        %dma_wait3A_75 = tpu.memref_squeeze %dma_wait3A_74 : memref<1x1x2x128xi32, #tpu.memory_space<hbm>> -> memref<2x128xi32, #tpu.memory_space<hbm>>
        tpu.wait_dma2 semaphore(%run_scoped3A_59 : memref<!tpu.dma_semaphore, #tpu.memory_space<semaphore_mem>>) src(%dma_wait3A_75 : memref<2x128xi32, #tpu.memory_space<hbm>>) dst(%arg9 : memref<2x128xi32, #tpu.memory_space<vmem>>)
        tpu.yield
      }) : () -> ()
      %run_scoped3A_27 = arith.constant 1 : i32
      "tpu.region"() ({
        %run_scoped3A_59 = tpu.sem_alloc : memref<!tpu.dma_semaphore, #tpu.memory_space<semaphore_mem>>
        %dma_start3A_60 = arith.constant 0 : i32
        %dma_start3A_61 = arith.constant 0 : i32
        %dma_start3A_62 = tpu.memref_slice %arg4[%arg1, %run_scoped3A_27, %dma_start3A_60, %dma_start3A_61] : memref<16x158x2x128xi32, #tpu.memory_space<hbm>> -> memref<1x1x2x128xi32, #tpu.memory_space<hbm>>
        %dma_start3A_63 = tpu.memref_squeeze %dma_start3A_62 : memref<1x1x2x128xi32, #tpu.memory_space<hbm>> -> memref<2x128xi32, #tpu.memory_space<hbm>>
        %dma_start3A_64 = arith.constant 0 : i32
        %dma_start3A_65 = arith.constant 0 : i32
        %dma_start3A_66 = tpu.memref_slice %arg4[%arg1, %run_scoped3A_27, %dma_start3A_64, %dma_start3A_65] : memref<16x158x2x128xi32, #tpu.memory_space<hbm>> -> memref<1x1x2x128xi32, #tpu.memory_space<hbm>>
        %dma_start3A_67 = tpu.memref_squeeze %dma_start3A_66 : memref<1x1x2x128xi32, #tpu.memory_space<hbm>> -> memref<2x128xi32, #tpu.memory_space<hbm>>
        tpu.enqueue_dma source(%dma_start3A_67 : memref<2x128xi32, #tpu.memory_space<hbm>>) target(%arg10 : memref<2x128xi32, #tpu.memory_space<vmem>>) target_semaphore(%run_scoped3A_59 : memref<!tpu.dma_semaphore, #tpu.memory_space<semaphore_mem>>)
        %dma_wait3A_68 = arith.constant 0 : i32
        %dma_wait3A_69 = arith.constant 0 : i32
        %dma_wait3A_70 = tpu.memref_slice %arg4[%arg1, %run_scoped3A_27, %dma_wait3A_68, %dma_wait3A_69] : memref<16x158x2x128xi32, #tpu.memory_space<hbm>> -> memref<1x1x2x128xi32, #tpu.memory_space<hbm>>
        %dma_wait3A_71 = tpu.memref_squeeze %dma_wait3A_70 : memref<1x1x2x128xi32, #tpu.memory_space<hbm>> -> memref<2x128xi32, #tpu.memory_space<hbm>>
        %dma_wait3A_72 = arith.constant 0 : i32
        %dma_wait3A_73 = arith.constant 0 : i32
        %dma_wait3A_74 = tpu.memref_slice %arg4[%arg1, %run_scoped3A_27, %dma_wait3A_72, %dma_wait3A_73] : memref<16x158x2x128xi32, #tpu.memory_space<hbm>> -> memref<1x1x2x128xi32, #tpu.memory_space<hbm>>
        %dma_wait3A_75 = tpu.memref_squeeze %dma_wait3A_74 : memref<1x1x2x128xi32, #tpu.memory_space<hbm>> -> memref<2x128xi32, #tpu.memory_space<hbm>>
        tpu.wait_dma2 semaphore(%run_scoped3A_59 : memref<!tpu.dma_semaphore, #tpu.memory_space<semaphore_mem>>) src(%dma_wait3A_75 : memref<2x128xi32, #tpu.memory_space<hbm>>) dst(%arg10 : memref<2x128xi32, #tpu.memory_space<vmem>>)
        tpu.yield
      }) : () -> ()
      %dma_start3A = arith.constant 0 : i32
      %dma_start3A_28 = arith.constant 0 : i32
      %dma_start3A_29 = tpu.memref_slice %arg9[%dma_start3A, %dma_start3A_28] : memref<2x128xi32, #tpu.memory_space<vmem>> -> memref<1x128xi32, #tpu.memory_space<vmem>>
      %dma_start3A_30 = tpu.memref_squeeze %dma_start3A_29 : memref<1x128xi32, #tpu.memory_space<vmem>> -> memref<128xi32, #tpu.memory_space<vmem>>
      %dma_start3A_31 = arith.constant 0 : i32
      %dma_start3A_32 = arith.constant 0 : i32
      %dma_start3A_33 = tpu.memref_slice %arg3[%dma_start3A_31, %dma_start3A_32] : memref<10000x128xf32, #tpu.memory_space<hbm>> -> memref<10000x128xf32, #tpu.memory_space<hbm>>
      tpu.enqueue_indirect_dma source(%dma_start3A_33 : memref<10000x128xf32, #tpu.memory_space<hbm>>) target(%arg11 : memref<128x128xf32, #tpu.memory_space<vmem>>) offsets(%dma_start3A_30 : memref<128xi32, #tpu.memory_space<vmem>>) semaphore(%arg13 : memref<!tpu.dma_semaphore, #tpu.memory_space<semaphore_mem>>)
      %dma_start3A_34 = arith.constant 0 : i32
      %dma_start3A_35 = arith.constant 0 : i32
      %dma_start3A_36 = tpu.memref_slice %arg10[%dma_start3A_34, %dma_start3A_35] : memref<2x128xi32, #tpu.memory_space<vmem>> -> memref<1x128xi32, #tpu.memory_space<vmem>>
      %dma_start3A_37 = tpu.memref_squeeze %dma_start3A_36 : memref<1x128xi32, #tpu.memory_space<vmem>> -> memref<128xi32, #tpu.memory_space<vmem>>
      %dma_start3A_38 = arith.constant 0 : i32
      %dma_start3A_39 = arith.constant 0 : i32
      %dma_start3A_40 = tpu.memref_slice %arg3[%dma_start3A_38, %dma_start3A_39] : memref<10000x128xf32, #tpu.memory_space<hbm>> -> memref<10000x128xf32, #tpu.memory_space<hbm>>
      tpu.enqueue_indirect_dma source(%dma_start3A_40 : memref<10000x128xf32, #tpu.memory_space<hbm>>) target(%arg12 : memref<128x128xf32, #tpu.memory_space<vmem>>) offsets(%dma_start3A_37 : memref<128xi32, #tpu.memory_space<vmem>>) semaphore(%arg14 : memref<!tpu.dma_semaphore, #tpu.memory_space<semaphore_mem>>)
      %scan3A = arith.constant 0 : i32
      %scan3A_41 = arith.constant 0 : i32
      %scan3A_42 = arith.constant 79 : i32
      %scan3A_43 = arith.addi %scan3A_41, %scan3A_42 : i32
      %scan3A_44 = arith.constant 1 : i32
      scf.for %scan3A_59 = %scan3A_41 to %scan3A_43 step %scan3A_44  : i32 {
        %mul3A = arith.constant 2 : i32
        %mul3A_60 = arith.muli %mul3A, %scan3A_59 : i32
        %dma_wait3A_61 = arith.constant 0 : i32
        %dma_wait3A_62 = arith.constant 0 : i32
        %dma_wait3A_63 = tpu.memref_slice %arg9[%dma_wait3A_61, %dma_wait3A_62] : memref<2x128xi32, #tpu.memory_space<vmem>> -> memref<1x128xi32, #tpu.memory_space<vmem>>
        %dma_wait3A_64 = tpu.memref_squeeze %dma_wait3A_63 : memref<1x128xi32, #tpu.memory_space<vmem>> -> memref<128xi32, #tpu.memory_space<vmem>>
        %dma_wait3A_65 = arith.constant 0 : i32
        %dma_wait3A_66 = arith.constant 0 : i32
        %dma_wait3A_67 = tpu.memref_slice %arg3[%dma_wait3A_65, %dma_wait3A_66] : memref<10000x128xf32, #tpu.memory_space<hbm>> -> memref<10000x128xf32, #tpu.memory_space<hbm>>
        tpu.wait_indirect_dma semaphore(%arg13 : memref<!tpu.dma_semaphore, #tpu.memory_space<semaphore_mem>>) src(%dma_wait3A_67 : memref<10000x128xf32, #tpu.memory_space<hbm>>) dst(%arg11 : memref<128x128xf32, #tpu.memory_space<vmem>>)
        %dma_start3A_68 = arith.constant 1 : i32
        %dma_start3A_69 = arith.constant 0 : i32
        %dma_start3A_70 = tpu.memref_slice %arg9[%dma_start3A_68, %dma_start3A_69] : memref<2x128xi32, #tpu.memory_space<vmem>> -> memref<1x128xi32, #tpu.memory_space<vmem>>
        %dma_start3A_71 = tpu.memref_squeeze %dma_start3A_70 : memref<1x128xi32, #tpu.memory_space<vmem>> -> memref<128xi32, #tpu.memory_space<vmem>>
        %dma_start3A_72 = arith.constant 0 : i32
        %dma_start3A_73 = arith.constant 0 : i32
        %dma_start3A_74 = tpu.memref_slice %arg8[%dma_start3A_72, %dma_start3A_73] : memref<10008x128xf32, #tpu.memory_space<vmem_shared>> -> memref<10008x128xf32, #tpu.memory_space<vmem_shared>>
        tpu.enqueue_indirect_dma source(%arg11 : memref<128x128xf32, #tpu.memory_space<vmem>>) target(%dma_start3A_74 : memref<10008x128xf32, #tpu.memory_space<vmem_shared>>) offsets(%dma_start3A_71 : memref<128xi32, #tpu.memory_space<vmem>>) semaphore(%arg15 : memref<!tpu.dma_semaphore, #tpu.memory_space<semaphore_mem>>) {add = true}
        %dma_wait3A_75 = arith.constant 0 : i32
        %dma_wait3A_76 = arith.constant 0 : i32
        %dma_wait3A_77 = tpu.memref_slice %arg10[%dma_wait3A_75, %dma_wait3A_76] : memref<2x128xi32, #tpu.memory_space<vmem>> -> memref<1x128xi32, #tpu.memory_space<vmem>>
        %dma_wait3A_78 = tpu.memref_squeeze %dma_wait3A_77 : memref<1x128xi32, #tpu.memory_space<vmem>> -> memref<128xi32, #tpu.memory_space<vmem>>
        %dma_wait3A_79 = arith.constant 0 : i32
        %dma_wait3A_80 = arith.constant 0 : i32
        %dma_wait3A_81 = tpu.memref_slice %arg3[%dma_wait3A_79, %dma_wait3A_80] : memref<10000x128xf32, #tpu.memory_space<hbm>> -> memref<10000x128xf32, #tpu.memory_space<hbm>>
        tpu.wait_indirect_dma semaphore(%arg14 : memref<!tpu.dma_semaphore, #tpu.memory_space<semaphore_mem>>) src(%dma_wait3A_81 : memref<10000x128xf32, #tpu.memory_space<hbm>>) dst(%arg12 : memref<128x128xf32, #tpu.memory_space<vmem>>)
        %dma_start3A_82 = arith.constant 1 : i32
        %dma_start3A_83 = arith.constant 0 : i32
        %dma_start3A_84 = tpu.memref_slice %arg10[%dma_start3A_82, %dma_start3A_83] : memref<2x128xi32, #tpu.memory_space<vmem>> -> memref<1x128xi32, #tpu.memory_space<vmem>>
        %dma_start3A_85 = tpu.memref_squeeze %dma_start3A_84 : memref<1x128xi32, #tpu.memory_space<vmem>> -> memref<128xi32, #tpu.memory_space<vmem>>
        %dma_start3A_86 = arith.constant 0 : i32
        %dma_start3A_87 = arith.constant 0 : i32
        %dma_start3A_88 = tpu.memref_slice %arg8[%dma_start3A_86, %dma_start3A_87] : memref<10008x128xf32, #tpu.memory_space<vmem_shared>> -> memref<10008x128xf32, #tpu.memory_space<vmem_shared>>
        tpu.enqueue_indirect_dma source(%arg12 : memref<128x128xf32, #tpu.memory_space<vmem>>) target(%dma_start3A_88 : memref<10008x128xf32, #tpu.memory_space<vmem_shared>>) offsets(%dma_start3A_85 : memref<128xi32, #tpu.memory_space<vmem>>) semaphore(%arg16 : memref<!tpu.dma_semaphore, #tpu.memory_space<semaphore_mem>>) {add = true}
        %lt3A_89 = arith.constant 78 : i32
        %lt3A_90 = arith.cmpi slt, %scan3A_59, %lt3A_89 : i32
        %convert_element_type3A_91 = arith.extui %lt3A_90 : i1 to i32
        %cond3A_92 = arith.constant 0 : i32
        %cond3A_93 = arith.cmpi ne, %convert_element_type3A_91, %cond3A_92 : i32
        scf.if %cond3A_93 {
          %dma_wait3A_94 = arith.constant 1 : i32
          %dma_wait3A_95 = arith.constant 0 : i32
          %dma_wait3A_96 = tpu.memref_slice %arg9[%dma_wait3A_94, %dma_wait3A_95] : memref<2x128xi32, #tpu.memory_space<vmem>> -> memref<1x128xi32, #tpu.memory_space<vmem>>
          %dma_wait3A_97 = tpu.memref_squeeze %dma_wait3A_96 : memref<1x128xi32, #tpu.memory_space<vmem>> -> memref<128xi32, #tpu.memory_space<vmem>>
          %dma_wait3A_98 = arith.constant 0 : i32
          %dma_wait3A_99 = arith.constant 0 : i32
          %dma_wait3A_100 = tpu.memref_slice %arg8[%dma_wait3A_98, %dma_wait3A_99] : memref<10008x128xf32, #tpu.memory_space<vmem_shared>> -> memref<10008x128xf32, #tpu.memory_space<vmem_shared>>
          tpu.wait_indirect_dma semaphore(%arg15 : memref<!tpu.dma_semaphore, #tpu.memory_space<semaphore_mem>>) src(%arg11 : memref<128x128xf32, #tpu.memory_space<vmem>>) dst(%dma_wait3A_100 : memref<10008x128xf32, #tpu.memory_space<vmem_shared>>)
          %add3A = arith.constant 2 : i32
          %add3A_101 = arith.addi %mul3A_60, %add3A : i32
          "tpu.region"() ({
            %run_scoped3A_125 = tpu.sem_alloc : memref<!tpu.dma_semaphore, #tpu.memory_space<semaphore_mem>>
            %dma_start3A_126 = arith.constant 0 : i32
            %dma_start3A_127 = arith.constant 0 : i32
            %dma_start3A_128 = tpu.memref_slice %arg4[%arg1, %add3A_101, %dma_start3A_126, %dma_start3A_127] : memref<16x158x2x128xi32, #tpu.memory_space<hbm>> -> memref<1x1x2x128xi32, #tpu.memory_space<hbm>>
            %dma_start3A_129 = tpu.memref_squeeze %dma_start3A_128 : memref<1x1x2x128xi32, #tpu.memory_space<hbm>> -> memref<2x128xi32, #tpu.memory_space<hbm>>
            %dma_start3A_130 = arith.constant 0 : i32
            %dma_start3A_131 = arith.constant 0 : i32
            %dma_start3A_132 = tpu.memref_slice %arg4[%arg1, %add3A_101, %dma_start3A_130, %dma_start3A_131] : memref<16x158x2x128xi32, #tpu.memory_space<hbm>> -> memref<1x1x2x128xi32, #tpu.memory_space<hbm>>
            %dma_start3A_133 = tpu.memref_squeeze %dma_start3A_132 : memref<1x1x2x128xi32, #tpu.memory_space<hbm>> -> memref<2x128xi32, #tpu.memory_space<hbm>>
            tpu.enqueue_dma source(%dma_start3A_133 : memref<2x128xi32, #tpu.memory_space<hbm>>) target(%arg9 : memref<2x128xi32, #tpu.memory_space<vmem>>) target_semaphore(%run_scoped3A_125 : memref<!tpu.dma_semaphore, #tpu.memory_space<semaphore_mem>>)
            %dma_wait3A_134 = arith.constant 0 : i32
            %dma_wait3A_135 = arith.constant 0 : i32
            %dma_wait3A_136 = tpu.memref_slice %arg4[%arg1, %add3A_101, %dma_wait3A_134, %dma_wait3A_135] : memref<16x158x2x128xi32, #tpu.memory_space<hbm>> -> memref<1x1x2x128xi32, #tpu.memory_space<hbm>>
            %dma_wait3A_137 = tpu.memref_squeeze %dma_wait3A_136 : memref<1x1x2x128xi32, #tpu.memory_space<hbm>> -> memref<2x128xi32, #tpu.memory_space<hbm>>
            %dma_wait3A_138 = arith.constant 0 : i32
            %dma_wait3A_139 = arith.constant 0 : i32
            %dma_wait3A_140 = tpu.memref_slice %arg4[%arg1, %add3A_101, %dma_wait3A_138, %dma_wait3A_139] : memref<16x158x2x128xi32, #tpu.memory_space<hbm>> -> memref<1x1x2x128xi32, #tpu.memory_space<hbm>>
            %dma_wait3A_141 = tpu.memref_squeeze %dma_wait3A_140 : memref<1x1x2x128xi32, #tpu.memory_space<hbm>> -> memref<2x128xi32, #tpu.memory_space<hbm>>
            tpu.wait_dma2 semaphore(%run_scoped3A_125 : memref<!tpu.dma_semaphore, #tpu.memory_space<semaphore_mem>>) src(%dma_wait3A_141 : memref<2x128xi32, #tpu.memory_space<hbm>>) dst(%arg9 : memref<2x128xi32, #tpu.memory_space<vmem>>)
            tpu.yield
          }) : () -> ()
          %dma_start3A_102 = arith.constant 0 : i32
          %dma_start3A_103 = arith.constant 0 : i32
          %dma_start3A_104 = tpu.memref_slice %arg9[%dma_start3A_102, %dma_start3A_103] : memref<2x128xi32, #tpu.memory_space<vmem>> -> memref<1x128xi32, #tpu.memory_space<vmem>>
          %dma_start3A_105 = tpu.memref_squeeze %dma_start3A_104 : memref<1x128xi32, #tpu.memory_space<vmem>> -> memref<128xi32, #tpu.memory_space<vmem>>
          %dma_start3A_106 = arith.constant 0 : i32
          %dma_start3A_107 = arith.constant 0 : i32
          %dma_start3A_108 = tpu.memref_slice %arg3[%dma_start3A_106, %dma_start3A_107] : memref<10000x128xf32, #tpu.memory_space<hbm>> -> memref<10000x128xf32, #tpu.memory_space<hbm>>
          tpu.enqueue_indirect_dma source(%dma_start3A_108 : memref<10000x128xf32, #tpu.memory_space<hbm>>) target(%arg11 : memref<128x128xf32, #tpu.memory_space<vmem>>) offsets(%dma_start3A_105 : memref<128xi32, #tpu.memory_space<vmem>>) semaphore(%arg13 : memref<!tpu.dma_semaphore, #tpu.memory_space<semaphore_mem>>)
          %dma_wait3A_109 = arith.constant 1 : i32
          %dma_wait3A_110 = arith.constant 0 : i32
          %dma_wait3A_111 = tpu.memref_slice %arg10[%dma_wait3A_109, %dma_wait3A_110] : memref<2x128xi32, #tpu.memory_space<vmem>> -> memref<1x128xi32, #tpu.memory_space<vmem>>
          %dma_wait3A_112 = tpu.memref_squeeze %dma_wait3A_111 : memref<1x128xi32, #tpu.memory_space<vmem>> -> memref<128xi32, #tpu.memory_space<vmem>>
          %dma_wait3A_113 = arith.constant 0 : i32
          %dma_wait3A_114 = arith.constant 0 : i32
          %dma_wait3A_115 = tpu.memref_slice %arg8[%dma_wait3A_113, %dma_wait3A_114] : memref<10008x128xf32, #tpu.memory_space<vmem_shared>> -> memref<10008x128xf32, #tpu.memory_space<vmem_shared>>
          tpu.wait_indirect_dma semaphore(%arg16 : memref<!tpu.dma_semaphore, #tpu.memory_space<semaphore_mem>>) src(%arg12 : memref<128x128xf32, #tpu.memory_space<vmem>>) dst(%dma_wait3A_115 : memref<10008x128xf32, #tpu.memory_space<vmem_shared>>)
          %add3A_116 = arith.constant 3 : i32
          %add3A_117 = arith.addi %mul3A_60, %add3A_116 : i32
          "tpu.region"() ({
            %run_scoped3A_125 = tpu.sem_alloc : memref<!tpu.dma_semaphore, #tpu.memory_space<semaphore_mem>>
            %dma_start3A_126 = arith.constant 0 : i32
            %dma_start3A_127 = arith.constant 0 : i32
            %dma_start3A_128 = tpu.memref_slice %arg4[%arg1, %add3A_117, %dma_start3A_126, %dma_start3A_127] : memref<16x158x2x128xi32, #tpu.memory_space<hbm>> -> memref<1x1x2x128xi32, #tpu.memory_space<hbm>>
            %dma_start3A_129 = tpu.memref_squeeze %dma_start3A_128 : memref<1x1x2x128xi32, #tpu.memory_space<hbm>> -> memref<2x128xi32, #tpu.memory_space<hbm>>
            %dma_start3A_130 = arith.constant 0 : i32
            %dma_start3A_131 = arith.constant 0 : i32
            %dma_start3A_132 = tpu.memref_slice %arg4[%arg1, %add3A_117, %dma_start3A_130, %dma_start3A_131] : memref<16x158x2x128xi32, #tpu.memory_space<hbm>> -> memref<1x1x2x128xi32, #tpu.memory_space<hbm>>
            %dma_start3A_133 = tpu.memref_squeeze %dma_start3A_132 : memref<1x1x2x128xi32, #tpu.memory_space<hbm>> -> memref<2x128xi32, #tpu.memory_space<hbm>>
            tpu.enqueue_dma source(%dma_start3A_133 : memref<2x128xi32, #tpu.memory_space<hbm>>) target(%arg10 : memref<2x128xi32, #tpu.memory_space<vmem>>) target_semaphore(%run_scoped3A_125 : memref<!tpu.dma_semaphore, #tpu.memory_space<semaphore_mem>>)
            %dma_wait3A_134 = arith.constant 0 : i32
            %dma_wait3A_135 = arith.constant 0 : i32
            %dma_wait3A_136 = tpu.memref_slice %arg4[%arg1, %add3A_117, %dma_wait3A_134, %dma_wait3A_135] : memref<16x158x2x128xi32, #tpu.memory_space<hbm>> -> memref<1x1x2x128xi32, #tpu.memory_space<hbm>>
            %dma_wait3A_137 = tpu.memref_squeeze %dma_wait3A_136 : memref<1x1x2x128xi32, #tpu.memory_space<hbm>> -> memref<2x128xi32, #tpu.memory_space<hbm>>
            %dma_wait3A_138 = arith.constant 0 : i32
            %dma_wait3A_139 = arith.constant 0 : i32
            %dma_wait3A_140 = tpu.memref_slice %arg4[%arg1, %add3A_117, %dma_wait3A_138, %dma_wait3A_139] : memref<16x158x2x128xi32, #tpu.memory_space<hbm>> -> memref<1x1x2x128xi32, #tpu.memory_space<hbm>>
            %dma_wait3A_141 = tpu.memref_squeeze %dma_wait3A_140 : memref<1x1x2x128xi32, #tpu.memory_space<hbm>> -> memref<2x128xi32, #tpu.memory_space<hbm>>
            tpu.wait_dma2 semaphore(%run_scoped3A_125 : memref<!tpu.dma_semaphore, #tpu.memory_space<semaphore_mem>>) src(%dma_wait3A_141 : memref<2x128xi32, #tpu.memory_space<hbm>>) dst(%arg10 : memref<2x128xi32, #tpu.memory_space<vmem>>)
            tpu.yield
          }) : () -> ()
          %dma_start3A_118 = arith.constant 0 : i32
          %dma_start3A_119 = arith.constant 0 : i32
          %dma_start3A_120 = tpu.memref_slice %arg10[%dma_start3A_118, %dma_start3A_119] : memref<2x128xi32, #tpu.memory_space<vmem>> -> memref<1x128xi32, #tpu.memory_space<vmem>>
          %dma_start3A_121 = tpu.memref_squeeze %dma_start3A_120 : memref<1x128xi32, #tpu.memory_space<vmem>> -> memref<128xi32, #tpu.memory_space<vmem>>
          %dma_start3A_122 = arith.constant 0 : i32
          %dma_start3A_123 = arith.constant 0 : i32
          %dma_start3A_124 = tpu.memref_slice %arg3[%dma_start3A_122, %dma_start3A_123] : memref<10000x128xf32, #tpu.memory_space<hbm>> -> memref<10000x128xf32, #tpu.memory_space<hbm>>
          tpu.enqueue_indirect_dma source(%dma_start3A_124 : memref<10000x128xf32, #tpu.memory_space<hbm>>) target(%arg12 : memref<128x128xf32, #tpu.memory_space<vmem>>) offsets(%dma_start3A_121 : memref<128xi32, #tpu.memory_space<vmem>>) semaphore(%arg14 : memref<!tpu.dma_semaphore, #tpu.memory_space<semaphore_mem>>)
        } else {
        }
      }
      %scan3A_45 = arith.constant 79 : i32
      %dma_wait3A = arith.constant 1 : i32
      %dma_wait3A_46 = arith.constant 0 : i32
      %dma_wait3A_47 = tpu.memref_slice %arg9[%dma_wait3A, %dma_wait3A_46] : memref<2x128xi32, #tpu.memory_space<vmem>> -> memref<1x128xi32, #tpu.memory_space<vmem>>
      %dma_wait3A_48 = tpu.memref_squeeze %dma_wait3A_47 : memref<1x128xi32, #tpu.memory_space<vmem>> -> memref<128xi32, #tpu.memory_space<vmem>>
      %dma_wait3A_49 = arith.constant 0 : i32
      %dma_wait3A_50 = arith.constant 0 : i32
      %dma_wait3A_51 = tpu.memref_slice %arg8[%dma_wait3A_49, %dma_wait3A_50] : memref<10008x128xf32, #tpu.memory_space<vmem_shared>> -> memref<10008x128xf32, #tpu.memory_space<vmem_shared>>
      tpu.wait_indirect_dma semaphore(%arg15 : memref<!tpu.dma_semaphore, #tpu.memory_space<semaphore_mem>>) src(%arg11 : memref<128x128xf32, #tpu.memory_space<vmem>>) dst(%dma_wait3A_51 : memref<10008x128xf32, #tpu.memory_space<vmem_shared>>)
      %dma_wait3A_52 = arith.constant 1 : i32
      %dma_wait3A_53 = arith.constant 0 : i32
      %dma_wait3A_54 = tpu.memref_slice %arg10[%dma_wait3A_52, %dma_wait3A_53] : memref<2x128xi32, #tpu.memory_space<vmem>> -> memref<1x128xi32, #tpu.memory_space<vmem>>
      %dma_wait3A_55 = tpu.memref_squeeze %dma_wait3A_54 : memref<1x128xi32, #tpu.memory_space<vmem>> -> memref<128xi32, #tpu.memory_space<vmem>>
      %dma_wait3A_56 = arith.constant 0 : i32
      %dma_wait3A_57 = arith.constant 0 : i32
      %dma_wait3A_58 = tpu.memref_slice %arg8[%dma_wait3A_56, %dma_wait3A_57] : memref<10008x128xf32, #tpu.memory_space<vmem_shared>> -> memref<10008x128xf32, #tpu.memory_space<vmem_shared>>
      tpu.wait_indirect_dma semaphore(%arg16 : memref<!tpu.dma_semaphore, #tpu.memory_space<semaphore_mem>>) src(%arg12 : memref<128x128xf32, #tpu.memory_space<vmem>>) dst(%dma_wait3A_58 : memref<10008x128xf32, #tpu.memory_space<vmem_shared>>)
    } else {
    }
    %barrier3A_16 = arith.constant 0 : index
    tpu.barrier barrier_id(%barrier3A_16)
    %eq3A_17 = arith.constant 0 : i32
    %eq3A_18 = arith.cmpi eq, %arg0, %eq3A_17 : i32
    %convert_element_type3A_19 = arith.extui %eq3A_18 : i1 to i32
    %cond3A_20 = arith.constant 0 : i32
    %cond3A_21 = arith.cmpi ne, %convert_element_type3A_19, %cond3A_20 : i32
    scf.if %cond3A_21 {
      %lt3A_27 = arith.constant 15 : i32
      %lt3A_28 = arith.cmpi slt, %arg1, %lt3A_27 : i32
      %convert_element_type3A_29 = arith.extui %lt3A_28 : i1 to i32
      %cond3A_30 = arith.constant 0 : i32
      %cond3A_31 = arith.cmpi ne, %convert_element_type3A_29, %cond3A_30 : i32
      scf.if %cond3A_31 {
        %mul3A = arith.constant 624 : i32
        %mul3A_37 = arith.muli %arg1, %mul3A : i32
        %multiple_of3A = tpu.assume_multiple %mul3A_37, 8 : i32
        "tpu.region"() ({
          %run_scoped3A = tpu.sem_alloc : memref<!tpu.dma_semaphore, #tpu.memory_space<semaphore_mem>>
          %dma_start3A = arith.constant 0 : i32
          %dma_start3A_38 = tpu.memref_slice %arg6[%multiple_of3A, %dma_start3A] : memref<10000x128xf32, #tpu.memory_space<hbm>> -> memref<624x128xf32, #tpu.memory_space<hbm>>
          %dma_start3A_39 = arith.constant 0 : i32
          %dma_start3A_40 = tpu.memref_slice %arg8[%multiple_of3A, %dma_start3A_39] : memref<10008x128xf32, #tpu.memory_space<vmem_shared>> -> memref<624x128xf32, #tpu.memory_space<vmem_shared>>
          tpu.enqueue_dma source(%dma_start3A_40 : memref<624x128xf32, #tpu.memory_space<vmem_shared>>) target(%dma_start3A_38 : memref<624x128xf32, #tpu.memory_space<hbm>>) target_semaphore(%run_scoped3A : memref<!tpu.dma_semaphore, #tpu.memory_space<semaphore_mem>>)
          %dma_wait3A = arith.constant 0 : i32
          %dma_wait3A_41 = tpu.memref_slice %arg6[%multiple_of3A, %dma_wait3A] : memref<10000x128xf32, #tpu.memory_space<hbm>> -> memref<624x128xf32, #tpu.memory_space<hbm>>
          %dma_wait3A_42 = arith.constant 0 : i32
          %dma_wait3A_43 = tpu.memref_slice %arg8[%multiple_of3A, %dma_wait3A_42] : memref<10008x128xf32, #tpu.memory_space<vmem_shared>> -> memref<624x128xf32, #tpu.memory_space<vmem_shared>>
          tpu.wait_dma2 semaphore(%run_scoped3A : memref<!tpu.dma_semaphore, #tpu.memory_space<semaphore_mem>>) src(%dma_wait3A_43 : memref<624x128xf32, #tpu.memory_space<vmem_shared>>) dst(%dma_wait3A_41 : memref<624x128xf32, #tpu.memory_space<hbm>>)
          tpu.yield
        }) : () -> ()
      } else {
      }
      %eq3A_32 = arith.constant 15 : i32
      %eq3A_33 = arith.cmpi eq, %arg1, %eq3A_32 : i32
      %convert_element_type3A_34 = arith.extui %eq3A_33 : i1 to i32
      %cond3A_35 = arith.constant 0 : i32
      %cond3A_36 = arith.cmpi ne, %convert_element_type3A_34, %cond3A_35 : i32
      scf.if %cond3A_36 {
        "tpu.region"() ({
          %run_scoped3A = tpu.sem_alloc : memref<!tpu.dma_semaphore, #tpu.memory_space<semaphore_mem>>
          %dma_start3A = arith.constant 9360 : i32
          %dma_start3A_37 = arith.constant 0 : i32
          %dma_start3A_38 = tpu.memref_slice %arg6[%dma_start3A, %dma_start3A_37] : memref<10000x128xf32, #tpu.memory_space<hbm>> -> memref<640x128xf32, #tpu.memory_space<hbm>>
          %dma_start3A_39 = arith.constant 9360 : i32
          %dma_start3A_40 = arith.constant 0 : i32
          %dma_start3A_41 = tpu.memref_slice %arg8[%dma_start3A_39, %dma_start3A_40] : memref<10008x128xf32, #tpu.memory_space<vmem_shared>> -> memref<640x128xf32, #tpu.memory_space<vmem_shared>>
          tpu.enqueue_dma source(%dma_start3A_41 : memref<640x128xf32, #tpu.memory_space<vmem_shared>>) target(%dma_start3A_38 : memref<640x128xf32, #tpu.memory_space<hbm>>) target_semaphore(%run_scoped3A : memref<!tpu.dma_semaphore, #tpu.memory_space<semaphore_mem>>)
          %dma_wait3A = arith.constant 9360 : i32
          %dma_wait3A_42 = arith.constant 0 : i32
          %dma_wait3A_43 = tpu.memref_slice %arg6[%dma_wait3A, %dma_wait3A_42] : memref<10000x128xf32, #tpu.memory_space<hbm>> -> memref<640x128xf32, #tpu.memory_space<hbm>>
          %dma_wait3A_44 = arith.constant 9360 : i32
          %dma_wait3A_45 = arith.constant 0 : i32
          %dma_wait3A_46 = tpu.memref_slice %arg8[%dma_wait3A_44, %dma_wait3A_45] : memref<10008x128xf32, #tpu.memory_space<vmem_shared>> -> memref<640x128xf32, #tpu.memory_space<vmem_shared>>
          tpu.wait_dma2 semaphore(%run_scoped3A : memref<!tpu.dma_semaphore, #tpu.memory_space<semaphore_mem>>) src(%dma_wait3A_46 : memref<640x128xf32, #tpu.memory_space<vmem_shared>>) dst(%dma_wait3A_43 : memref<640x128xf32, #tpu.memory_space<hbm>>)
          tpu.yield
        }) : () -> ()
      } else {
      }
    } else {
    }
    %eq3A_22 = arith.constant 1 : i32
    %eq3A_23 = arith.cmpi eq, %arg0, %eq3A_22 : i32
    %convert_element_type3A_24 = arith.extui %eq3A_23 : i1 to i32
    %cond3A_25 = arith.constant 0 : i32
    %cond3A_26 = arith.cmpi ne, %convert_element_type3A_24, %cond3A_25 : i32
    scf.if %cond3A_26 {
      %lt3A_27 = arith.constant 15 : i32
      %lt3A_28 = arith.cmpi slt, %arg1, %lt3A_27 : i32
      %convert_element_type3A_29 = arith.extui %lt3A_28 : i1 to i32
      %cond3A_30 = arith.constant 0 : i32
      %cond3A_31 = arith.cmpi ne, %convert_element_type3A_29, %cond3A_30 : i32
      scf.if %cond3A_31 {
        %mul3A = arith.constant 624 : i32
        %mul3A_37 = arith.muli %arg1, %mul3A : i32
        %multiple_of3A = tpu.assume_multiple %mul3A_37, 8 : i32
        "tpu.region"() ({
          %run_scoped3A = tpu.sem_alloc : memref<!tpu.dma_semaphore, #tpu.memory_space<semaphore_mem>>
          %dma_start3A = arith.constant 0 : i32
          %dma_start3A_38 = tpu.memref_slice %arg7[%multiple_of3A, %dma_start3A] : memref<10000x128xf32, #tpu.memory_space<hbm>> -> memref<624x128xf32, #tpu.memory_space<hbm>>
          %dma_start3A_39 = arith.constant 0 : i32
          %dma_start3A_40 = tpu.memref_slice %arg8[%multiple_of3A, %dma_start3A_39] : memref<10008x128xf32, #tpu.memory_space<vmem_shared>> -> memref<624x128xf32, #tpu.memory_space<vmem_shared>>
          tpu.enqueue_dma source(%dma_start3A_40 : memref<624x128xf32, #tpu.memory_space<vmem_shared>>) target(%dma_start3A_38 : memref<624x128xf32, #tpu.memory_space<hbm>>) target_semaphore(%run_scoped3A : memref<!tpu.dma_semaphore, #tpu.memory_space<semaphore_mem>>)
          %dma_wait3A = arith.constant 0 : i32
          %dma_wait3A_41 = tpu.memref_slice %arg7[%multiple_of3A, %dma_wait3A] : memref<10000x128xf32, #tpu.memory_space<hbm>> -> memref<624x128xf32, #tpu.memory_space<hbm>>
          %dma_wait3A_42 = arith.constant 0 : i32
          %dma_wait3A_43 = tpu.memref_slice %arg8[%multiple_of3A, %dma_wait3A_42] : memref<10008x128xf32, #tpu.memory_space<vmem_shared>> -> memref<624x128xf32, #tpu.memory_space<vmem_shared>>
          tpu.wait_dma2 semaphore(%run_scoped3A : memref<!tpu.dma_semaphore, #tpu.memory_space<semaphore_mem>>) src(%dma_wait3A_43 : memref<624x128xf32, #tpu.memory_space<vmem_shared>>) dst(%dma_wait3A_41 : memref<624x128xf32, #tpu.memory_space<hbm>>)
          tpu.yield
        }) : () -> ()
      } else {
      }
      %eq3A_32 = arith.constant 15 : i32
      %eq3A_33 = arith.cmpi eq, %arg1, %eq3A_32 : i32
      %convert_element_type3A_34 = arith.extui %eq3A_33 : i1 to i32
      %cond3A_35 = arith.constant 0 : i32
      %cond3A_36 = arith.cmpi ne, %convert_element_type3A_34, %cond3A_35 : i32
      scf.if %cond3A_36 {
        "tpu.region"() ({
          %run_scoped3A = tpu.sem_alloc : memref<!tpu.dma_semaphore, #tpu.memory_space<semaphore_mem>>
          %dma_start3A = arith.constant 9360 : i32
          %dma_start3A_37 = arith.constant 0 : i32
          %dma_start3A_38 = tpu.memref_slice %arg7[%dma_start3A, %dma_start3A_37] : memref<10000x128xf32, #tpu.memory_space<hbm>> -> memref<640x128xf32, #tpu.memory_space<hbm>>
          %dma_start3A_39 = arith.constant 9360 : i32
          %dma_start3A_40 = arith.constant 0 : i32
          %dma_start3A_41 = tpu.memref_slice %arg8[%dma_start3A_39, %dma_start3A_40] : memref<10008x128xf32, #tpu.memory_space<vmem_shared>> -> memref<640x128xf32, #tpu.memory_space<vmem_shared>>
          tpu.enqueue_dma source(%dma_start3A_41 : memref<640x128xf32, #tpu.memory_space<vmem_shared>>) target(%dma_start3A_38 : memref<640x128xf32, #tpu.memory_space<hbm>>) target_semaphore(%run_scoped3A : memref<!tpu.dma_semaphore, #tpu.memory_space<semaphore_mem>>)
          %dma_wait3A = arith.constant 9360 : i32
          %dma_wait3A_42 = arith.constant 0 : i32
          %dma_wait3A_43 = tpu.memref_slice %arg7[%dma_wait3A, %dma_wait3A_42] : memref<10000x128xf32, #tpu.memory_space<hbm>> -> memref<640x128xf32, #tpu.memory_space<hbm>>
          %dma_wait3A_44 = arith.constant 9360 : i32
          %dma_wait3A_45 = arith.constant 0 : i32
          %dma_wait3A_46 = tpu.memref_slice %arg8[%dma_wait3A_44, %dma_wait3A_45] : memref<10008x128xf32, #tpu.memory_space<vmem_shared>> -> memref<640x128xf32, #tpu.memory_space<vmem_shared>>
          tpu.wait_dma2 semaphore(%run_scoped3A : memref<!tpu.dma_semaphore, #tpu.memory_space<semaphore_mem>>) src(%dma_wait3A_46 : memref<640x128xf32, #tpu.memory_space<vmem_shared>>) dst(%dma_wait3A_43 : memref<640x128xf32, #tpu.memory_space<hbm>>)
          tpu.yield
        }) : () -> ()
      } else {
      }
    } else {
    }
    return
  }
}

module attributes {stable_mosaic.version = 14 : i64} {
  func.func @_prologue_body(%arg0: i32, %arg1: memref<1000x128xf32, #tpu.memory_space<vmem>>, %arg2: memref<256x128xf32, #tpu.memory_space<vmem>>, %arg3: memref<1x256xf32, #tpu.memory_space<vmem>>, %arg4: memref<1x256xf32, #tpu.memory_space<vmem>>, %arg5: memref<1x256xf32, #tpu.memory_space<vmem>>, %arg6: memref<256x256xf32, #tpu.memory_space<vmem>>, %arg7: memref<256x256xf32, #tpu.memory_space<vmem>>, %arg8: memref<1x256xf32, #tpu.memory_space<vmem>>, %arg9: memref<1000x128xf32, #tpu.memory_space<vmem>>, %arg10: memref<1000x128xf32, #tpu.memory_space<vmem>>, %arg11: memref<1000x256xf32, #tpu.memory_space<vmem>>) attributes {dimension_semantics = [#tpu.dimension_semantics<arbitrary>], iteration_bounds = array<i64: 10>, scalar_prefetch = 0 : i64, scratch_operands = 0 : i64, tpu.core_type = #tpu.core_type<tc>, window_params = [{transform_indices = @transform_0, window_bounds = array<i64: 1000, 128>}, {pipeline_mode = #tpu.pipeline_mode<synchronous>, transform_indices = @transform_1, window_bounds = array<i64: 256, 128>}, {pipeline_mode = #tpu.pipeline_mode<synchronous>, transform_indices = @transform_2, window_bounds = array<i64: 1, 256>}, {pipeline_mode = #tpu.pipeline_mode<synchronous>, transform_indices = @transform_3, window_bounds = array<i64: 1, 256>}, {pipeline_mode = #tpu.pipeline_mode<synchronous>, transform_indices = @transform_4, window_bounds = array<i64: 1, 256>}, {pipeline_mode = #tpu.pipeline_mode<synchronous>, transform_indices = @transform_5, window_bounds = array<i64: 256, 256>}, {pipeline_mode = #tpu.pipeline_mode<synchronous>, transform_indices = @transform_6, window_bounds = array<i64: 256, 256>}, {pipeline_mode = #tpu.pipeline_mode<synchronous>, transform_indices = @transform_7, window_bounds = array<i64: 1, 256>}, {transform_indices = @transform_8, window_bounds = array<i64: 1000, 128>}, {transform_indices = @transform_9, window_bounds = array<i64: 1000, 128>}, {transform_indices = @transform_10, window_bounds = array<i64: 1000, 256>}]} {
    %get3A = arith.constant 0 : index
    %get3A_0 = arith.constant 0 : index
    %get3A_1 = vector.load %arg1[%get3A, %get3A_0] : memref<1000x128xf32, #tpu.memory_space<vmem>>, vector<1000x128xf32>
    %get3A_2 = arith.constant 0 : index
    %get3A_3 = arith.constant 0 : index
    %get3A_4 = vector.load %arg2[%get3A_2, %get3A_3] : memref<256x128xf32, #tpu.memory_space<vmem>>, vector<256x128xf32>
    %dot_general3A = arith.constant dense<0.000000e+00> : vector<1000x256xf32>
    %dot_general3A_5 = tpu.matmul %get3A_1, %get3A_4, %dot_general3A {dimension_numbers = #tpu.dot_dimension_numbers<[1], [1], [0], [0], [0, 0, 1, 0], [], []>, transpose_lhs_hint = false} : vector<1000x128xf32>, vector<256x128xf32>, vector<1000x256xf32> -> vector<1000x256xf32>
    %get3A_6 = arith.constant 0 : index
    %get3A_7 = arith.constant 0 : index
    %get3A_8 = vector.load %arg3[%get3A_6, %get3A_7] : memref<1x256xf32, #tpu.memory_space<vmem>>, vector<1x256xf32>
    %add3A = vector.broadcast %get3A_8 : vector<1x256xf32> to vector<1000x256xf32>
    %add3A_9 = arith.addf %dot_general3A_5, %add3A : vector<1000x256xf32>
    %gt3A = arith.constant 0.000000e+00 : f32
    %gt3A_10 = vector.broadcast %gt3A : f32 to vector<1000x256xf32>
    %gt3A_11 = arith.cmpf ogt, %add3A_9, %gt3A_10 : vector<1000x256xf32>
    %mul3A = arith.constant 0.00999999977 : f32
    %mul3A_12 = vector.broadcast %mul3A : f32 to vector<1000x256xf32>
    %mul3A_13 = arith.mulf %mul3A_12, %add3A_9 : vector<1000x256xf32>
    %select_n3A = arith.select %gt3A_11, %add3A_9, %mul3A_13 : vector<1000x256xi1>, vector<1000x256xf32>
    %get3A_14 = arith.constant 0 : index
    %get3A_15 = arith.constant 0 : index
    %get3A_16 = vector.load %arg4[%get3A_14, %get3A_15] : memref<1x256xf32, #tpu.memory_space<vmem>>, vector<1x256xf32>
    %get3A_17 = arith.constant 0 : index
    %get3A_18 = arith.constant 0 : index
    %get3A_19 = vector.load %arg5[%get3A_17, %get3A_18] : memref<1x256xf32, #tpu.memory_space<vmem>>, vector<1x256xf32>
    %reduce_sum3A = arith.constant dense<0.000000e+00> : vector<1000xf32>
    %reduce_sum3A_20 = vector.multi_reduction <add>, %select_n3A, %reduce_sum3A [1] : vector<1000x256xf32> to vector<1000xf32>
    %broadcast_in_dim3A = vector.shape_cast %reduce_sum3A_20 : vector<1000xf32> to vector<1000x1xf32>
    %div3A = arith.constant 2.560000e+02 : f32
    %div3A_21 = vector.broadcast %div3A : f32 to vector<1000x1xf32>
    %div3A_22 = arith.divf %broadcast_in_dim3A, %div3A_21 : vector<1000x1xf32>
    %sub3A = vector.broadcast %div3A_22 : vector<1000x1xf32> to vector<1000x256xf32>
    %sub3A_23 = arith.subf %select_n3A, %sub3A : vector<1000x256xf32>
    %integer_pow3A = arith.mulf %sub3A_23, %sub3A_23 : vector<1000x256xf32>
    %reduce_sum3A_24 = arith.constant dense<0.000000e+00> : vector<1000xf32>
    %reduce_sum3A_25 = vector.multi_reduction <add>, %integer_pow3A, %reduce_sum3A_24 [1] : vector<1000x256xf32> to vector<1000xf32>
    %broadcast_in_dim3A_26 = vector.shape_cast %reduce_sum3A_25 : vector<1000xf32> to vector<1000x1xf32>
    %div3A_27 = arith.constant 2.560000e+02 : f32
    %div3A_28 = vector.broadcast %div3A_27 : f32 to vector<1000x1xf32>
    %div3A_29 = arith.divf %broadcast_in_dim3A_26, %div3A_28 : vector<1000x1xf32>
    %sub3A_30 = vector.broadcast %div3A_22 : vector<1000x1xf32> to vector<1000x256xf32>
    %sub3A_31 = arith.subf %select_n3A, %sub3A_30 : vector<1000x256xf32>
    %add3A_32 = arith.constant 9.99999974E-6 : f32
    %add3A_33 = vector.broadcast %add3A_32 : f32 to vector<1000x1xf32>
    %add3A_34 = arith.addf %div3A_29, %add3A_33 : vector<1000x1xf32>
    %rsqrt3A = math.rsqrt %add3A_34 : vector<1000x1xf32>
    %mul3A_35 = vector.broadcast %rsqrt3A : vector<1000x1xf32> to vector<1000x256xf32>
    %mul3A_36 = arith.mulf %sub3A_31, %mul3A_35 : vector<1000x256xf32>
    %mul3A_37 = vector.broadcast %get3A_16 : vector<1x256xf32> to vector<1000x256xf32>
    %mul3A_38 = arith.mulf %mul3A_36, %mul3A_37 : vector<1000x256xf32>
    %add3A_39 = vector.broadcast %get3A_19 : vector<1x256xf32> to vector<1000x256xf32>
    %add3A_40 = arith.addf %mul3A_38, %add3A_39 : vector<1000x256xf32>
    %get3A_41 = arith.constant 0 : index
    %get3A_42 = arith.constant 0 : index
    %get3A_43 = vector.load %arg6[%get3A_41, %get3A_42] : memref<256x256xf32, #tpu.memory_space<vmem>>, vector<256x256xf32>
    %dot_general3A_44 = arith.constant dense<0.000000e+00> : vector<1000x256xf32>
    %dot_general3A_45 = tpu.matmul %add3A_40, %get3A_43, %dot_general3A_44 {dimension_numbers = #tpu.dot_dimension_numbers<[1], [1], [0], [0], [0, 0, 1, 0], [], []>, transpose_lhs_hint = false} : vector<1000x256xf32>, vector<256x256xf32>, vector<1000x256xf32> -> vector<1000x256xf32>
    %slice3A = vector.extract_strided_slice %dot_general3A_45 {offsets = [0, 0], sizes = [1000, 128], strides = [1, 1]} : vector<1000x256xf32> to vector<1000x128xf32>
    %swap3A = arith.constant 0 : index
    %swap3A_46 = arith.constant 0 : index
    %swap3A_47 = vector.load %arg9[%swap3A, %swap3A_46] : memref<1000x128xf32, #tpu.memory_space<vmem>>, vector<1000x128xf32>
    tpu.vector_store %arg9[%swap3A, %swap3A_46], %slice3A {strides = array<i32>} : memref<1000x128xf32, #tpu.memory_space<vmem>>, vector<1000x128xf32>,
    %slice3A_48 = vector.extract_strided_slice %dot_general3A_45 {offsets = [0, 128], sizes = [1000, 128], strides = [1, 1]} : vector<1000x256xf32> to vector<1000x128xf32>
    %swap3A_49 = arith.constant 0 : index
    %swap3A_50 = arith.constant 0 : index
    %swap3A_51 = vector.load %arg10[%swap3A_49, %swap3A_50] : memref<1000x128xf32, #tpu.memory_space<vmem>>, vector<1000x128xf32>
    tpu.vector_store %arg10[%swap3A_49, %swap3A_50], %slice3A_48 {strides = array<i32>} : memref<1000x128xf32, #tpu.memory_space<vmem>>, vector<1000x128xf32>,
    %get3A_52 = arith.constant 0 : index
    %get3A_53 = arith.constant 0 : index
    %get3A_54 = vector.load %arg7[%get3A_52, %get3A_53] : memref<256x256xf32, #tpu.memory_space<vmem>>, vector<256x256xf32>
    %dot_general3A_55 = arith.constant dense<0.000000e+00> : vector<1000x256xf32>
    %dot_general3A_56 = tpu.matmul %add3A_40, %get3A_54, %dot_general3A_55 {dimension_numbers = #tpu.dot_dimension_numbers<[1], [1], [0], [0], [0, 0, 1, 0], [], []>, transpose_lhs_hint = false} : vector<1000x256xf32>, vector<256x256xf32>, vector<1000x256xf32> -> vector<1000x256xf32>
    %get3A_57 = arith.constant 0 : index
    %get3A_58 = arith.constant 0 : index
    %get3A_59 = vector.load %arg8[%get3A_57, %get3A_58] : memref<1x256xf32, #tpu.memory_space<vmem>>, vector<1x256xf32>
    %add3A_60 = vector.broadcast %get3A_59 : vector<1x256xf32> to vector<1000x256xf32>
    %add3A_61 = arith.addf %dot_general3A_56, %add3A_60 : vector<1000x256xf32>
    %swap3A_62 = arith.constant 0 : index
    %swap3A_63 = arith.constant 0 : index
    %swap3A_64 = vector.load %arg11[%swap3A_62, %swap3A_63] : memref<1000x256xf32, #tpu.memory_space<vmem>>, vector<1000x256xf32>
    tpu.vector_store %arg11[%swap3A_62, %swap3A_63], %add3A_61 {strides = array<i32>} : memref<1000x256xf32, #tpu.memory_space<vmem>>, vector<1000x256xf32>,
    return
  }
  func.func @transform_0(%arg0: i32) -> (i32, i32) {
    %c0_i32 = arith.constant 0 : i32
    %c0_i32_0 = arith.constant 0 : i32
    return %arg0, %c0_i32 : i32, i32
  }
  func.func @transform_1(%arg0: i32) -> (i32, i32) {
    %c0_i32 = arith.constant 0 : i32
    %c0_i32_0 = arith.constant 0 : i32
    %c0_i32_1 = arith.constant 0 : i32
    return %c0_i32, %c0_i32_0 : i32, i32
  }
  func.func @transform_2(%arg0: i32) -> (i32, i32) {
    %c0_i32 = arith.constant 0 : i32
    %c0_i32_0 = arith.constant 0 : i32
    %c0_i32_1 = arith.constant 0 : i32
    return %c0_i32, %c0_i32_0 : i32, i32
  }
  func.func @transform_3(%arg0: i32) -> (i32, i32) {
    %c0_i32 = arith.constant 0 : i32
    %c0_i32_0 = arith.constant 0 : i32
    %c0_i32_1 = arith.constant 0 : i32
    return %c0_i32, %c0_i32_0 : i32, i32
  }
  func.func @transform_4(%arg0: i32) -> (i32, i32) {
    %c0_i32 = arith.constant 0 : i32
    %c0_i32_0 = arith.constant 0 : i32
    %c0_i32_1 = arith.constant 0 : i32
    return %c0_i32, %c0_i32_0 : i32, i32
  }
  func.func @transform_5(%arg0: i32) -> (i32, i32) {
    %c0_i32 = arith.constant 0 : i32
    %c0_i32_0 = arith.constant 0 : i32
    %c0_i32_1 = arith.constant 0 : i32
    return %c0_i32, %c0_i32_0 : i32, i32
  }
  func.func @transform_6(%arg0: i32) -> (i32, i32) {
    %c0_i32 = arith.constant 0 : i32
    %c0_i32_0 = arith.constant 0 : i32
    %c0_i32_1 = arith.constant 0 : i32
    return %c0_i32, %c0_i32_0 : i32, i32
  }
  func.func @transform_7(%arg0: i32) -> (i32, i32) {
    %c0_i32 = arith.constant 0 : i32
    %c0_i32_0 = arith.constant 0 : i32
    %c0_i32_1 = arith.constant 0 : i32
    return %c0_i32, %c0_i32_0 : i32, i32
  }
  func.func @transform_8(%arg0: i32) -> (i32, i32) {
    %c0_i32 = arith.constant 0 : i32
    %c0_i32_0 = arith.constant 0 : i32
    return %arg0, %c0_i32 : i32, i32
  }
  func.func @transform_9(%arg0: i32) -> (i32, i32) {
    %c0_i32 = arith.constant 0 : i32
    %c0_i32_0 = arith.constant 0 : i32
    return %arg0, %c0_i32 : i32, i32
  }
  func.func @transform_10(%arg0: i32) -> (i32, i32) {
    %c0_i32 = arith.constant 0 : i32
    %c0_i32_0 = arith.constant 0 : i32
    return %arg0, %c0_i32 : i32, i32
  }
}

module attributes {stable_mosaic.version = 14 : i64} {
  func.func @_scale_body(%arg0: i32, %arg1: memref<1000x128xf32, #tpu.memory_space<vmem>>, %arg2: memref<1000x128xf32, #tpu.memory_space<vmem>>, %arg3: memref<1000x128xf32, #tpu.memory_space<vmem>>, %arg4: memref<1000x128xf32, #tpu.memory_space<vmem>>, %arg5: memref<1000x128xf32, #tpu.memory_space<vmem>>) attributes {dimension_semantics = [#tpu.dimension_semantics<arbitrary>], iteration_bounds = array<i64: 10>, scalar_prefetch = 0 : i64, scratch_operands = 0 : i64, tpu.core_type = #tpu.core_type<tc>, window_params = [{transform_indices = @transform_0, window_bounds = array<i64: 1000, 128>}, {transform_indices = @transform_1, window_bounds = array<i64: 1000, 128>}, {transform_indices = @transform_2, window_bounds = array<i64: 1000, 128>}, {transform_indices = @transform_3, window_bounds = array<i64: 1000, 128>}, {transform_indices = @transform_4, window_bounds = array<i64: 1000, 128>}]} {
    %get3A = arith.constant 0 : index
    %get3A_0 = arith.constant 0 : index
    %get3A_1 = vector.load %arg3[%get3A, %get3A_0] : memref<1000x128xf32, #tpu.memory_space<vmem>>, vector<1000x128xf32>
    %slice3A = vector.extract_strided_slice %get3A_1 {offsets = [0, 0], sizes = [1000, 1], strides = [1, 1]} : vector<1000x128xf32> to vector<1000x1xf32>
    %eq3A = arith.constant 0.000000e+00 : f32
    %eq3A_2 = vector.broadcast %eq3A : f32 to vector<1000x1xf32>
    %eq3A_3 = arith.cmpf oeq, %slice3A, %eq3A_2 : vector<1000x1xf32>
    %div3A = arith.constant 1.000000e+00 : f32
    %div3A_4 = vector.broadcast %div3A : f32 to vector<1000x1xf32>
    %div3A_5 = arith.divf %div3A_4, %slice3A : vector<1000x1xf32>
    %jit3A = arith.constant 0.000000e+00 : f32
    %broadcast_in_dim3A = vector.broadcast %jit3A : f32 to vector<1000x1xf32>
    %select_n3A = arith.select %eq3A_3, %broadcast_in_dim3A, %div3A_5 : vector<1000x1xi1>, vector<1000x1xf32>
    %get3A_6 = arith.constant 0 : index
    %get3A_7 = arith.constant 0 : index
    %get3A_8 = vector.load %arg1[%get3A_6, %get3A_7] : memref<1000x128xf32, #tpu.memory_space<vmem>>, vector<1000x128xf32>
    %mul3A = vector.broadcast %select_n3A : vector<1000x1xf32> to vector<1000x128xf32>
    %mul3A_9 = arith.mulf %get3A_8, %mul3A : vector<1000x128xf32>
    %swap3A = arith.constant 0 : index
    %swap3A_10 = arith.constant 0 : index
    %swap3A_11 = vector.load %arg4[%swap3A, %swap3A_10] : memref<1000x128xf32, #tpu.memory_space<vmem>>, vector<1000x128xf32>
    tpu.vector_store %arg4[%swap3A, %swap3A_10], %mul3A_9 {strides = array<i32>} : memref<1000x128xf32, #tpu.memory_space<vmem>>, vector<1000x128xf32>,
    %get3A_12 = arith.constant 0 : index
    %get3A_13 = arith.constant 0 : index
    %get3A_14 = vector.load %arg2[%get3A_12, %get3A_13] : memref<1000x128xf32, #tpu.memory_space<vmem>>, vector<1000x128xf32>
    %mul3A_15 = vector.broadcast %select_n3A : vector<1000x1xf32> to vector<1000x128xf32>
    %mul3A_16 = arith.mulf %get3A_14, %mul3A_15 : vector<1000x128xf32>
    %swap3A_17 = arith.constant 0 : index
    %swap3A_18 = arith.constant 0 : index
    %swap3A_19 = vector.load %arg5[%swap3A_17, %swap3A_18] : memref<1000x128xf32, #tpu.memory_space<vmem>>, vector<1000x128xf32>
    tpu.vector_store %arg5[%swap3A_17, %swap3A_18], %mul3A_16 {strides = array<i32>} : memref<1000x128xf32, #tpu.memory_space<vmem>>, vector<1000x128xf32>,
    return
  }
  func.func @transform_0(%arg0: i32) -> (i32, i32) {
    %c0_i32 = arith.constant 0 : i32
    %c0_i32_0 = arith.constant 0 : i32
    return %arg0, %c0_i32 : i32, i32
  }
  func.func @transform_1(%arg0: i32) -> (i32, i32) {
    %c0_i32 = arith.constant 0 : i32
    %c0_i32_0 = arith.constant 0 : i32
    return %arg0, %c0_i32 : i32, i32
  }
  func.func @transform_2(%arg0: i32) -> (i32, i32) {
    %c0_i32 = arith.constant 0 : i32
    %c0_i32_0 = arith.constant 0 : i32
    return %arg0, %c0_i32 : i32, i32
  }
  func.func @transform_3(%arg0: i32) -> (i32, i32) {
    %c0_i32 = arith.constant 0 : i32
    %c0_i32_0 = arith.constant 0 : i32
    return %arg0, %c0_i32 : i32, i32
  }
  func.func @transform_4(%arg0: i32) -> (i32, i32) {
    %c0_i32 = arith.constant 0 : i32
    %c0_i32_0 = arith.constant 0 : i32
    return %arg0, %c0_i32 : i32, i32
  }
}

module attributes {stable_mosaic.version = 14 : i64} {
  func.func @_epilogue_body(%arg0: i32, %arg1: memref<1000x128xf32, #tpu.memory_space<vmem>>, %arg2: memref<1000x128xf32, #tpu.memory_space<vmem>>, %arg3: memref<1000x128xf32, #tpu.memory_space<vmem>>, %arg4: memref<1x256xf32, #tpu.memory_space<vmem>>, %arg5: memref<1x256xf32, #tpu.memory_space<vmem>>, %arg6: memref<1x256xf32, #tpu.memory_space<vmem>>, %arg7: memref<1000x256xf32, #tpu.memory_space<vmem>>, %arg8: memref<1000x256xf32, #tpu.memory_space<vmem>>) attributes {dimension_semantics = [#tpu.dimension_semantics<arbitrary>], iteration_bounds = array<i64: 10>, scalar_prefetch = 0 : i64, scratch_operands = 0 : i64, tpu.core_type = #tpu.core_type<tc>, window_params = [{transform_indices = @transform_0, window_bounds = array<i64: 1000, 128>}, {transform_indices = @transform_1, window_bounds = array<i64: 1000, 128>}, {transform_indices = @transform_2, window_bounds = array<i64: 1000, 128>}, {pipeline_mode = #tpu.pipeline_mode<synchronous>, transform_indices = @transform_3, window_bounds = array<i64: 1, 256>}, {pipeline_mode = #tpu.pipeline_mode<synchronous>, transform_indices = @transform_4, window_bounds = array<i64: 1, 256>}, {pipeline_mode = #tpu.pipeline_mode<synchronous>, transform_indices = @transform_5, window_bounds = array<i64: 1, 256>}, {transform_indices = @transform_6, window_bounds = array<i64: 1000, 256>}, {transform_indices = @transform_7, window_bounds = array<i64: 1000, 256>}]} {
    %get3A = arith.constant 0 : index
    %get3A_0 = arith.constant 0 : index
    %get3A_1 = vector.load %arg3[%get3A, %get3A_0] : memref<1000x128xf32, #tpu.memory_space<vmem>>, vector<1000x128xf32>
    %slice3A = vector.extract_strided_slice %get3A_1 {offsets = [0, 0], sizes = [1000, 1], strides = [1, 1]} : vector<1000x128xf32> to vector<1000x1xf32>
    %eq3A = arith.constant 0.000000e+00 : f32
    %eq3A_2 = vector.broadcast %eq3A : f32 to vector<1000x1xf32>
    %eq3A_3 = arith.cmpf oeq, %slice3A, %eq3A_2 : vector<1000x1xf32>
    %div3A = arith.constant 1.000000e+00 : f32
    %div3A_4 = vector.broadcast %div3A : f32 to vector<1000x1xf32>
    %div3A_5 = arith.divf %div3A_4, %slice3A : vector<1000x1xf32>
    %jit3A = arith.constant 0.000000e+00 : f32
    %broadcast_in_dim3A = vector.broadcast %jit3A : f32 to vector<1000x1xf32>
    %select_n3A = arith.select %eq3A_3, %broadcast_in_dim3A, %div3A_5 : vector<1000x1xi1>, vector<1000x1xf32>
    %get3A_6 = arith.constant 0 : index
    %get3A_7 = arith.constant 0 : index
    %get3A_8 = vector.load %arg1[%get3A_6, %get3A_7] : memref<1000x128xf32, #tpu.memory_space<vmem>>, vector<1000x128xf32>
    %get3A_9 = arith.constant 0 : index
    %get3A_10 = arith.constant 0 : index
    %get3A_11 = vector.load %arg2[%get3A_9, %get3A_10] : memref<1000x128xf32, #tpu.memory_space<vmem>>, vector<1000x128xf32>
    %concatenate3A = tpu.concatenate %get3A_8, %get3A_11 in 1 : vector<1000x128xf32>, vector<1000x128xf32> -> vector<1000x256xf32>
    %mul3A = vector.broadcast %select_n3A : vector<1000x1xf32> to vector<1000x256xf32>
    %mul3A_12 = arith.mulf %concatenate3A, %mul3A : vector<1000x256xf32>
    %get3A_13 = arith.constant 0 : index
    %get3A_14 = arith.constant 0 : index
    %get3A_15 = vector.load %arg4[%get3A_13, %get3A_14] : memref<1x256xf32, #tpu.memory_space<vmem>>, vector<1x256xf32>
    %add3A = vector.broadcast %get3A_15 : vector<1x256xf32> to vector<1000x256xf32>
    %add3A_16 = arith.addf %mul3A_12, %add3A : vector<1000x256xf32>
    %gt3A = arith.constant 0.000000e+00 : f32
    %gt3A_17 = vector.broadcast %gt3A : f32 to vector<1000x256xf32>
    %gt3A_18 = arith.cmpf ogt, %add3A_16, %gt3A_17 : vector<1000x256xf32>
    %mul3A_19 = arith.constant 0.00999999977 : f32
    %mul3A_20 = vector.broadcast %mul3A_19 : f32 to vector<1000x256xf32>
    %mul3A_21 = arith.mulf %mul3A_20, %add3A_16 : vector<1000x256xf32>
    %select_n3A_22 = arith.select %gt3A_18, %add3A_16, %mul3A_21 : vector<1000x256xi1>, vector<1000x256xf32>
    %get3A_23 = arith.constant 0 : index
    %get3A_24 = arith.constant 0 : index
    %get3A_25 = vector.load %arg5[%get3A_23, %get3A_24] : memref<1x256xf32, #tpu.memory_space<vmem>>, vector<1x256xf32>
    %get3A_26 = arith.constant 0 : index
    %get3A_27 = arith.constant 0 : index
    %get3A_28 = vector.load %arg6[%get3A_26, %get3A_27] : memref<1x256xf32, #tpu.memory_space<vmem>>, vector<1x256xf32>
    %reduce_sum3A = arith.constant dense<0.000000e+00> : vector<1000xf32>
    %reduce_sum3A_29 = vector.multi_reduction <add>, %select_n3A_22, %reduce_sum3A [1] : vector<1000x256xf32> to vector<1000xf32>
    %broadcast_in_dim3A_30 = vector.shape_cast %reduce_sum3A_29 : vector<1000xf32> to vector<1000x1xf32>
    %div3A_31 = arith.constant 2.560000e+02 : f32
    %div3A_32 = vector.broadcast %div3A_31 : f32 to vector<1000x1xf32>
    %div3A_33 = arith.divf %broadcast_in_dim3A_30, %div3A_32 : vector<1000x1xf32>
    %sub3A = vector.broadcast %div3A_33 : vector<1000x1xf32> to vector<1000x256xf32>
    %sub3A_34 = arith.subf %select_n3A_22, %sub3A : vector<1000x256xf32>
    %integer_pow3A = arith.mulf %sub3A_34, %sub3A_34 : vector<1000x256xf32>
    %reduce_sum3A_35 = arith.constant dense<0.000000e+00> : vector<1000xf32>
    %reduce_sum3A_36 = vector.multi_reduction <add>, %integer_pow3A, %reduce_sum3A_35 [1] : vector<1000x256xf32> to vector<1000xf32>
    %broadcast_in_dim3A_37 = vector.shape_cast %reduce_sum3A_36 : vector<1000xf32> to vector<1000x1xf32>
    %div3A_38 = arith.constant 2.560000e+02 : f32
    %div3A_39 = vector.broadcast %div3A_38 : f32 to vector<1000x1xf32>
    %div3A_40 = arith.divf %broadcast_in_dim3A_37, %div3A_39 : vector<1000x1xf32>
    %sub3A_41 = vector.broadcast %div3A_33 : vector<1000x1xf32> to vector<1000x256xf32>
    %sub3A_42 = arith.subf %select_n3A_22, %sub3A_41 : vector<1000x256xf32>
    %add3A_43 = arith.constant 9.99999974E-6 : f32
    %add3A_44 = vector.broadcast %add3A_43 : f32 to vector<1000x1xf32>
    %add3A_45 = arith.addf %div3A_40, %add3A_44 : vector<1000x1xf32>
    %rsqrt3A = math.rsqrt %add3A_45 : vector<1000x1xf32>
    %mul3A_46 = vector.broadcast %rsqrt3A : vector<1000x1xf32> to vector<1000x256xf32>
    %mul3A_47 = arith.mulf %sub3A_42, %mul3A_46 : vector<1000x256xf32>
    %mul3A_48 = vector.broadcast %get3A_25 : vector<1x256xf32> to vector<1000x256xf32>
    %mul3A_49 = arith.mulf %mul3A_47, %mul3A_48 : vector<1000x256xf32>
    %add3A_50 = vector.broadcast %get3A_28 : vector<1x256xf32> to vector<1000x256xf32>
    %add3A_51 = arith.addf %mul3A_49, %add3A_50 : vector<1000x256xf32>
    %get3A_52 = arith.constant 0 : index
    %get3A_53 = arith.constant 0 : index
    %get3A_54 = vector.load %arg7[%get3A_52, %get3A_53] : memref<1000x256xf32, #tpu.memory_space<vmem>>, vector<1000x256xf32>
    %add3A_55 = arith.addf %add3A_51, %get3A_54 : vector<1000x256xf32>
    %swap3A = arith.constant 0 : index
    %swap3A_56 = arith.constant 0 : index
    %swap3A_57 = vector.load %arg8[%swap3A, %swap3A_56] : memref<1000x256xf32, #tpu.memory_space<vmem>>, vector<1000x256xf32>
    tpu.vector_store %arg8[%swap3A, %swap3A_56], %add3A_55 {strides = array<i32>} : memref<1000x256xf32, #tpu.memory_space<vmem>>, vector<1000x256xf32>,
    return
  }
  func.func @transform_0(%arg0: i32) -> (i32, i32) {
    %c0_i32 = arith.constant 0 : i32
    %c0_i32_0 = arith.constant 0 : i32
    return %arg0, %c0_i32 : i32, i32
  }
  func.func @transform_1(%arg0: i32) -> (i32, i32) {
    %c0_i32 = arith.constant 0 : i32
    %c0_i32_0 = arith.constant 0 : i32
    return %arg0, %c0_i32 : i32, i32
  }
  func.func @transform_2(%arg0: i32) -> (i32, i32) {
    %c0_i32 = arith.constant 0 : i32
    %c0_i32_0 = arith.constant 0 : i32
    return %arg0, %c0_i32 : i32, i32
  }
  func.func @transform_3(%arg0: i32) -> (i32, i32) {
    %c0_i32 = arith.constant 0 : i32
    %c0_i32_0 = arith.constant 0 : i32
    %c0_i32_1 = arith.constant 0 : i32
    return %c0_i32, %c0_i32_0 : i32, i32
  }
  func.func @transform_4(%arg0: i32) -> (i32, i32) {
    %c0_i32 = arith.constant 0 : i32
    %c0_i32_0 = arith.constant 0 : i32
    %c0_i32_1 = arith.constant 0 : i32
    return %c0_i32, %c0_i32_0 : i32, i32
  }
  func.func @transform_5(%arg0: i32) -> (i32, i32) {
    %c0_i32 = arith.constant 0 : i32
    %c0_i32_0 = arith.constant 0 : i32
    %c0_i32_1 = arith.constant 0 : i32
    return %c0_i32, %c0_i32_0 : i32, i32
  }
  func.func @transform_6(%arg0: i32) -> (i32, i32) {
    %c0_i32 = arith.constant 0 : i32
    %c0_i32_0 = arith.constant 0 : i32
    return %arg0, %c0_i32 : i32, i32
  }
  func.func @transform_7(%arg0: i32) -> (i32, i32) {
    %c0_i32 = arith.constant 0 : i32
    %c0_i32_0 = arith.constant 0 : i32
    return %arg0, %c0_i32 : i32, i32
  }
}

</mosaic_0001>

<sc_bundles>
// kernel: kernel.11.cloned.1.call-start
scs
__scs_entry_jumppad:
0x0: {  	(pc) =	sbr.rel $0x88, $3  }
0x1: {  	(tag) =	ssettag $0x0;
	lr =	simm.s32 $0x1  }
0x2: {  	[smem:$0x3F95] =	sst lr;
	_ =	strace $0xD0000000  }
0x3: {  	_ = 	snop  }
0x4: {  	_ = 	snop  }
0x5: {  	_ = 	snop  }
0x6: {  	_ = 	snop  }
0x7: {  	_ = 	snop  }
__scs_overlays_trampoline_lowered:
0x8: {  	[smem:$0x3FA4] =	sst s0  }
0x9: {  	[smem:$0x3FA5] =	sst s1  }
0xa: {  	[smem:$0x3FA6] =	sst s2  }
0xb: {  	[smem:$0x3FA7] =	sst s3  }
0xc: {  	[smem:$0x3FA8] =	sst s4  }
0xd: {  	[smem:$0x3FA9] =	sst s5  }
0xe: {  	[smem:$0x3FAA] =	sst s6  }
0xf: {  	[smem:$0x3FAB] =	sst s7  }
0x10: {  	[smem:$0x3FAC] =	sst s8  }
0x11: {  	[smem:$0x3FAD] =	sst s9;
	s0 =	simm.s32 @!p0 $0x0  }
0x12: {  	s1 =	sld [smem:$0x3F93];
	s0 =	simm.s32 @p0 $0x1  }
0x13: {  	[smem:$0x3FAE] =	sst s0;
	s0 =	simm.s32 @!p1 $0x0  }
0x14: {  	s2 =	sld [smem:$0x3F92];
	s0 =	simm.s32 @p1 $0x1  }
0x15: {  	[smem:$0x3FAF] =	sst s0;
	s0 =	simm.s32 @!p2 $0x0  }
0x16: {  	s3 =	sld [smem:$0x3FDB];
	s0 =	simm.s32 @p2 $0x1  }
0x17: {  	s4 =	simm.s32 $0x1BF5;
	[smem:$0x3FB1] =	sst s0  }
0x18: {  	s0 =	sld [smem:$0x3F94];
	_ =	swait.ge [sflag:s4], $0x0  }
0x19: {  	s7 =	sld [smem:$0x3F95]  }
0x1a: {  	s8 =	sadd.s32 $0xFFFFE003, lr  }
0x1b: {  	s9 =	sadd.s32 $0xFFFFFEF7, lr;
	s5 =	simm.s32 $0xFFFFFFFF;
	p2 =	slt.u32 s8, $0xFFFFF086  }
0x1c: {  	p1 =	slt.u32 s9, $0xF7A;
	s5 =	simm.s32 @!p2 $0x0  }
0x1d: {  	s5 =	simm.s32 @p1 $0x1;
	p0 =	seq.s32 s7, s2  }
0x1e: {  	s7 =	smul.u32 @!p0 $0xF7A, s2;
	p2 =	seq.s32 @!p0 s5, $0x0  }
0x1f: {  	s9 =	smul.u32 $0xF7A, s1;
	s8 =	simm.s32 @!p0 $0x1BF5;
	p2 =	por !p2, p0  }
0x20: {  	[sflag:s8] =	ssyncset.s32 @!p0 $0xFFFFF086;
	s6 =	sadd.s32 @!p0 s3, s7;
	s7 =	simm.s32 @!p0 $0x108  }
0x21: {  	s3 =	sadd.s32 s3, s9;
	s6 =	sadd.s32 @!p0 $0x88, s6;
	s7 =	simm.s32 @p2 $0x1082  }
0x22: {  	[simem:s7], [sflag:s8] =	dma.local @!p0 [hbm:s6], $0xF7A  }
0x23: {  	s9 =	sor.u32 $0xD0000000, s2;
	s6 =	simm.s32 $0x108;
	_ =	swait.ge @!p0 [sflag:s8], $0x0  }
0x24: {  	s3 =	sadd.s32 $0x88, s3;
	s6 =	simm.s32 @!p1 $0x1082;
	[sflag:s4] =	ssyncset.s32 $0xFFFFF086  }
0x25: {  	[simem:s6], [sflag:s4] =	dma.local [hbm:s3], $0xF7A  }
0x26: {  	[smem:$0x3F95] =	sst s1;
	(tag) =	ssettag s2;
	_ =	strace s9  }
0x27: {  	s1 =	sld [smem:$0x3FA5]  }
0x28: {  	s2 =	sld [smem:$0x3FA6]  }
0x29: {  	s4 =	sld [smem:$0x3FA8]  }
0x2a: {  	p0 =	seq.s32 s5, $0x0;
	s5 =	sld [smem:$0x3FA9]  }
0x2b: {  	s6 =	sld [smem:$0x3FAA]  }
0x2c: {  	s7 =	sld [smem:$0x3FAB]  }
0x2d: {  	s3 =	simm.s32 $0x108;
	s8 =	sld [smem:$0x3FAC]  }
0x2e: {  	s3 =	simm.s32 @!p0 $0x1082;
	s9 =	sld [smem:$0x3FAD]  }
0x2f: {  	lr =	sadd.s32 s0, s3;
	s0 =	sld [smem:$0x3FA4]  }
0x30: {  	s3 =	sld [smem:$0x3FA7]  }
0x31: {  	[smem:$0x3FB0] =	sst s10  }
0x32: {  	s10 =	sld [smem:$0x3FAE];
	_ =	sdelay $0x3  }
0x33: {  	p0 =	seq.s32 s10, $0x1;
	s10 =	sld [smem:$0x3FB0];
	_ =	sdelay $0x3  }
0x34: {  	[smem:$0x3FB0] =	sst s10  }
0x35: {  	s10 =	sld [smem:$0x3FAF];
	_ =	sdelay $0x3  }
0x36: {  	p1 =	seq.s32 s10, $0x1;
	s10 =	sld [smem:$0x3FB0];
	_ =	sdelay $0x3  }
0x37: {  	[smem:$0x3FB0] =	sst s10  }
0x38: {  	s10 =	sld [smem:$0x3FB1]  }
0x39: {  	_ = 	snop;
	(pc) =	sbr.ind lr, $3  }
0x3a: {  	_ = 	snop  }
0x3b: {  	_ = 	snop  }
0x3c: {  	p2 =	seq.s32 s10, $0x1;
	s10 =	sld [smem:$0x3FB0]  }
0x3d: {  	_ =	shalt  }
0x3e: {  	_ =	shalt  }
0x3f: {  	_ =	shalt  }
0x40: {  	_ =	shalt  }
0x41: {  	_ =	shalt  }
0x42: {  	_ =	shalt  }
0x43: {  	_ =	shalt  }
0x44: {  	_ =	shalt  }
0x45: {  	_ =	shalt  }
0x46: {  	_ =	shalt  }
0x47: {  	_ =	shalt  }
0x48: {  	_ =	shalt  }
0x49: {  	_ =	shalt  }
0x4a: {  	_ =	shalt  }
0x4b: {  	_ =	shalt  }
0x4c: {  	_ =	shalt  }
0x4d: {  	_ =	shalt  }
0x4e: {  	_ =	shalt  }
0x4f: {  	_ =	shalt  }
0x50: {  	_ =	shalt  }
0x51: {  	_ =	shalt  }
0x52: {  	_ =	shalt  }
0x53: {  	_ =	shalt  }
0x54: {  	_ =	shalt  }
0x55: {  	_ =	shalt  }
0x56: {  	_ =	shalt  }
0x57: {  	_ =	shalt  }
0x58: {  	_ =	shalt  }
0x59: {  	_ =	shalt  }
0x5a: {  	_ =	shalt  }
0x5b: {  	_ =	shalt  }
0x5c: {  	_ =	shalt  }
0x5d: {  	_ =	shalt  }
0x5e: {  	_ =	shalt  }
0x5f: {  	_ =	shalt  }
0x60: {  	_ =	shalt  }
0x61: {  	_ =	shalt  }
0x62: {  	_ =	shalt  }
0x63: {  	_ =	shalt  }
0x64: {  	_ =	shalt  }
0x65: {  	_ =	shalt  }
0x66: {  	_ =	shalt  }
0x67: {  	_ =	shalt  }
0x68: {  	_ =	shalt  }
0x69: {  	_ =	shalt  }
0x6a: {  	_ =	shalt  }
0x6b: {  	_ =	shalt  }
0x6c: {  	_ =	shalt  }
0x6d: {  	_ =	shalt  }
0x6e: {  	_ =	shalt  }
0x6f: {  	_ =	shalt  }
0x70: {  	_ =	shalt  }
0x71: {  	_ =	shalt  }
0x72: {  	_ =	shalt  }
0x73: {  	_ =	shalt  }
0x74: {  	_ =	shalt  }
0x75: {  	_ =	shalt  }
0x76: {  	_ =	shalt  }
0x77: {  	_ =	shalt  }
0x78: {  	_ =	shalt  }
0x79: {  	_ =	shalt  }
0x7a: {  	_ =	shalt  }
0x7b: {  	_ =	shalt  }
0x7c: {  	_ =	shalt  }
0x7d: {  	_ =	shalt  }
0x7e: {  	_ =	shalt  }
0x7f: {  	_ =	shalt  }
0x80: {  	_ =	shalt  }
0x81: {  	_ =	shalt  }
0x82: {  	_ =	shalt  }
0x83: {  	_ =	shalt  }
0x84: {  	_ =	shalt  }
0x85: {  	_ =	shalt  }
0x86: {  	_ =	shalt  }
0x87: {  	_ =	shalt  }
.Lfunc_end0:
.L_simem_size_0:
called_computation.1_lowered:
.L_overlay_start_0:
0x88: {  	s2 =	sld [smem:$0x3FD9]  }
0x89: {  	s3 =	sld [smem:$0x3FFE];
	_ =	sdelay $0x1  }
0x8a: {  	s1 =	srdreg.scid  }
0x8b: {  	s0 =	sand.u32 $0x1, s1  }
0x8c: {  	s17 =	sshll.u32 s0, $0xA;
	s2 =	sadd.s32 s3, s2  }
0x8d: {  	s2 =	sadd.s32 s2, s17  }
0x8e: {  	[smem:$0x3FBC] =	sst s2  }
0x8f: {  	_ = 	snop  }
0x90: {  	s2 =	sld [smem:$0x3FD0];
	(tm) =	ssettm $0x1  }
0x91: {  	s18 =	sld [smem:$0x3FFB];
	_ =	sdelay $0x3  }
0x92: {  	_ =	strace s18  }
0x93: {  	s3 =	sld [smem:$0x3FFC];
	_ =	sdelay $0x3  }
0x94: {  	_ =	strace s3  }
0x95: {  	s3 =	sld [smem:$0x3FFD];
	_ =	sdelay $0x3  }
0x96: {  	_ =	strace s3  }
0x97: {  	_ =	strace $0x8FFFFFFF  }
0x98: {  	s19 =	sld [smem:$0x3FDB];
	_ =	sdelay $0x1  }
0x99: {  	s4 =	simm.s32 $_scs_section_size  }
0x9a: {  	s5 =	simm.s32 $_size__tile_overlayer_lowered;
	s6 =	simm.s32 $_tile_overlayer_lowered  }
0x9b: {  	s22 =	simm.s32 $0x1BFF;
	s21 =	sshll.u32 s6, $0x1;
	s3 =	sadd.s32 s4, s19  }
0x9c: {  	s7 =	simm.s32 $0x0;
	s20 =	sshll.u32 s5, $0x1;
	s5 =	sadd.s32 s21, s3  }
0x9d: {  	[timem:s7], [sflag:s22] =	dma.local [hbm:s5], s20  }
0x9e: {  	_ =	swait.ge [sflag:s22], s20  }
0x9f: {  	s4 =	ssub.s32 $0x0, s20;
	[sflag:s22] =	ssyncset.done $0x0  }
0xa0: {  	[sflag:s22] =	ssyncadd.s32 s4;
	_ =	sdelay $0x1  }
0xa1: {  	s23 =	simm.s32 $0x1B8B  }
0xa2: {  	_ =	swait.ge [sflag:s23], $0x1  }
0xa3: {  	[sflag:s23] =	ssyncset.done $0x0  }
0xa4: {  	s25 =	simm.s32 $0x1B8E;
	s24 =	sld [smem:$0x3FFE];
	[sflag:s23] =	ssyncadd.s32 $0xFFFFFFFF  }
0xa5: {  	s26 =	simm.s32 $execute0_lowered;
	[smem:$0x3FD2] =	sst s25  }
0xa6: {  	s5 =	sshll.u32 s26, $0x1;
	_ =	strace $0x80000046;
	[dreg:$0x1] =	wrdreg $0xFFFFFFFF  }
0xa7: {  	s28 =	simm.s32 $_size_execute0_lowered;
	s3 =	sadd.s32 s3, s5;
	[dreg:$0x0] =	wrdreg $0x0  }
0xa8: {  	s5 =	sshll.u32 s28, $0x1;
	[dreg:$0x2] =	wrdreg s3  }
0xa9: {  	[dreg:$0x3] =	wrdreg s5  }
0xaa: {  	[dreg:$0x4] =	wrdreg $0xC0  }
0xab: {  	_ =	task [dreg:s7], $0x5FFFF  }
0xac: {  	[dreg:$0x1] =	wrdreg $0xFFFFFFFF  }
0xad: {  	[dreg:$0x0] =	wrdreg $0x60  }
0xae: {  	[dreg:$0x2] =	wrdreg s2  }
0xaf: {  	[dreg:$0x3] =	wrdreg s24  }
0xb0: {  	[dreg:$0x4] =	wrdreg $0x0  }
0xb1: {  	[dreg:$0x5] =	wrdreg $0xA  }
0xb2: {  	_ =	task.clear_ibuf [dreg:s7], $0x6FFFF;
	_ =	strace $0x90000046  }
0xb3: {  	s29 =	simm.s32 $0xA;
	_ =	strace $0x80000048  }
0xb4: {  	_ =	swait.ge [sflag:s29], $0x1  }
0xb5: {  	[sflag:s29] =	ssyncadd.s32 $0xFFFFFFFF  }
0xb6: {  	_ =	strace $0x90000048  }
0xb7: {  	_ =	sfence  }
0xb8: {  	s30 =	sld [smem:$0x0];
	_ =	sdelay $0x2  }
0xb9: {  	s31 =	sshll.u32 s1, $0xD;
	s1 =	sshrl.u32 s1, $0x2  }
0xba: {  	s3 =	sand.u32 $0x4000, s31;
	s1 =	sadd.s32 s1, s30  }
0xbb: {  	s0 =	sor.u32 s3, s0;
	s1 =	sshll.u32 s1, $0x11  }
0xbc: {  	s0 =	sor.u32 s1, s0  }
0xbd: {  	s0 =	sadd.s32 $0x8F2B, s0  }
0xbe: {  	[sflag:s0] =	ssyncadd.remote.s32 $0x1  }
0xbf: {  	_ =	sfence.sel $0xFFFF  }
0xc0: {  	[dreg:$0x0] =	wrdreg $0xFFFFFFFF;
	(pc) =	sbr.abs _section_cstart, $3  }
0xc1: {  	[dreg:$0x1] =	wrdreg $0xFFFFFFFF  }
0xc2: {  	_ =	task.clear_ibuf [dreg:s7], $0x2FFFF;
	_ =	strace $0x9FFFFFFF  }
0xc3: {  	(tm) =	ssettm $0x7FFFFFFF  }
tec
execute0_lowered:
.L_overlay_start_1:
0x0: {  	(tag) =	ssettag $0x1  }
0x1: {  	s1 =	rddreg [dreg:$0x0]  }
0x2: {  	s0 =	rddreg [dreg:$0x1]  }
0x3: {  	s3 =	rddreg [dreg:$0x2];
	s4 =	simm.s32 $0x0;
	s2 =	stileid.u32  }
0x4: {  	s6 =	srdreg.scid;
	s19 =	simm.s32 $0x5;
	s20 =	simm.s32 $0x139C0  }
0x5: {  	s21 =	simm.s32 $0x80;
	s22 =	simm.s32 $0x13AC0;
	s28 =	simm.s32 $0x13A40  }
0x6: {  	s29 =	simm.s32 $0x3;
	s30 =	simm.s32 $0x4;
	s31 =	simm.s32 $0x0  }
0x7: {  	[smem:$0x7FF] =	sst s4;
	s7 =	smul.u32 $0x2700, s2;
	s5 =	sadd.s32 $0x66800, s0  }
0x8: {  	s18 =	sand.u32 $0x1, s6;
	s8 =	smul.u32 $0x4E000, s2;
	s14 =	sadd.s32 $0x4A00, s0  }
0x9: {  	s10 =	smul.u32 $0x9E00, s2;
	s6 =	sadd.s32 $0x8DA00, s0;
	s15 =	sadd.s32 $0x124800, s3  }
0xa: {  	s16 =	smul.u32 $0x13C0, s2;
	p0 =	seq.s32 s2, $0xF;
	s12 =	sadd.s32 $0xB4B00, s0  }
0xb: {  	_ =	strace $0x80000047;
	s9 =	ssub.s32 $0x2, s18;
	s15 =	sshrl.u32 @p0 s15, $0x3  }
0xc: {  	p1 =	sne.s32 s18, $0x0;
	s18 =	simm.s32 $0x138C0;
	s11 =	sadd.s32 s7, s0  }
0xd: {  	s23 =	sshrl.u32 s9, $0x1;
	s24 =	sshrl.u32 s8, $0x2;
	s25 =	sshrl.u32 s10, $0x3  }
0xe: {  	s10 =	sadd.s32 $0xDBD00, s0;
	s0 =	sshll.u32 @!p0 s2, $0x6;
	s13 =	ssub.s32 s9, s23  }
.Ltmp0:
0xf: {  	s17 =	sadd.s32 s24, s3;
	s7 =	sadd.s32 s14, s25;
	(pc) =	sbr.rel .LBB2_1-.Ltmp0, $4  }
0x10: {  	s26 =	sadd.s32 $0xB7400, s11;
	s11 =	sadd.s32 $0x90200, s11;
	s14 =	sadd.s32 s16, s14  }
0x11: {  	s16 =	sor.u32 @!p0 $0x1C05, s0;
	s23 =	simm.s32 $0x17AC0;
	s24 =	simm.s32 $0x1  }
0x12: {  	s25 =	simm.s32 $0x13940;
	s8 =	sadd.s32 $0x20, s7;
	[dreg:$0x4] =	wrdreg s26  }
0x13: {  	s13 =	smax.u32 s13, $0x1;
	s17 =	sshrl.u32 @!p0 s17, $0x3;
	s26 =	simm.s32 $0x2  }
.LBB2_7:
0x14: {  	[tilespmem:s23], [sflag:$0x2] =	stream.indirect.gather [hbm4b:s5+s21], $0x80, s20, s21, $0xb8;
	[tilespmem:$0x1BAC0] =	vst v63  }
0x15: {  	_ =	swait.ge [sflag:s24], $0x4000  }
0x16: {  	[sflag:s24] =	ssyncset.done $0x0  }
0x17: {  	[sflag:s24] =	ssyncadd.s32 $0xFFFFC000  }
0x18: {  	[spmem:s3] =	stream.indirect.scatter.add.f32 [tilespmem:s22], [sflag:$0x3], $0x80, s25, s21, $0xb8;
	[tilespmem:$0x1BAC0] =	vst v63  }
0x19: {  	_ =	swait.ge [sflag:s26], $0x4000  }
0x1a: {  	[sflag:s26] =	ssyncset.done $0x0  }
0x1b: {  	[sflag:s26] =	ssyncadd.s32 $0xFFFFC000  }
0x1c: {  	[spmem:s3] =	stream.indirect.scatter.add.f32 [tilespmem:s23], [sflag:$0x4], $0x80, s28, s21, $0xb8;
	[tilespmem:$0x1BAC0] =	vst v63  }
0x1d: {  	_ =	swait.ge [sflag:s29], $0x4000  }
0x1e: {  	[sflag:s29] =	ssyncset.done $0x0  }
0x1f: {  	[sflag:s29] =	ssyncadd.s32 $0xFFFFC000  }
0x20: {  	_ =	swait.ge [sflag:s30], $0x4000  }
0x21: {  	[sflag:s30] =	ssyncset.done $0x0  }
0x22: {  	[sflag:s30] =	ssyncadd.s32 $0xFFFFC000  }
0x23: {  	s0 =	simm.s32 @p0 $0x1FC5;
	[bflag:$0x0] =	sbarrier.arrive $0xFFFF  }
0x24: {  	[hbm:s10], [sflag:s0] =	dma.local @p0 [spmem:s15], $0x2800  }
0x25: {  	s0 =	simm.s32 @p0 $0x5  }
0x26: {  	_ =	swait.ge @p0 [sflag:s0], $0x2800  }
0x27: {  	[sflag:s0] =	ssyncset.done @p0 $0x0  }
0x28: {  	[sflag:s0] =	ssyncadd.s32 @p0 $0xFFFFD800;
	s0 =	rddreg [dreg:$0x4]  }
0x29: {  	[hbm:s0], [sflag:s16] =	dma.local @!p0 [spmem:s17], $0x2700  }
0x2a: {  	s0 =	simm.s32 @!p0 $0x5  }
0x2b: {  	_ =	swait.ge @!p0 [sflag:s0], $0x2700  }
0x2c: {  	[sflag:s0] =	ssyncset.done @!p0 $0x0  }
0x2d: {  	[sflag:s0] =	ssyncadd.s32 @!p0 $0xFFFFD900  }
.LBB2_8:
0x2e: {  	s31 =	sadd.s32 $0x1, s31  }
0x2f: {  	p2 =	sne.s32 s31, s13  }
.Ltmp1:
0x30: {  	_ = 	snop;
	(pc) =	sbr.rel @!p2 .LBB2_9-.Ltmp1, $1  }
0x31: {  	_ =	sdelay $0x3  }
.LBB2_1:
0x32: {  	s0 =	simm.s32 @p0 $0x1FC5  }
0x33: {  	[spmem:s15], [sflag:s0] =	dma.local @p0 [hbm:s6], $0x2800  }
0x34: {  	s0 =	simm.s32 @p0 $0x5  }
0x35: {  	_ =	swait.ge @p0 [sflag:s0], $0x2800  }
0x36: {  	[sflag:s0] =	ssyncset.done @p0 $0x0  }
0x37: {  	[sflag:s0] =	ssyncadd.s32 @p0 $0xFFFFD800;
	s0 =	simm.s32 @!p0 $0x5  }
0x38: {  	[spmem:s17], [sflag:s16] =	dma.local @!p0 [hbm:s6], $0x2700  }
0x39: {  	_ =	swait.ge @!p0 [sflag:s0], $0x2700  }
0x3a: {  	[sflag:s0] =	ssyncset.done @!p0 $0x0  }
0x3b: {  	[sflag:s0] =	ssyncadd.s32 @!p0 $0xFFFFD900  }
0x3c: {  	[bflag:$0x0] =	sbarrier.arrive $0xFFFF  }
0x3d: {  	[tilespmem:s18], [sflag:$0x5] =	stream.linear.gather [hbm4b:s7+s4], $0x100, $0x38;
	[tilespmem:$0x1BAC0] =	vst v63  }
0x3e: {  	_ =	swait.ge [sflag:s19], $0x100  }
0x3f: {  	[sflag:s19] =	ssyncset.done $0x0  }
.Ltmp2:
0x40: {  	[sflag:s19] =	ssyncadd.s32 $0xFFFFFF00;
	(pc) =	sbr.rel @p1 .LBB2_5-.Ltmp2, $4  }
0x41: {  	[tilespmem:s20], [sflag:$0x5] =	stream.linear.gather [hbm4b:s8+s4], $0x100, $0x38;
	[tilespmem:$0x1BAC0] =	vst v63  }
0x42: {  	_ =	swait.ge [sflag:s19], $0x100  }
0x43: {  	[sflag:s19] =	ssyncset.done $0x0  }
0x44: {  	[sflag:s19] =	ssyncadd.s32 $0xFFFFFF00  }
0x45: {  	[tilespmem:s22], [sflag:$0x1] =	stream.indirect.gather [hbm4b:s1+s21], $0x80, s18, s21, $0xb8;
	[tilespmem:$0x1BAC0] =	vst v63  }
0x46: {  	_ = 	snop  }
0x47: {  	[tilespmem:s23], [sflag:$0x2] =	stream.indirect.gather [hbm4b:s1+s21], $0x80, s20, s21, $0xb8;
	[tilespmem:$0x1BAC0] =	vst v63  }
0x48: {  	_ =	swait.ge [sflag:s24], $0x4000  }
0x49: {  	[sflag:s24] =	ssyncset.done $0x0  }
0x4a: {  	[sflag:s24] =	ssyncadd.s32 $0xFFFFC000  }
0x4b: {  	[spmem:s3] =	stream.indirect.scatter.add.f32 [tilespmem:s22], [sflag:$0x3], $0x80, s25, s21, $0xb8;
	[tilespmem:$0x1BAC0] =	vst v63  }
0x4c: {  	_ =	swait.ge [sflag:s26], $0x4000  }
0x4d: {  	[sflag:s26] =	ssyncset.done $0x0  }
0x4e: {  	[sflag:s26] =	ssyncadd.s32 $0xFFFFC000  }
0x4f: {  	[spmem:s3] =	stream.indirect.scatter.add.f32 [tilespmem:s23], [sflag:$0x4], $0x80, s28, s21, $0xb8;
	[tilespmem:$0x1BAC0] =	vst v63  }
0x50: {  	_ =	swait.ge [sflag:s29], $0x4000  }
0x51: {  	s0 =	sadd.s32 $0xFFFFEC80, s14;
	[sflag:s29] =	ssyncset.done $0x0  }
0x52: {  	s2 =	sadd.s32 $0x13C0, s0;
	[sflag:s29] =	ssyncadd.s32 $0xFFFFC000  }
0x53: {  	[tilespmem:s18], [sflag:$0x5] =	stream.linear.gather [hbm4b:s2+s4], $0x100, $0x38;
	[tilespmem:$0x1BAC0] =	vst v63  }
0x54: {  	_ =	swait.ge [sflag:s19], $0x100  }
0x55: {  	[sflag:s19] =	ssyncset.done $0x0  }
0x56: {  	[sflag:s19] =	ssyncadd.s32 $0xFFFFFF00  }
0x57: {  	[tilespmem:s22], [sflag:$0x1] =	stream.indirect.gather [hbm4b:s1+s21], $0x80, s18, s21, $0xb8;
	[tilespmem:$0x1BAC0] =	vst v63  }
0x58: {  	_ =	swait.ge [sflag:s30], $0x4000  }
0x59: {  	[sflag:s30] =	ssyncset.done $0x0  }
0x5a: {  	s0 =	sadd.s32 $0x13E0, s0;
	[sflag:s30] =	ssyncadd.s32 $0xFFFFC000  }
0x5b: {  	[tilespmem:s20], [sflag:$0x5] =	stream.linear.gather [hbm4b:s0+s4], $0x100, $0x38;
	[tilespmem:$0x1BAC0] =	vst v63  }
0x5c: {  	_ =	swait.ge [sflag:s19], $0x100  }
0x5d: {  	[sflag:s19] =	ssyncset.done $0x0  }
0x5e: {  	s0 =	simm.s32 $0xFFFFECC0;
	[sflag:s19] =	ssyncadd.s32 $0xFFFFFF00  }
.LBB2_3:
0x5f: {  	[tilespmem:s23], [sflag:$0x2] =	stream.indirect.gather [hbm4b:s1+s21], $0x80, s20, s21, $0xb8;
	[tilespmem:$0x1BAC0] =	vst v63  }
0x60: {  	s2 =	smov.u32 s0  }
0x61: {  	p2 =	sne.s32 s0, $0xFFFFFFC0;
	s0 =	sadd.s32 $0x40, s0;
	_ =	swait.ge [sflag:s24], $0x4000  }
0x62: {  	[sflag:s24] =	ssyncset.done $0x0  }
0x63: {  	[sflag:s24] =	ssyncadd.s32 $0xFFFFC000  }
0x64: {  	[spmem:s3] =	stream.indirect.scatter.add.f32 [tilespmem:s22], [sflag:$0x3], $0x80, s25, s21, $0xb8;
	[tilespmem:$0x1BAC0] =	vst v63  }
0x65: {  	_ =	swait.ge [sflag:s26], $0x4000  }
0x66: {  	[sflag:s26] =	ssyncset.done $0x0  }
0x67: {  	[sflag:s26] =	ssyncadd.s32 $0xFFFFC000  }
0x68: {  	[spmem:s3] =	stream.indirect.scatter.add.f32 [tilespmem:s23], [sflag:$0x4], $0x80, s28, s21, $0xb8;
	[tilespmem:$0x1BAC0] =	vst v63  }
0x69: {  	_ =	swait.ge [sflag:s29], $0x4000  }
0x6a: {  	s2 =	sadd.s32 s2, s14;
	[sflag:s29] =	ssyncset.done $0x0  }
0x6b: {  	s9 =	sadd.s32 $0x13C0, s2;
	[sflag:s29] =	ssyncadd.s32 $0xFFFFC000  }
0x6c: {  	[tilespmem:s18], [sflag:$0x5] =	stream.linear.gather [hbm4b:s9+s4], $0x100, $0x38;
	[tilespmem:$0x1BAC0] =	vst v63  }
0x6d: {  	_ =	swait.ge [sflag:s19], $0x100  }
0x6e: {  	[sflag:s19] =	ssyncset.done $0x0  }
0x6f: {  	[sflag:s19] =	ssyncadd.s32 $0xFFFFFF00  }
0x70: {  	[tilespmem:s22], [sflag:$0x1] =	stream.indirect.gather [hbm4b:s1+s21], $0x80, s18, s21, $0xb8;
	[tilespmem:$0x1BAC0] =	vst v63  }
0x71: {  	_ =	swait.ge [sflag:s30], $0x4000  }
0x72: {  	[sflag:s30] =	ssyncset.done $0x0  }
.Ltmp3:
0x73: {  	s2 =	sadd.s32 $0x13E0, s2;
	[sflag:s30] =	ssyncadd.s32 $0xFFFFC000;
	(pc) =	sbr.rel @p2 .LBB2_3-.Ltmp3, $4  }
0x74: {  	[tilespmem:s20], [sflag:$0x5] =	stream.linear.gather [hbm4b:s2+s4], $0x100, $0x38;
	[tilespmem:$0x1BAC0] =	vst v63  }
0x75: {  	_ =	swait.ge [sflag:s19], $0x100  }
0x76: {  	[sflag:s19] =	ssyncset.done $0x0  }
0x77: {  	[sflag:s19] =	ssyncadd.s32 $0xFFFFFF00  }
0x78: {  	[tilespmem:s23], [sflag:$0x2] =	stream.indirect.gather [hbm4b:s1+s21], $0x80, s20, s21, $0xb8;
	[tilespmem:$0x1BAC0] =	vst v63  }
0x79: {  	_ =	swait.ge [sflag:s24], $0x4000  }
0x7a: {  	[sflag:s24] =	ssyncset.done $0x0  }
0x7b: {  	[sflag:s24] =	ssyncadd.s32 $0xFFFFC000  }
0x7c: {  	[spmem:s3] =	stream.indirect.scatter.add.f32 [tilespmem:s22], [sflag:$0x3], $0x80, s25, s21, $0xb8;
	[tilespmem:$0x1BAC0] =	vst v63  }
0x7d: {  	_ =	swait.ge [sflag:s26], $0x4000  }
0x7e: {  	[sflag:s26] =	ssyncset.done $0x0  }
0x7f: {  	[sflag:s26] =	ssyncadd.s32 $0xFFFFC000  }
0x80: {  	[spmem:s3] =	stream.indirect.scatter.add.f32 [tilespmem:s23], [sflag:$0x4], $0x80, s28, s21, $0xb8;
	[tilespmem:$0x1BAC0] =	vst v63  }
0x81: {  	_ =	swait.ge [sflag:s29], $0x4000  }
0x82: {  	[sflag:s29] =	ssyncset.done $0x0  }
0x83: {  	[sflag:s29] =	ssyncadd.s32 $0xFFFFC000  }
0x84: {  	_ =	swait.ge [sflag:s30], $0x4000  }
0x85: {  	[sflag:s30] =	ssyncset.done $0x0  }
0x86: {  	[sflag:s30] =	ssyncadd.s32 $0xFFFFC000  }
0x87: {  	s0 =	simm.s32 @p0 $0x1FC5;
	[bflag:$0x0] =	sbarrier.arrive $0xFFFF  }
0x88: {  	[hbm:s12], [sflag:s0] =	dma.local @p0 [spmem:s15], $0x2800  }
0x89: {  	s0 =	simm.s32 @p0 $0x5  }
0x8a: {  	_ =	swait.ge @p0 [sflag:s0], $0x2800  }
0x8b: {  	[sflag:s0] =	ssyncset.done @p0 $0x0  }
.Ltmp4:
0x8c: {  	[sflag:s0] =	ssyncadd.s32 @p0 $0xFFFFD800;
	s0 =	simm.s32 @!p0 $0x5;
	(pc) =	sbr.rel .LBB2_8-.Ltmp4, $4  }
0x8d: {  	[hbm:s11], [sflag:s16] =	dma.local @!p0 [spmem:s17], $0x2700  }
0x8e: {  	_ =	swait.ge @!p0 [sflag:s0], $0x2700  }
0x8f: {  	[sflag:s0] =	ssyncset.done @!p0 $0x0  }
0x90: {  	[sflag:s0] =	ssyncadd.s32 @!p0 $0xFFFFD900  }
.LBB2_5:
0x91: {  	[tilespmem:s22], [sflag:$0x1] =	stream.indirect.gather [hbm4b:s5+s21], $0x80, s18, s21, $0xb8;
	[tilespmem:$0x1BAC0] =	vst v63  }
0x92: {  	_ = 	snop  }
0x93: {  	[tilespmem:s23], [sflag:$0x2] =	stream.indirect.gather [hbm4b:s5+s21], $0x80, s20, s21, $0xb8;
	[tilespmem:$0x1BAC0] =	vst v63  }
0x94: {  	_ =	swait.ge [sflag:s24], $0x4000  }
0x95: {  	[sflag:s24] =	ssyncset.done $0x0  }
0x96: {  	[sflag:s24] =	ssyncadd.s32 $0xFFFFC000  }
0x97: {  	[spmem:s3] =	stream.indirect.scatter.add.f32 [tilespmem:s22], [sflag:$0x3], $0x80, s25, s21, $0xb8;
	[tilespmem:$0x1BAC0] =	vst v63  }
0x98: {  	_ =	swait.ge [sflag:s26], $0x4000  }
0x99: {  	[sflag:s26] =	ssyncset.done $0x0  }
0x9a: {  	[sflag:s26] =	ssyncadd.s32 $0xFFFFC000  }
0x9b: {  	[spmem:s3] =	stream.indirect.scatter.add.f32 [tilespmem:s23], [sflag:$0x4], $0x80, s28, s21, $0xb8;
	[tilespmem:$0x1BAC0] =	vst v63  }
0x9c: {  	_ =	swait.ge [sflag:s29], $0x4000  }
0x9d: {  	s0 =	sadd.s32 $0xFFFFEC80, s14;
	[sflag:s29] =	ssyncset.done $0x0  }
0x9e: {  	s2 =	sadd.s32 $0x13C0, s0;
	[sflag:s29] =	ssyncadd.s32 $0xFFFFC000  }
0x9f: {  	[tilespmem:s18], [sflag:$0x5] =	stream.linear.gather [hbm4b:s2+s4], $0x100, $0x38;
	[tilespmem:$0x1BAC0] =	vst v63  }
0xa0: {  	_ =	swait.ge [sflag:s19], $0x100  }
0xa1: {  	[sflag:s19] =	ssyncset.done $0x0  }
0xa2: {  	[sflag:s19] =	ssyncadd.s32 $0xFFFFFF00  }
0xa3: {  	[tilespmem:s22], [sflag:$0x1] =	stream.indirect.gather [hbm4b:s5+s21], $0x80, s18, s21, $0xb8;
	[tilespmem:$0x1BAC0] =	vst v63  }
0xa4: {  	_ =	swait.ge [sflag:s30], $0x4000  }
0xa5: {  	[sflag:s30] =	ssyncset.done $0x0  }
0xa6: {  	s0 =	sadd.s32 $0x13E0, s0;
	[sflag:s30] =	ssyncadd.s32 $0xFFFFC000  }
0xa7: {  	[tilespmem:s20], [sflag:$0x5] =	stream.linear.gather [hbm4b:s0+s4], $0x100, $0x38;
	[tilespmem:$0x1BAC0] =	vst v63  }
0xa8: {  	_ =	swait.ge [sflag:s19], $0x100  }
0xa9: {  	[sflag:s19] =	ssyncset.done $0x0  }
0xaa: {  	s0 =	simm.s32 $0xFFFFECC0;
	[sflag:s19] =	ssyncadd.s32 $0xFFFFFF00  }
.LBB2_6:
0xab: {  	[tilespmem:s23], [sflag:$0x2] =	stream.indirect.gather [hbm4b:s5+s21], $0x80, s20, s21, $0xb8;
	[tilespmem:$0x1BAC0] =	vst v63  }
0xac: {  	s2 =	smov.u32 s0  }
0xad: {  	p2 =	sne.s32 s0, $0xFFFFFFC0;
	s0 =	sadd.s32 $0x40, s0;
	_ =	swait.ge [sflag:s24], $0x4000  }
0xae: {  	[sflag:s24] =	ssyncset.done $0x0  }
0xaf: {  	[sflag:s24] =	ssyncadd.s32 $0xFFFFC000  }
0xb0: {  	[spmem:s3] =	stream.indirect.scatter.add.f32 [tilespmem:s22], [sflag:$0x3], $0x80, s25, s21, $0xb8;
	[tilespmem:$0x1BAC0] =	vst v63  }
0xb1: {  	_ =	swait.ge [sflag:s26], $0x4000  }
0xb2: {  	[sflag:s26] =	ssyncset.done $0x0  }
0xb3: {  	[sflag:s26] =	ssyncadd.s32 $0xFFFFC000  }
0xb4: {  	[spmem:s3] =	stream.indirect.scatter.add.f32 [tilespmem:s23], [sflag:$0x4], $0x80, s28, s21, $0xb8;
	[tilespmem:$0x1BAC0] =	vst v63  }
0xb5: {  	_ =	swait.ge [sflag:s29], $0x4000  }
0xb6: {  	s2 =	sadd.s32 s2, s14;
	[sflag:s29] =	ssyncset.done $0x0  }
0xb7: {  	s9 =	sadd.s32 $0x13C0, s2;
	[sflag:s29] =	ssyncadd.s32 $0xFFFFC000  }
0xb8: {  	[tilespmem:s18], [sflag:$0x5] =	stream.linear.gather [hbm4b:s9+s4], $0x100, $0x38;
	[tilespmem:$0x1BAC0] =	vst v63  }
0xb9: {  	_ =	swait.ge [sflag:s19], $0x100  }
0xba: {  	[sflag:s19] =	ssyncset.done $0x0  }
0xbb: {  	[sflag:s19] =	ssyncadd.s32 $0xFFFFFF00  }
0xbc: {  	[tilespmem:s22], [sflag:$0x1] =	stream.indirect.gather [hbm4b:s5+s21], $0x80, s18, s21, $0xb8;
	[tilespmem:$0x1BAC0] =	vst v63  }
0xbd: {  	_ =	swait.ge [sflag:s30], $0x4000  }
0xbe: {  	[sflag:s30] =	ssyncset.done $0x0  }
.Ltmp5:
0xbf: {  	s2 =	sadd.s32 $0x13E0, s2;
	[sflag:s30] =	ssyncadd.s32 $0xFFFFC000;
	(pc) =	sbr.rel @p2 .LBB2_6-.Ltmp5, $4  }
0xc0: {  	[tilespmem:s20], [sflag:$0x5] =	stream.linear.gather [hbm4b:s2+s4], $0x100, $0x38;
	[tilespmem:$0x1BAC0] =	vst v63  }
0xc1: {  	_ =	swait.ge [sflag:s19], $0x100  }
0xc2: {  	[sflag:s19] =	ssyncset.done $0x0  }
0xc3: {  	[sflag:s19] =	ssyncadd.s32 $0xFFFFFF00  }
.Ltmp6:
0xc4: {  	_ = 	snop;
	(pc) =	sbr.rel .LBB2_7-.Ltmp6, $1  }
0xc5: {  	_ =	sdelay $0x3  }
.LBB2_9:
0xc6: {  	_ =	sfence.sel $0x180000  }
0xc7: {  	[bflag:$0x0] =	sbarrier.arrive $0xFFFF  }
0xc8: {  	_ =	strace $0x90000047  }
0xc9: {  	s0 =	stileid.u32;
	[bflag:$0x2] =	sbarrier.arrive $0xFFFF  }
0xca: {  	p0 =	sne.s32 s0, $0x0;
	s0 =	rddreg [dreg:$0x3]  }
0xcb: {  	s0 =	sadd.s32 @!p0 $0x100000, s0  }
0xcc: {  	[sflag:s0] =	ssyncadd.tile.s32 @!p0 $0x1;
	_ =	shalt  }
.Lfunc_end2:
_tile_overlayer_lowered:
.L_overlay_start_2:
0xcd: {  	(tag) =	ssettag $0x2  }
0xce: {  	s0 =	rddreg [dreg:$0x0];
	s2 =	stileid.u32  }
0xcf: {  	s1 =	rddreg [dreg:$0x1];
	p0 =	sne.s32 s2, $0x0  }
0xd0: {  	s3 =	rddreg [dreg:$0x2];
	[bflag:$0x3] =	sbarrier.arrive $0xFFFF;
	s2 =	simm.s32 @!p0 $0x1C05  }
0xd1: {  	[timem:s3], [sflag:s2] =	dma.local @!p0 [hbm:s0], s1  }
0xd2: {  	s0 =	simm.s32 @!p0 $0x5  }
0xd3: {  	_ =	swait.ge @!p0 [sflag:s0], s1  }
0xd4: {  	s1 =	ssub.s32 @!p0 $0x0, s1;
	[sflag:s0] =	ssyncset.done @!p0 $0x0  }
0xd5: {  	[sflag:s0] =	ssyncadd.s32 @!p0 s1  }
0xd6: {  	[bflag:$0x3] =	sbarrier.arrive $0xFFFF  }
0xd7: {  	_ =	shalt  }

// kernel: kernel.14.cloned.1.call-start
scs
__scs_entry_jumppad:
0x0: {  	(pc) =	sbr.rel $0x88, $3  }
0x1: {  	(tag) =	ssettag $0x0;
	lr =	simm.s32 $0x1  }
0x2: {  	[smem:$0x3F95] =	sst lr;
	_ =	strace $0xD0000000  }
0x3: {  	_ = 	snop  }
0x4: {  	_ = 	snop  }
0x5: {  	_ = 	snop  }
0x6: {  	_ = 	snop  }
0x7: {  	_ = 	snop  }
__scs_overlays_trampoline_lowered:
0x8: {  	[smem:$0x3FA4] =	sst s0  }
0x9: {  	[smem:$0x3FA5] =	sst s1  }
0xa: {  	[smem:$0x3FA6] =	sst s2  }
0xb: {  	[smem:$0x3FA7] =	sst s3  }
0xc: {  	[smem:$0x3FA8] =	sst s4  }
0xd: {  	[smem:$0x3FA9] =	sst s5  }
0xe: {  	[smem:$0x3FAA] =	sst s6  }
0xf: {  	[smem:$0x3FAB] =	sst s7  }
0x10: {  	[smem:$0x3FAC] =	sst s8  }
0x11: {  	[smem:$0x3FAD] =	sst s9;
	s0 =	simm.s32 @!p0 $0x0  }
0x12: {  	s1 =	sld [smem:$0x3F93];
	s0 =	simm.s32 @p0 $0x1  }
0x13: {  	[smem:$0x3FAE] =	sst s0;
	s0 =	simm.s32 @!p1 $0x0  }
0x14: {  	s2 =	sld [smem:$0x3F92];
	s0 =	simm.s32 @p1 $0x1  }
0x15: {  	[smem:$0x3FAF] =	sst s0;
	s0 =	simm.s32 @!p2 $0x0  }
0x16: {  	s3 =	sld [smem:$0x3FDB];
	s0 =	simm.s32 @p2 $0x1  }
0x17: {  	s4 =	simm.s32 $0x1BF5;
	[smem:$0x3FB1] =	sst s0  }
0x18: {  	s0 =	sld [smem:$0x3F94];
	_ =	swait.ge [sflag:s4], $0x0  }
0x19: {  	s7 =	sld [smem:$0x3F95]  }
0x1a: {  	s8 =	sadd.s32 $0xFFFFE003, lr  }
0x1b: {  	s9 =	sadd.s32 $0xFFFFFEF7, lr;
	s5 =	simm.s32 $0xFFFFFFFF;
	p2 =	slt.u32 s8, $0xFFFFF086  }
0x1c: {  	p1 =	slt.u32 s9, $0xF7A;
	s5 =	simm.s32 @!p2 $0x0  }
0x1d: {  	s5 =	simm.s32 @p1 $0x1;
	p0 =	seq.s32 s7, s2  }
0x1e: {  	s7 =	smul.u32 @!p0 $0xF7A, s2;
	p2 =	seq.s32 @!p0 s5, $0x0  }
0x1f: {  	s9 =	smul.u32 $0xF7A, s1;
	s8 =	simm.s32 @!p0 $0x1BF5;
	p2 =	por !p2, p0  }
0x20: {  	[sflag:s8] =	ssyncset.s32 @!p0 $0xFFFFF086;
	s6 =	sadd.s32 @!p0 s3, s7;
	s7 =	simm.s32 @!p0 $0x108  }
0x21: {  	s3 =	sadd.s32 s3, s9;
	s6 =	sadd.s32 @!p0 $0x88, s6;
	s7 =	simm.s32 @p2 $0x1082  }
0x22: {  	[simem:s7], [sflag:s8] =	dma.local @!p0 [hbm:s6], $0xF7A  }
0x23: {  	s9 =	sor.u32 $0xD0000000, s2;
	s6 =	simm.s32 $0x108;
	_ =	swait.ge @!p0 [sflag:s8], $0x0  }
0x24: {  	s3 =	sadd.s32 $0x88, s3;
	s6 =	simm.s32 @!p1 $0x1082;
	[sflag:s4] =	ssyncset.s32 $0xFFFFF086  }
0x25: {  	[simem:s6], [sflag:s4] =	dma.local [hbm:s3], $0xF7A  }
0x26: {  	[smem:$0x3F95] =	sst s1;
	(tag) =	ssettag s2;
	_ =	strace s9  }
0x27: {  	s1 =	sld [smem:$0x3FA5]  }
0x28: {  	s2 =	sld [smem:$0x3FA6]  }
0x29: {  	s4 =	sld [smem:$0x3FA8]  }
0x2a: {  	p0 =	seq.s32 s5, $0x0;
	s5 =	sld [smem:$0x3FA9]  }
0x2b: {  	s6 =	sld [smem:$0x3FAA]  }
0x2c: {  	s7 =	sld [smem:$0x3FAB]  }
0x2d: {  	s3 =	simm.s32 $0x108;
	s8 =	sld [smem:$0x3FAC]  }
0x2e: {  	s3 =	simm.s32 @!p0 $0x1082;
	s9 =	sld [smem:$0x3FAD]  }
0x2f: {  	lr =	sadd.s32 s0, s3;
	s0 =	sld [smem:$0x3FA4]  }
0x30: {  	s3 =	sld [smem:$0x3FA7]  }
0x31: {  	[smem:$0x3FB0] =	sst s10  }
0x32: {  	s10 =	sld [smem:$0x3FAE];
	_ =	sdelay $0x3  }
0x33: {  	p0 =	seq.s32 s10, $0x1;
	s10 =	sld [smem:$0x3FB0];
	_ =	sdelay $0x3  }
0x34: {  	[smem:$0x3FB0] =	sst s10  }
0x35: {  	s10 =	sld [smem:$0x3FAF];
	_ =	sdelay $0x3  }
0x36: {  	p1 =	seq.s32 s10, $0x1;
	s10 =	sld [smem:$0x3FB0];
	_ =	sdelay $0x3  }
0x37: {  	[smem:$0x3FB0] =	sst s10  }
0x38: {  	s10 =	sld [smem:$0x3FB1]  }
0x39: {  	_ = 	snop;
	(pc) =	sbr.ind lr, $3  }
0x3a: {  	_ = 	snop  }
0x3b: {  	_ = 	snop  }
0x3c: {  	p2 =	seq.s32 s10, $0x1;
	s10 =	sld [smem:$0x3FB0]  }
0x3d: {  	_ =	shalt  }
0x3e: {  	_ =	shalt  }
0x3f: {  	_ =	shalt  }
0x40: {  	_ =	shalt  }
0x41: {  	_ =	shalt  }
0x42: {  	_ =	shalt  }
0x43: {  	_ =	shalt  }
0x44: {  	_ =	shalt  }
0x45: {  	_ =	shalt  }
0x46: {  	_ =	shalt  }
0x47: {  	_ =	shalt  }
0x48: {  	_ =	shalt  }
0x49: {  	_ =	shalt  }
0x4a: {  	_ =	shalt  }
0x4b: {  	_ =	shalt  }
0x4c: {  	_ =	shalt  }
0x4d: {  	_ =	shalt  }
0x4e: {  	_ =	shalt  }
0x4f: {  	_ =	shalt  }
0x50: {  	_ =	shalt  }
0x51: {  	_ =	shalt  }
0x52: {  	_ =	shalt  }
0x53: {  	_ =	shalt  }
0x54: {  	_ =	shalt  }
0x55: {  	_ =	shalt  }
0x56: {  	_ =	shalt  }
0x57: {  	_ =	shalt  }
0x58: {  	_ =	shalt  }
0x59: {  	_ =	shalt  }
0x5a: {  	_ =	shalt  }
0x5b: {  	_ =	shalt  }
0x5c: {  	_ =	shalt  }
0x5d: {  	_ =	shalt  }
0x5e: {  	_ =	shalt  }
0x5f: {  	_ =	shalt  }
0x60: {  	_ =	shalt  }
0x61: {  	_ =	shalt  }
0x62: {  	_ =	shalt  }
0x63: {  	_ =	shalt  }
0x64: {  	_ =	shalt  }
0x65: {  	_ =	shalt  }
0x66: {  	_ =	shalt  }
0x67: {  	_ =	shalt  }
0x68: {  	_ =	shalt  }
0x69: {  	_ =	shalt  }
0x6a: {  	_ =	shalt  }
0x6b: {  	_ =	shalt  }
0x6c: {  	_ =	shalt  }
0x6d: {  	_ =	shalt  }
0x6e: {  	_ =	shalt  }
0x6f: {  	_ =	shalt  }
0x70: {  	_ =	shalt  }
0x71: {  	_ =	shalt  }
0x72: {  	_ =	shalt  }
0x73: {  	_ =	shalt  }
0x74: {  	_ =	shalt  }
0x75: {  	_ =	shalt  }
0x76: {  	_ =	shalt  }
0x77: {  	_ =	shalt  }
0x78: {  	_ =	shalt  }
0x79: {  	_ =	shalt  }
0x7a: {  	_ =	shalt  }
0x7b: {  	_ =	shalt  }
0x7c: {  	_ =	shalt  }
0x7d: {  	_ =	shalt  }
0x7e: {  	_ =	shalt  }
0x7f: {  	_ =	shalt  }
0x80: {  	_ =	shalt  }
0x81: {  	_ =	shalt  }
0x82: {  	_ =	shalt  }
0x83: {  	_ =	shalt  }
0x84: {  	_ =	shalt  }
0x85: {  	_ =	shalt  }
0x86: {  	_ =	shalt  }
0x87: {  	_ =	shalt  }
.Lfunc_end0:
.L_simem_size_0:
called_computation.2_lowered:
.L_overlay_start_0:
0x88: {  	s2 =	sld [smem:$0x3FD9]  }
0x89: {  	s3 =	sld [smem:$0x3FFE];
	_ =	sdelay $0x1  }
0x8a: {  	s1 =	srdreg.scid  }
0x8b: {  	s0 =	sand.u32 $0x1, s1  }
0x8c: {  	s17 =	sshll.u32 s0, $0xA;
	s2 =	sadd.s32 s3, s2  }
0x8d: {  	s2 =	sadd.s32 s2, s17  }
0x8e: {  	[smem:$0x3FBC] =	sst s2  }
0x8f: {  	_ = 	snop  }
0x90: {  	s2 =	sld [smem:$0x3FD0];
	(tm) =	ssettm $0x1  }
0x91: {  	s18 =	sld [smem:$0x3FFB];
	_ =	sdelay $0x3  }
0x92: {  	_ =	strace s18  }
0x93: {  	s3 =	sld [smem:$0x3FFC];
	_ =	sdelay $0x3  }
0x94: {  	_ =	strace s3  }
0x95: {  	s3 =	sld [smem:$0x3FFD];
	_ =	sdelay $0x3  }
0x96: {  	_ =	strace s3  }
0x97: {  	_ =	strace $0x8FFFFFFF  }
0x98: {  	s19 =	sld [smem:$0x3FDB];
	_ =	sdelay $0x1  }
0x99: {  	s4 =	simm.s32 $_scs_section_size  }
0x9a: {  	s5 =	simm.s32 $_size__tile_overlayer_lowered;
	s6 =	simm.s32 $_tile_overlayer_lowered  }
0x9b: {  	s22 =	simm.s32 $0x1BFF;
	s21 =	sshll.u32 s6, $0x1;
	s3 =	sadd.s32 s4, s19  }
0x9c: {  	s7 =	simm.s32 $0x0;
	s20 =	sshll.u32 s5, $0x1;
	s5 =	sadd.s32 s21, s3  }
0x9d: {  	[timem:s7], [sflag:s22] =	dma.local [hbm:s5], s20  }
0x9e: {  	_ =	swait.ge [sflag:s22], s20  }
0x9f: {  	s4 =	ssub.s32 $0x0, s20;
	[sflag:s22] =	ssyncset.done $0x0  }
0xa0: {  	[sflag:s22] =	ssyncadd.s32 s4;
	_ =	sdelay $0x1  }
0xa1: {  	s23 =	simm.s32 $0x1B8B  }
0xa2: {  	_ =	swait.ge [sflag:s23], $0x1  }
0xa3: {  	[sflag:s23] =	ssyncset.done $0x0  }
0xa4: {  	s25 =	simm.s32 $0x1B8E;
	s24 =	sld [smem:$0x3FFE];
	[sflag:s23] =	ssyncadd.s32 $0xFFFFFFFF  }
0xa5: {  	s26 =	simm.s32 $execute0_lowered;
	[smem:$0x3FD2] =	sst s25  }
0xa6: {  	s5 =	sshll.u32 s26, $0x1;
	_ =	strace $0x8000004C;
	[dreg:$0x1] =	wrdreg $0xFFFFFFFF  }
0xa7: {  	s28 =	simm.s32 $_size_execute0_lowered;
	s3 =	sadd.s32 s3, s5;
	[dreg:$0x0] =	wrdreg $0x0  }
0xa8: {  	s5 =	sshll.u32 s28, $0x1;
	[dreg:$0x2] =	wrdreg s3  }
0xa9: {  	[dreg:$0x3] =	wrdreg s5  }
0xaa: {  	[dreg:$0x4] =	wrdreg $0xC0  }
0xab: {  	_ =	task [dreg:s7], $0x5FFFF  }
0xac: {  	[dreg:$0x1] =	wrdreg $0xFFFFFFFF  }
0xad: {  	[dreg:$0x0] =	wrdreg $0x60  }
0xae: {  	[dreg:$0x2] =	wrdreg s2  }
0xaf: {  	[dreg:$0x3] =	wrdreg s24  }
0xb0: {  	[dreg:$0x4] =	wrdreg $0x0  }
0xb1: {  	[dreg:$0x5] =	wrdreg $0x9  }
0xb2: {  	_ =	task.clear_ibuf [dreg:s7], $0x6FFFF;
	_ =	strace $0x9000004C  }
0xb3: {  	s29 =	simm.s32 $0x9;
	_ =	strace $0x8000004E  }
0xb4: {  	_ =	swait.ge [sflag:s29], $0x1  }
0xb5: {  	[sflag:s29] =	ssyncadd.s32 $0xFFFFFFFF  }
0xb6: {  	_ =	strace $0x9000004E  }
0xb7: {  	_ =	sfence  }
0xb8: {  	s30 =	sld [smem:$0x0];
	_ =	sdelay $0x2  }
0xb9: {  	s31 =	sshll.u32 s1, $0xD;
	s1 =	sshrl.u32 s1, $0x2  }
0xba: {  	s3 =	sand.u32 $0x4000, s31;
	s1 =	sadd.s32 s1, s30  }
0xbb: {  	s0 =	sor.u32 s3, s0;
	s1 =	sshll.u32 s1, $0x11  }
0xbc: {  	s0 =	sor.u32 s1, s0  }
0xbd: {  	s0 =	sadd.s32 $0x8F2B, s0  }
0xbe: {  	[sflag:s0] =	ssyncadd.remote.s32 $0x1  }
0xbf: {  	_ =	sfence.sel $0xFFFF  }
0xc0: {  	[dreg:$0x0] =	wrdreg $0xFFFFFFFF;
	(pc) =	sbr.abs _section_cstart, $3  }
0xc1: {  	[dreg:$0x1] =	wrdreg $0xFFFFFFFF  }
0xc2: {  	_ =	task.clear_ibuf [dreg:s7], $0x2FFFF;
	_ =	strace $0x9FFFFFFF  }
0xc3: {  	(tm) =	ssettm $0x7FFFFFFF  }
tec
execute0_lowered:
.L_overlay_start_1:
0x0: {  	(tag) =	ssettag $0x1  }
0x1: {  	s1 =	rddreg [dreg:$0x0]  }
0x2: {  	s0 =	rddreg [dreg:$0x1]  }
0x3: {  	s3 =	rddreg [dreg:$0x2];
	s4 =	simm.s32 $0x0;
	s2 =	stileid.u32  }
0x4: {  	s6 =	srdreg.scid;
	s19 =	simm.s32 $0x5;
	s20 =	simm.s32 $0x139C0  }
0x5: {  	s21 =	simm.s32 $0x80;
	s22 =	simm.s32 $0x13AC0;
	s28 =	simm.s32 $0x13A40  }
0x6: {  	s29 =	simm.s32 $0x3;
	s30 =	simm.s32 $0x4;
	s31 =	simm.s32 $0x0  }
0x7: {  	[smem:$0x7FF] =	sst s4;
	s7 =	smul.u32 $0x2700, s2;
	s5 =	sadd.s32 $0x66800, s0  }
0x8: {  	s18 =	sand.u32 $0x1, s6;
	s8 =	smul.u32 $0x4E000, s2;
	s14 =	sadd.s32 $0xDE600, s0  }
0x9: {  	s10 =	smul.u32 $0x9E00, s2;
	s6 =	sadd.s32 $0x8DA00, s0;
	s15 =	sadd.s32 $0x124800, s3  }
0xa: {  	s16 =	smul.u32 $0x13C0, s2;
	p0 =	seq.s32 s2, $0xF;
	s12 =	sadd.s32 $0x116B00, s0  }
0xb: {  	_ =	strace $0x8000004D;
	s9 =	ssub.s32 $0x2, s18;
	s15 =	sshrl.u32 @p0 s15, $0x3  }
0xc: {  	p1 =	sne.s32 s18, $0x0;
	s18 =	simm.s32 $0x138C0;
	s11 =	sadd.s32 s7, s0  }
0xd: {  	s23 =	sshrl.u32 s9, $0x1;
	s24 =	sshrl.u32 s8, $0x2;
	s25 =	sshrl.u32 s10, $0x3  }
0xe: {  	s10 =	sadd.s32 $0xB4B00, s0;
	s0 =	sshll.u32 @!p0 s2, $0x6;
	s13 =	ssub.s32 s9, s23  }
.Ltmp0:
0xf: {  	s17 =	sadd.s32 s24, s3;
	s7 =	sadd.s32 s14, s25;
	(pc) =	sbr.rel .LBB2_1-.Ltmp0, $4  }
0x10: {  	s26 =	sadd.s32 $0x90200, s11;
	s11 =	sadd.s32 $0xF2200, s11;
	s14 =	sadd.s32 s16, s14  }
0x11: {  	s16 =	sor.u32 @!p0 $0x1C05, s0;
	s23 =	simm.s32 $0x17AC0;
	s24 =	simm.s32 $0x1  }
0x12: {  	s25 =	simm.s32 $0x13940;
	s8 =	sadd.s32 $0x20, s7;
	[dreg:$0x4] =	wrdreg s26  }
0x13: {  	s13 =	smax.u32 s13, $0x1;
	s17 =	sshrl.u32 @!p0 s17, $0x3;
	s26 =	simm.s32 $0x2  }
.LBB2_7:
0x14: {  	[tilespmem:s23], [sflag:$0x2] =	stream.indirect.gather [hbm4b:s5+s21], $0x80, s20, s21, $0xb8;
	[tilespmem:$0x1BAC0] =	vst v63  }
0x15: {  	_ =	swait.ge [sflag:s24], $0x4000  }
0x16: {  	[sflag:s24] =	ssyncset.done $0x0  }
0x17: {  	[sflag:s24] =	ssyncadd.s32 $0xFFFFC000  }
0x18: {  	[spmem:s3] =	stream.indirect.scatter.add.f32 [tilespmem:s22], [sflag:$0x3], $0x80, s25, s21, $0xb8;
	[tilespmem:$0x1BAC0] =	vst v63  }
0x19: {  	_ =	swait.ge [sflag:s26], $0x4000  }
0x1a: {  	[sflag:s26] =	ssyncset.done $0x0  }
0x1b: {  	[sflag:s26] =	ssyncadd.s32 $0xFFFFC000  }
0x1c: {  	[spmem:s3] =	stream.indirect.scatter.add.f32 [tilespmem:s23], [sflag:$0x4], $0x80, s28, s21, $0xb8;
	[tilespmem:$0x1BAC0] =	vst v63  }
0x1d: {  	_ =	swait.ge [sflag:s29], $0x4000  }
0x1e: {  	[sflag:s29] =	ssyncset.done $0x0  }
0x1f: {  	[sflag:s29] =	ssyncadd.s32 $0xFFFFC000  }
0x20: {  	_ =	swait.ge [sflag:s30], $0x4000  }
0x21: {  	[sflag:s30] =	ssyncset.done $0x0  }
0x22: {  	[sflag:s30] =	ssyncadd.s32 $0xFFFFC000  }
0x23: {  	s0 =	simm.s32 @p0 $0x1FC5;
	[bflag:$0x0] =	sbarrier.arrive $0xFFFF  }
0x24: {  	[hbm:s10], [sflag:s0] =	dma.local @p0 [spmem:s15], $0x2800  }
0x25: {  	s0 =	simm.s32 @p0 $0x5  }
0x26: {  	_ =	swait.ge @p0 [sflag:s0], $0x2800  }
0x27: {  	[sflag:s0] =	ssyncset.done @p0 $0x0  }
0x28: {  	[sflag:s0] =	ssyncadd.s32 @p0 $0xFFFFD800;
	s0 =	rddreg [dreg:$0x4]  }
0x29: {  	[hbm:s0], [sflag:s16] =	dma.local @!p0 [spmem:s17], $0x2700  }
0x2a: {  	s0 =	simm.s32 @!p0 $0x5  }
0x2b: {  	_ =	swait.ge @!p0 [sflag:s0], $0x2700  }
0x2c: {  	[sflag:s0] =	ssyncset.done @!p0 $0x0  }
0x2d: {  	[sflag:s0] =	ssyncadd.s32 @!p0 $0xFFFFD900  }
.LBB2_8:
0x2e: {  	s31 =	sadd.s32 $0x1, s31  }
0x2f: {  	p2 =	sne.s32 s31, s13  }
.Ltmp1:
0x30: {  	_ = 	snop;
	(pc) =	sbr.rel @!p2 .LBB2_9-.Ltmp1, $1  }
0x31: {  	_ =	sdelay $0x3  }
.LBB2_1:
0x32: {  	s0 =	simm.s32 @p0 $0x1FC5  }
0x33: {  	[spmem:s15], [sflag:s0] =	dma.local @p0 [hbm:s6], $0x2800  }
0x34: {  	s0 =	simm.s32 @p0 $0x5  }
0x35: {  	_ =	swait.ge @p0 [sflag:s0], $0x2800  }
0x36: {  	[sflag:s0] =	ssyncset.done @p0 $0x0  }
0x37: {  	[sflag:s0] =	ssyncadd.s32 @p0 $0xFFFFD800;
	s0 =	simm.s32 @!p0 $0x5  }
0x38: {  	[spmem:s17], [sflag:s16] =	dma.local @!p0 [hbm:s6], $0x2700  }
0x39: {  	_ =	swait.ge @!p0 [sflag:s0], $0x2700  }
0x3a: {  	[sflag:s0] =	ssyncset.done @!p0 $0x0  }
0x3b: {  	[sflag:s0] =	ssyncadd.s32 @!p0 $0xFFFFD900  }
0x3c: {  	[bflag:$0x0] =	sbarrier.arrive $0xFFFF  }
0x3d: {  	[tilespmem:s18], [sflag:$0x5] =	stream.linear.gather [hbm4b:s7+s4], $0x100, $0x38;
	[tilespmem:$0x1BAC0] =	vst v63  }
0x3e: {  	_ =	swait.ge [sflag:s19], $0x100  }
0x3f: {  	[sflag:s19] =	ssyncset.done $0x0  }
.Ltmp2:
0x40: {  	[sflag:s19] =	ssyncadd.s32 $0xFFFFFF00;
	(pc) =	sbr.rel @p1 .LBB2_5-.Ltmp2, $4  }
0x41: {  	[tilespmem:s20], [sflag:$0x5] =	stream.linear.gather [hbm4b:s8+s4], $0x100, $0x38;
	[tilespmem:$0x1BAC0] =	vst v63  }
0x42: {  	_ =	swait.ge [sflag:s19], $0x100  }
0x43: {  	[sflag:s19] =	ssyncset.done $0x0  }
0x44: {  	[sflag:s19] =	ssyncadd.s32 $0xFFFFFF00  }
0x45: {  	[tilespmem:s22], [sflag:$0x1] =	stream.indirect.gather [hbm4b:s1+s21], $0x80, s18, s21, $0xb8;
	[tilespmem:$0x1BAC0] =	vst v63  }
0x46: {  	_ = 	snop  }
0x47: {  	[tilespmem:s23], [sflag:$0x2] =	stream.indirect.gather [hbm4b:s1+s21], $0x80, s20, s21, $0xb8;
	[tilespmem:$0x1BAC0] =	vst v63  }
0x48: {  	_ =	swait.ge [sflag:s24], $0x4000  }
0x49: {  	[sflag:s24] =	ssyncset.done $0x0  }
0x4a: {  	[sflag:s24] =	ssyncadd.s32 $0xFFFFC000  }
0x4b: {  	[spmem:s3] =	stream.indirect.scatter.add.f32 [tilespmem:s22], [sflag:$0x3], $0x80, s25, s21, $0xb8;
	[tilespmem:$0x1BAC0] =	vst v63  }
0x4c: {  	_ =	swait.ge [sflag:s26], $0x4000  }
0x4d: {  	[sflag:s26] =	ssyncset.done $0x0  }
0x4e: {  	[sflag:s26] =	ssyncadd.s32 $0xFFFFC000  }
0x4f: {  	[spmem:s3] =	stream.indirect.scatter.add.f32 [tilespmem:s23], [sflag:$0x4], $0x80, s28, s21, $0xb8;
	[tilespmem:$0x1BAC0] =	vst v63  }
0x50: {  	_ =	swait.ge [sflag:s29], $0x4000  }
0x51: {  	s0 =	sadd.s32 $0xFFFFEC80, s14;
	[sflag:s29] =	ssyncset.done $0x0  }
0x52: {  	s2 =	sadd.s32 $0x13C0, s0;
	[sflag:s29] =	ssyncadd.s32 $0xFFFFC000  }
0x53: {  	[tilespmem:s18], [sflag:$0x5] =	stream.linear.gather [hbm4b:s2+s4], $0x100, $0x38;
	[tilespmem:$0x1BAC0] =	vst v63  }
0x54: {  	_ =	swait.ge [sflag:s19], $0x100  }
0x55: {  	[sflag:s19] =	ssyncset.done $0x0  }
0x56: {  	[sflag:s19] =	ssyncadd.s32 $0xFFFFFF00  }
0x57: {  	[tilespmem:s22], [sflag:$0x1] =	stream.indirect.gather [hbm4b:s1+s21], $0x80, s18, s21, $0xb8;
	[tilespmem:$0x1BAC0] =	vst v63  }
0x58: {  	_ =	swait.ge [sflag:s30], $0x4000  }
0x59: {  	[sflag:s30] =	ssyncset.done $0x0  }
0x5a: {  	s0 =	sadd.s32 $0x13E0, s0;
	[sflag:s30] =	ssyncadd.s32 $0xFFFFC000  }
0x5b: {  	[tilespmem:s20], [sflag:$0x5] =	stream.linear.gather [hbm4b:s0+s4], $0x100, $0x38;
	[tilespmem:$0x1BAC0] =	vst v63  }
0x5c: {  	_ =	swait.ge [sflag:s19], $0x100  }
0x5d: {  	[sflag:s19] =	ssyncset.done $0x0  }
0x5e: {  	s0 =	simm.s32 $0xFFFFECC0;
	[sflag:s19] =	ssyncadd.s32 $0xFFFFFF00  }
.LBB2_3:
0x5f: {  	[tilespmem:s23], [sflag:$0x2] =	stream.indirect.gather [hbm4b:s1+s21], $0x80, s20, s21, $0xb8;
	[tilespmem:$0x1BAC0] =	vst v63  }
0x60: {  	s2 =	smov.u32 s0  }
0x61: {  	p2 =	sne.s32 s0, $0xFFFFFFC0;
	s0 =	sadd.s32 $0x40, s0;
	_ =	swait.ge [sflag:s24], $0x4000  }
0x62: {  	[sflag:s24] =	ssyncset.done $0x0  }
0x63: {  	[sflag:s24] =	ssyncadd.s32 $0xFFFFC000  }
0x64: {  	[spmem:s3] =	stream.indirect.scatter.add.f32 [tilespmem:s22], [sflag:$0x3], $0x80, s25, s21, $0xb8;
	[tilespmem:$0x1BAC0] =	vst v63  }
0x65: {  	_ =	swait.ge [sflag:s26], $0x4000  }
0x66: {  	[sflag:s26] =	ssyncset.done $0x0  }
0x67: {  	[sflag:s26] =	ssyncadd.s32 $0xFFFFC000  }
0x68: {  	[spmem:s3] =	stream.indirect.scatter.add.f32 [tilespmem:s23], [sflag:$0x4], $0x80, s28, s21, $0xb8;
	[tilespmem:$0x1BAC0] =	vst v63  }
0x69: {  	_ =	swait.ge [sflag:s29], $0x4000  }
0x6a: {  	s2 =	sadd.s32 s2, s14;
	[sflag:s29] =	ssyncset.done $0x0  }
0x6b: {  	s9 =	sadd.s32 $0x13C0, s2;
	[sflag:s29] =	ssyncadd.s32 $0xFFFFC000  }
0x6c: {  	[tilespmem:s18], [sflag:$0x5] =	stream.linear.gather [hbm4b:s9+s4], $0x100, $0x38;
	[tilespmem:$0x1BAC0] =	vst v63  }
0x6d: {  	_ =	swait.ge [sflag:s19], $0x100  }
0x6e: {  	[sflag:s19] =	ssyncset.done $0x0  }
0x6f: {  	[sflag:s19] =	ssyncadd.s32 $0xFFFFFF00  }
0x70: {  	[tilespmem:s22], [sflag:$0x1] =	stream.indirect.gather [hbm4b:s1+s21], $0x80, s18, s21, $0xb8;
	[tilespmem:$0x1BAC0] =	vst v63  }
0x71: {  	_ =	swait.ge [sflag:s30], $0x4000  }
0x72: {  	[sflag:s30] =	ssyncset.done $0x0  }
.Ltmp3:
0x73: {  	s2 =	sadd.s32 $0x13E0, s2;
	[sflag:s30] =	ssyncadd.s32 $0xFFFFC000;
	(pc) =	sbr.rel @p2 .LBB2_3-.Ltmp3, $4  }
0x74: {  	[tilespmem:s20], [sflag:$0x5] =	stream.linear.gather [hbm4b:s2+s4], $0x100, $0x38;
	[tilespmem:$0x1BAC0] =	vst v63  }
0x75: {  	_ =	swait.ge [sflag:s19], $0x100  }
0x76: {  	[sflag:s19] =	ssyncset.done $0x0  }
0x77: {  	[sflag:s19] =	ssyncadd.s32 $0xFFFFFF00  }
0x78: {  	[tilespmem:s23], [sflag:$0x2] =	stream.indirect.gather [hbm4b:s1+s21], $0x80, s20, s21, $0xb8;
	[tilespmem:$0x1BAC0] =	vst v63  }
0x79: {  	_ =	swait.ge [sflag:s24], $0x4000  }
0x7a: {  	[sflag:s24] =	ssyncset.done $0x0  }
0x7b: {  	[sflag:s24] =	ssyncadd.s32 $0xFFFFC000  }
0x7c: {  	[spmem:s3] =	stream.indirect.scatter.add.f32 [tilespmem:s22], [sflag:$0x3], $0x80, s25, s21, $0xb8;
	[tilespmem:$0x1BAC0] =	vst v63  }
0x7d: {  	_ =	swait.ge [sflag:s26], $0x4000  }
0x7e: {  	[sflag:s26] =	ssyncset.done $0x0  }
0x7f: {  	[sflag:s26] =	ssyncadd.s32 $0xFFFFC000  }
0x80: {  	[spmem:s3] =	stream.indirect.scatter.add.f32 [tilespmem:s23], [sflag:$0x4], $0x80, s28, s21, $0xb8;
	[tilespmem:$0x1BAC0] =	vst v63  }
0x81: {  	_ =	swait.ge [sflag:s29], $0x4000  }
0x82: {  	[sflag:s29] =	ssyncset.done $0x0  }
0x83: {  	[sflag:s29] =	ssyncadd.s32 $0xFFFFC000  }
0x84: {  	_ =	swait.ge [sflag:s30], $0x4000  }
0x85: {  	[sflag:s30] =	ssyncset.done $0x0  }
0x86: {  	[sflag:s30] =	ssyncadd.s32 $0xFFFFC000  }
0x87: {  	s0 =	simm.s32 @p0 $0x1FC5;
	[bflag:$0x0] =	sbarrier.arrive $0xFFFF  }
0x88: {  	[hbm:s12], [sflag:s0] =	dma.local @p0 [spmem:s15], $0x2800  }
0x89: {  	s0 =	simm.s32 @p0 $0x5  }
0x8a: {  	_ =	swait.ge @p0 [sflag:s0], $0x2800  }
0x8b: {  	[sflag:s0] =	ssyncset.done @p0 $0x0  }
.Ltmp4:
0x8c: {  	[sflag:s0] =	ssyncadd.s32 @p0 $0xFFFFD800;
	s0 =	simm.s32 @!p0 $0x5;
	(pc) =	sbr.rel .LBB2_8-.Ltmp4, $4  }
0x8d: {  	[hbm:s11], [sflag:s16] =	dma.local @!p0 [spmem:s17], $0x2700  }
0x8e: {  	_ =	swait.ge @!p0 [sflag:s0], $0x2700  }
0x8f: {  	[sflag:s0] =	ssyncset.done @!p0 $0x0  }
0x90: {  	[sflag:s0] =	ssyncadd.s32 @!p0 $0xFFFFD900  }
.LBB2_5:
0x91: {  	[tilespmem:s22], [sflag:$0x1] =	stream.indirect.gather [hbm4b:s5+s21], $0x80, s18, s21, $0xb8;
	[tilespmem:$0x1BAC0] =	vst v63  }
0x92: {  	_ = 	snop  }
0x93: {  	[tilespmem:s23], [sflag:$0x2] =	stream.indirect.gather [hbm4b:s5+s21], $0x80, s20, s21, $0xb8;
	[tilespmem:$0x1BAC0] =	vst v63  }
0x94: {  	_ =	swait.ge [sflag:s24], $0x4000  }
0x95: {  	[sflag:s24] =	ssyncset.done $0x0  }
0x96: {  	[sflag:s24] =	ssyncadd.s32 $0xFFFFC000  }
0x97: {  	[spmem:s3] =	stream.indirect.scatter.add.f32 [tilespmem:s22], [sflag:$0x3], $0x80, s25, s21, $0xb8;
	[tilespmem:$0x1BAC0] =	vst v63  }
0x98: {  	_ =	swait.ge [sflag:s26], $0x4000  }
0x99: {  	[sflag:s26] =	ssyncset.done $0x0  }
0x9a: {  	[sflag:s26] =	ssyncadd.s32 $0xFFFFC000  }
0x9b: {  	[spmem:s3] =	stream.indirect.scatter.add.f32 [tilespmem:s23], [sflag:$0x4], $0x80, s28, s21, $0xb8;
	[tilespmem:$0x1BAC0] =	vst v63  }
0x9c: {  	_ =	swait.ge [sflag:s29], $0x4000  }
0x9d: {  	s0 =	sadd.s32 $0xFFFFEC80, s14;
	[sflag:s29] =	ssyncset.done $0x0  }
0x9e: {  	s2 =	sadd.s32 $0x13C0, s0;
	[sflag:s29] =	ssyncadd.s32 $0xFFFFC000  }
0x9f: {  	[tilespmem:s18], [sflag:$0x5] =	stream.linear.gather [hbm4b:s2+s4], $0x100, $0x38;
	[tilespmem:$0x1BAC0] =	vst v63  }
0xa0: {  	_ =	swait.ge [sflag:s19], $0x100  }
0xa1: {  	[sflag:s19] =	ssyncset.done $0x0  }
0xa2: {  	[sflag:s19] =	ssyncadd.s32 $0xFFFFFF00  }
0xa3: {  	[tilespmem:s22], [sflag:$0x1] =	stream.indirect.gather [hbm4b:s5+s21], $0x80, s18, s21, $0xb8;
	[tilespmem:$0x1BAC0] =	vst v63  }
0xa4: {  	_ =	swait.ge [sflag:s30], $0x4000  }
0xa5: {  	[sflag:s30] =	ssyncset.done $0x0  }
0xa6: {  	s0 =	sadd.s32 $0x13E0, s0;
	[sflag:s30] =	ssyncadd.s32 $0xFFFFC000  }
0xa7: {  	[tilespmem:s20], [sflag:$0x5] =	stream.linear.gather [hbm4b:s0+s4], $0x100, $0x38;
	[tilespmem:$0x1BAC0] =	vst v63  }
0xa8: {  	_ =	swait.ge [sflag:s19], $0x100  }
0xa9: {  	[sflag:s19] =	ssyncset.done $0x0  }
0xaa: {  	s0 =	simm.s32 $0xFFFFECC0;
	[sflag:s19] =	ssyncadd.s32 $0xFFFFFF00  }
.LBB2_6:
0xab: {  	[tilespmem:s23], [sflag:$0x2] =	stream.indirect.gather [hbm4b:s5+s21], $0x80, s20, s21, $0xb8;
	[tilespmem:$0x1BAC0] =	vst v63  }
0xac: {  	s2 =	smov.u32 s0  }
0xad: {  	p2 =	sne.s32 s0, $0xFFFFFFC0;
	s0 =	sadd.s32 $0x40, s0;
	_ =	swait.ge [sflag:s24], $0x4000  }
0xae: {  	[sflag:s24] =	ssyncset.done $0x0  }
0xaf: {  	[sflag:s24] =	ssyncadd.s32 $0xFFFFC000  }
0xb0: {  	[spmem:s3] =	stream.indirect.scatter.add.f32 [tilespmem:s22], [sflag:$0x3], $0x80, s25, s21, $0xb8;
	[tilespmem:$0x1BAC0] =	vst v63  }
0xb1: {  	_ =	swait.ge [sflag:s26], $0x4000  }
0xb2: {  	[sflag:s26] =	ssyncset.done $0x0  }
0xb3: {  	[sflag:s26] =	ssyncadd.s32 $0xFFFFC000  }
0xb4: {  	[spmem:s3] =	stream.indirect.scatter.add.f32 [tilespmem:s23], [sflag:$0x4], $0x80, s28, s21, $0xb8;
	[tilespmem:$0x1BAC0] =	vst v63  }
0xb5: {  	_ =	swait.ge [sflag:s29], $0x4000  }
0xb6: {  	s2 =	sadd.s32 s2, s14;
	[sflag:s29] =	ssyncset.done $0x0  }
0xb7: {  	s9 =	sadd.s32 $0x13C0, s2;
	[sflag:s29] =	ssyncadd.s32 $0xFFFFC000  }
0xb8: {  	[tilespmem:s18], [sflag:$0x5] =	stream.linear.gather [hbm4b:s9+s4], $0x100, $0x38;
	[tilespmem:$0x1BAC0] =	vst v63  }
0xb9: {  	_ =	swait.ge [sflag:s19], $0x100  }
0xba: {  	[sflag:s19] =	ssyncset.done $0x0  }
0xbb: {  	[sflag:s19] =	ssyncadd.s32 $0xFFFFFF00  }
0xbc: {  	[tilespmem:s22], [sflag:$0x1] =	stream.indirect.gather [hbm4b:s5+s21], $0x80, s18, s21, $0xb8;
	[tilespmem:$0x1BAC0] =	vst v63  }
0xbd: {  	_ =	swait.ge [sflag:s30], $0x4000  }
0xbe: {  	[sflag:s30] =	ssyncset.done $0x0  }
.Ltmp5:
0xbf: {  	s2 =	sadd.s32 $0x13E0, s2;
	[sflag:s30] =	ssyncadd.s32 $0xFFFFC000;
	(pc) =	sbr.rel @p2 .LBB2_6-.Ltmp5, $4  }
0xc0: {  	[tilespmem:s20], [sflag:$0x5] =	stream.linear.gather [hbm4b:s2+s4], $0x100, $0x38;
	[tilespmem:$0x1BAC0] =	vst v63  }
0xc1: {  	_ =	swait.ge [sflag:s19], $0x100  }
0xc2: {  	[sflag:s19] =	ssyncset.done $0x0  }
0xc3: {  	[sflag:s19] =	ssyncadd.s32 $0xFFFFFF00  }
.Ltmp6:
0xc4: {  	_ = 	snop;
	(pc) =	sbr.rel .LBB2_7-.Ltmp6, $1  }
0xc5: {  	_ =	sdelay $0x3  }
.LBB2_9:
0xc6: {  	_ =	sfence.sel $0x180000  }
0xc7: {  	[bflag:$0x0] =	sbarrier.arrive $0xFFFF  }
0xc8: {  	_ =	strace $0x9000004D  }
0xc9: {  	s0 =	stileid.u32;
	[bflag:$0x2] =	sbarrier.arrive $0xFFFF  }
0xca: {  	p0 =	sne.s32 s0, $0x0;
	s0 =	rddreg [dreg:$0x3]  }
0xcb: {  	s0 =	sadd.s32 @!p0 $0x100000, s0  }
0xcc: {  	[sflag:s0] =	ssyncadd.tile.s32 @!p0 $0x1;
	_ =	shalt  }
.Lfunc_end2:
_tile_overlayer_lowered:
.L_overlay_start_2:
0xcd: {  	(tag) =	ssettag $0x2  }
0xce: {  	s0 =	rddreg [dreg:$0x0];
	s2 =	stileid.u32  }
0xcf: {  	s1 =	rddreg [dreg:$0x1];
	p0 =	sne.s32 s2, $0x0  }
0xd0: {  	s3 =	rddreg [dreg:$0x2];
	[bflag:$0x3] =	sbarrier.arrive $0xFFFF;
	s2 =	simm.s32 @!p0 $0x1C05  }
0xd1: {  	[timem:s3], [sflag:s2] =	dma.local @!p0 [hbm:s0], s1  }
0xd2: {  	s0 =	simm.s32 @!p0 $0x5  }
0xd3: {  	_ =	swait.ge @!p0 [sflag:s0], s1  }
0xd4: {  	s1 =	ssub.s32 @!p0 $0x0, s1;
	[sflag:s0] =	ssyncset.done @!p0 $0x0  }
0xd5: {  	[sflag:s0] =	ssyncadd.s32 @!p0 s1  }
0xd6: {  	[bflag:$0x3] =	sbarrier.arrive $0xFFFF  }
0xd7: {  	_ =	shalt  }

// kernel: kernel.8.cloned.1.call-start
scs
__scs_entry_jumppad:
0x0: {  	(pc) =	sbr.rel $0x88, $3  }
0x1: {  	(tag) =	ssettag $0x0;
	lr =	simm.s32 $0x1  }
0x2: {  	[smem:$0x3F95] =	sst lr;
	_ =	strace $0xD0000000  }
0x3: {  	_ = 	snop  }
0x4: {  	_ = 	snop  }
0x5: {  	_ = 	snop  }
0x6: {  	_ = 	snop  }
0x7: {  	_ = 	snop  }
__scs_overlays_trampoline_lowered:
0x8: {  	[smem:$0x3FA4] =	sst s0  }
0x9: {  	[smem:$0x3FA5] =	sst s1  }
0xa: {  	[smem:$0x3FA6] =	sst s2  }
0xb: {  	[smem:$0x3FA7] =	sst s3  }
0xc: {  	[smem:$0x3FA8] =	sst s4  }
0xd: {  	[smem:$0x3FA9] =	sst s5  }
0xe: {  	[smem:$0x3FAA] =	sst s6  }
0xf: {  	[smem:$0x3FAB] =	sst s7  }
0x10: {  	[smem:$0x3FAC] =	sst s8  }
0x11: {  	[smem:$0x3FAD] =	sst s9;
	s0 =	simm.s32 @!p0 $0x0  }
0x12: {  	s1 =	sld [smem:$0x3F93];
	s0 =	simm.s32 @p0 $0x1  }
0x13: {  	[smem:$0x3FAE] =	sst s0;
	s0 =	simm.s32 @!p1 $0x0  }
0x14: {  	s2 =	sld [smem:$0x3F92];
	s0 =	simm.s32 @p1 $0x1  }
0x15: {  	[smem:$0x3FAF] =	sst s0;
	s0 =	simm.s32 @!p2 $0x0  }
0x16: {  	s3 =	sld [smem:$0x3FDB];
	s0 =	simm.s32 @p2 $0x1  }
0x17: {  	s4 =	simm.s32 $0x1BF5;
	[smem:$0x3FB1] =	sst s0  }
0x18: {  	s0 =	sld [smem:$0x3F94];
	_ =	swait.ge [sflag:s4], $0x0  }
0x19: {  	s7 =	sld [smem:$0x3F95]  }
0x1a: {  	s8 =	sadd.s32 $0xFFFFE003, lr  }
0x1b: {  	s9 =	sadd.s32 $0xFFFFFEF7, lr;
	s5 =	simm.s32 $0xFFFFFFFF;
	p2 =	slt.u32 s8, $0xFFFFF086  }
0x1c: {  	p1 =	slt.u32 s9, $0xF7A;
	s5 =	simm.s32 @!p2 $0x0  }
0x1d: {  	s5 =	simm.s32 @p1 $0x1;
	p0 =	seq.s32 s7, s2  }
0x1e: {  	s7 =	smul.u32 @!p0 $0xF7A, s2;
	p2 =	seq.s32 @!p0 s5, $0x0  }
0x1f: {  	s9 =	smul.u32 $0xF7A, s1;
	s8 =	simm.s32 @!p0 $0x1BF5;
	p2 =	por !p2, p0  }
0x20: {  	[sflag:s8] =	ssyncset.s32 @!p0 $0xFFFFF086;
	s6 =	sadd.s32 @!p0 s3, s7;
	s7 =	simm.s32 @!p0 $0x108  }
0x21: {  	s3 =	sadd.s32 s3, s9;
	s6 =	sadd.s32 @!p0 $0x88, s6;
	s7 =	simm.s32 @p2 $0x1082  }
0x22: {  	[simem:s7], [sflag:s8] =	dma.local @!p0 [hbm:s6], $0xF7A  }
0x23: {  	s9 =	sor.u32 $0xD0000000, s2;
	s6 =	simm.s32 $0x108;
	_ =	swait.ge @!p0 [sflag:s8], $0x0  }
0x24: {  	s3 =	sadd.s32 $0x88, s3;
	s6 =	simm.s32 @!p1 $0x1082;
	[sflag:s4] =	ssyncset.s32 $0xFFFFF086  }
0x25: {  	[simem:s6], [sflag:s4] =	dma.local [hbm:s3], $0xF7A  }
0x26: {  	[smem:$0x3F95] =	sst s1;
	(tag) =	ssettag s2;
	_ =	strace s9  }
0x27: {  	s1 =	sld [smem:$0x3FA5]  }
0x28: {  	s2 =	sld [smem:$0x3FA6]  }
0x29: {  	s4 =	sld [smem:$0x3FA8]  }
0x2a: {  	p0 =	seq.s32 s5, $0x0;
	s5 =	sld [smem:$0x3FA9]  }
0x2b: {  	s6 =	sld [smem:$0x3FAA]  }
0x2c: {  	s7 =	sld [smem:$0x3FAB]  }
0x2d: {  	s3 =	simm.s32 $0x108;
	s8 =	sld [smem:$0x3FAC]  }
0x2e: {  	s3 =	simm.s32 @!p0 $0x1082;
	s9 =	sld [smem:$0x3FAD]  }
0x2f: {  	lr =	sadd.s32 s0, s3;
	s0 =	sld [smem:$0x3FA4]  }
0x30: {  	s3 =	sld [smem:$0x3FA7]  }
0x31: {  	[smem:$0x3FB0] =	sst s10  }
0x32: {  	s10 =	sld [smem:$0x3FAE];
	_ =	sdelay $0x3  }
0x33: {  	p0 =	seq.s32 s10, $0x1;
	s10 =	sld [smem:$0x3FB0];
	_ =	sdelay $0x3  }
0x34: {  	[smem:$0x3FB0] =	sst s10  }
0x35: {  	s10 =	sld [smem:$0x3FAF];
	_ =	sdelay $0x3  }
0x36: {  	p1 =	seq.s32 s10, $0x1;
	s10 =	sld [smem:$0x3FB0];
	_ =	sdelay $0x3  }
0x37: {  	[smem:$0x3FB0] =	sst s10  }
0x38: {  	s10 =	sld [smem:$0x3FB1]  }
0x39: {  	_ = 	snop;
	(pc) =	sbr.ind lr, $3  }
0x3a: {  	_ = 	snop  }
0x3b: {  	_ = 	snop  }
0x3c: {  	p2 =	seq.s32 s10, $0x1;
	s10 =	sld [smem:$0x3FB0]  }
0x3d: {  	_ =	shalt  }
0x3e: {  	_ =	shalt  }
0x3f: {  	_ =	shalt  }
0x40: {  	_ =	shalt  }
0x41: {  	_ =	shalt  }
0x42: {  	_ =	shalt  }
0x43: {  	_ =	shalt  }
0x44: {  	_ =	shalt  }
0x45: {  	_ =	shalt  }
0x46: {  	_ =	shalt  }
0x47: {  	_ =	shalt  }
0x48: {  	_ =	shalt  }
0x49: {  	_ =	shalt  }
0x4a: {  	_ =	shalt  }
0x4b: {  	_ =	shalt  }
0x4c: {  	_ =	shalt  }
0x4d: {  	_ =	shalt  }
0x4e: {  	_ =	shalt  }
0x4f: {  	_ =	shalt  }
0x50: {  	_ =	shalt  }
0x51: {  	_ =	shalt  }
0x52: {  	_ =	shalt  }
0x53: {  	_ =	shalt  }
0x54: {  	_ =	shalt  }
0x55: {  	_ =	shalt  }
0x56: {  	_ =	shalt  }
0x57: {  	_ =	shalt  }
0x58: {  	_ =	shalt  }
0x59: {  	_ =	shalt  }
0x5a: {  	_ =	shalt  }
0x5b: {  	_ =	shalt  }
0x5c: {  	_ =	shalt  }
0x5d: {  	_ =	shalt  }
0x5e: {  	_ =	shalt  }
0x5f: {  	_ =	shalt  }
0x60: {  	_ =	shalt  }
0x61: {  	_ =	shalt  }
0x62: {  	_ =	shalt  }
0x63: {  	_ =	shalt  }
0x64: {  	_ =	shalt  }
0x65: {  	_ =	shalt  }
0x66: {  	_ =	shalt  }
0x67: {  	_ =	shalt  }
0x68: {  	_ =	shalt  }
0x69: {  	_ =	shalt  }
0x6a: {  	_ =	shalt  }
0x6b: {  	_ =	shalt  }
0x6c: {  	_ =	shalt  }
0x6d: {  	_ =	shalt  }
0x6e: {  	_ =	shalt  }
0x6f: {  	_ =	shalt  }
0x70: {  	_ =	shalt  }
0x71: {  	_ =	shalt  }
0x72: {  	_ =	shalt  }
0x73: {  	_ =	shalt  }
0x74: {  	_ =	shalt  }
0x75: {  	_ =	shalt  }
0x76: {  	_ =	shalt  }
0x77: {  	_ =	shalt  }
0x78: {  	_ =	shalt  }
0x79: {  	_ =	shalt  }
0x7a: {  	_ =	shalt  }
0x7b: {  	_ =	shalt  }
0x7c: {  	_ =	shalt  }
0x7d: {  	_ =	shalt  }
0x7e: {  	_ =	shalt  }
0x7f: {  	_ =	shalt  }
0x80: {  	_ =	shalt  }
0x81: {  	_ =	shalt  }
0x82: {  	_ =	shalt  }
0x83: {  	_ =	shalt  }
0x84: {  	_ =	shalt  }
0x85: {  	_ =	shalt  }
0x86: {  	_ =	shalt  }
0x87: {  	_ =	shalt  }
.Lfunc_end0:
.L_simem_size_0:
called_computation_lowered:
.L_overlay_start_0:
0x88: {  	s2 =	sld [smem:$0x3FD9]  }
0x89: {  	s3 =	sld [smem:$0x3FFE];
	_ =	sdelay $0x1  }
0x8a: {  	s1 =	srdreg.scid  }
0x8b: {  	s0 =	sand.u32 $0x1, s1  }
0x8c: {  	s17 =	sshll.u32 s0, $0xA;
	s2 =	sadd.s32 s3, s2  }
0x8d: {  	s2 =	sadd.s32 s2, s17  }
0x8e: {  	[smem:$0x3FBC] =	sst s2  }
0x8f: {  	_ = 	snop  }
0x90: {  	(tm) =	ssettm $0x1  }
0x91: {  	s18 =	sld [smem:$0x3FFB];
	_ =	sdelay $0x3  }
0x92: {  	_ =	strace s18  }
0x93: {  	s2 =	sld [smem:$0x3FFC];
	_ =	sdelay $0x3  }
0x94: {  	_ =	strace s2  }
0x95: {  	s2 =	sld [smem:$0x3FFD];
	_ =	sdelay $0x3  }
0x96: {  	_ =	strace s2  }
0x97: {  	_ =	strace $0x8FFFFFFF  }
0x98: {  	s19 =	sld [smem:$0x3FDB];
	_ =	sdelay $0x1  }
0x99: {  	s20 =	simm.s32 $_scs_section_size  }
0x9a: {  	s4 =	simm.s32 $_size__tile_overlayer_lowered;
	s5 =	simm.s32 $_tile_overlayer_lowered  }
0x9b: {  	s6 =	simm.s32 $0x1BFF;
	s21 =	sshll.u32 s5, $0x1;
	s3 =	sadd.s32 s20, s19  }
0x9c: {  	s22 =	simm.s32 $0x0;
	s4 =	sshll.u32 s4, $0x1;
	s5 =	sadd.s32 s21, s3  }
0x9d: {  	[timem:s22], [sflag:s6] =	dma.local [hbm:s5], s4  }
0x9e: {  	_ =	swait.ge [sflag:s6], s4  }
0x9f: {  	s4 =	ssub.s32 $0x0, s4;
	[sflag:s6] =	ssyncset.done $0x0  }
0xa0: {  	[sflag:s6] =	ssyncadd.s32 s4;
	_ =	sdelay $0x1  }
0xa1: {  	s23 =	simm.s32 $0x1B8B  }
0xa2: {  	_ =	swait.ge [sflag:s23], $0x1  }
0xa3: {  	[sflag:s23] =	ssyncset.done $0x0  }
0xa4: {  	[sflag:s23] =	ssyncadd.s32 $0xFFFFFFFF  }
0xa5: {  	s4 =	sld [smem:$0x0]  }
0xa6: {  	s5 =	sand.u32 $0xFFFFFFFE, s1  }
0xa7: {  	p0 =	sne.s32 s1, s5  }
0xa8: {  	s5 =	sshll.u32 @p0 s5, $0xE  }
0xa9: {  	s5 =	sadd.s32 @p0 $0x11B8D, s5;
	s6 =	sshll.u32 @p0 s4, $0x11  }
0xaa: {  	s5 =	sor.u32 @p0 s6, s5  }
0xab: {  	[sflag:s5] =	ssyncadd.remote.s32 @p0 $0x1;
	_ =	sdelay $0x1  }
0xac: {  	s5 =	simm.s32 @p0 $0x1B8D  }
0xad: {  	_ =	swait.eq @p0 [sflag:s5], $0x1  }
0xae: {  	[sflag:s5] =	ssyncadd.s32 @p0 $0xFFFFFFFF  }
0xaf: {  	s6 =	sshll.u32 @!p0 s1, $0xE  }
0xb0: {  	s6 =	sor.u32 @!p0 $0x4000, s6;
	s5 =	simm.s32 @!p0 $0x1B8D  }
0xb1: {  	s4 =	sshll.u32 @!p0 s4, $0x11;
	s6 =	sadd.s32 @!p0 $0x11B8D, s6;
	_ =	swait.eq @!p0 [sflag:s5], $0x1  }
0xb2: {  	s4 =	sor.u32 @!p0 s4, s6;
	[sflag:s5] =	ssyncadd.s32 @!p0 $0xFFFFFFFF  }
0xb3: {  	s25 =	simm.s32 $0x1B8E;
	s24 =	sld [smem:$0x3FFE];
	[sflag:s4] =	ssyncadd.remote.s32 @!p0 $0x1  }
0xb4: {  	s26 =	simm.s32 $execute0_lowered;
	[smem:$0x3FD2] =	sst s25  }
0xb5: {  	s5 =	sshll.u32 s26, $0x1;
	_ =	strace $0x80000049;
	[dreg:$0x1] =	wrdreg $0xFFFFFFFF  }
0xb6: {  	s28 =	simm.s32 $_size_execute0_lowered;
	s3 =	sadd.s32 s3, s5;
	[dreg:$0x0] =	wrdreg $0x0  }
0xb7: {  	s5 =	sshll.u32 s28, $0x1;
	[dreg:$0x2] =	wrdreg s3  }
0xb8: {  	[dreg:$0x3] =	wrdreg s5  }
0xb9: {  	[dreg:$0x4] =	wrdreg $0xC0  }
0xba: {  	_ =	task [dreg:s22], $0x5FFFF  }
0xbb: {  	[dreg:$0x1] =	wrdreg $0xFFFFFFFF  }
0xbc: {  	[dreg:$0x0] =	wrdreg $0x60  }
0xbd: {  	[dreg:$0x2] =	wrdreg s24  }
0xbe: {  	[dreg:$0x3] =	wrdreg $0x0  }
0xbf: {  	[dreg:$0x4] =	wrdreg $0x9  }
0xc0: {  	_ =	task.clear_ibuf [dreg:s22], $0x5FFFF;
	_ =	strace $0x90000049  }
0xc1: {  	s29 =	simm.s32 $0x9;
	_ =	strace $0x8000004B  }
0xc2: {  	_ =	swait.ge [sflag:s29], $0x1  }
0xc3: {  	[sflag:s29] =	ssyncadd.s32 $0xFFFFFFFF  }
0xc4: {  	_ =	strace $0x9000004B  }
0xc5: {  	_ =	sfence  }
0xc6: {  	s30 =	sld [smem:$0x0];
	_ =	sdelay $0x2  }
0xc7: {  	s31 =	sshll.u32 s1, $0xD;
	s1 =	sshrl.u32 s1, $0x2  }
0xc8: {  	s4 =	sand.u32 $0x4000, s31;
	s1 =	sadd.s32 s1, s30  }
0xc9: {  	s0 =	sor.u32 s4, s0;
	s1 =	sshll.u32 s1, $0x11  }
0xca: {  	s0 =	sor.u32 s1, s0  }
0xcb: {  	s0 =	sadd.s32 $0x8F2B, s0  }
0xcc: {  	[sflag:s0] =	ssyncadd.remote.s32 $0x1  }
0xcd: {  	_ =	sfence.sel $0xFFFF  }
0xce: {  	[dreg:$0x0] =	wrdreg $0xFFFFFFFF;
	(pc) =	sbr.abs _section_cstart, $3  }
0xcf: {  	[dreg:$0x1] =	wrdreg $0xFFFFFFFF  }
0xd0: {  	_ =	task.clear_ibuf [dreg:s22], $0x2FFFF;
	_ =	strace $0x9FFFFFFF  }
0xd1: {  	(tm) =	ssettm $0x7FFFFFFF  }
tec
execute0_lowered:
.L_overlay_start_1:
0x0: {  	(tag) =	ssettag $0x1  }
0x1: {  	s0 =	rddreg [dreg:$0x0]  }
0x2: {  	s1 =	rddreg [dreg:$0x1];
	s3 =	simm.s32 $0x0  }
0x3: {  	s2 =	stileid.u32;
	s5 =	srdreg.scid;
	s21 =	simm.s32 $0x3  }
0x4: {  	s22 =	simm.s32 $0x138C0;
	s23 =	simm.s32 $0x139C0;
	s28 =	simm.s32 $0x1  }
0x5: {  	s29 =	simm.s32 $0x4;
	s30 =	simm.s32 $0x2;
	s31 =	simm.s32 $0x0  }
0x6: {  	[smem:$0x7FF] =	sst s3;
	s15 =	sadd.s32 $0x4A00, s0;
	s6 =	smul.u32 $0x2700, s2  }
0x7: {  	s16 =	sadd.s32 $0xDE600, s0;
	s4 =	sadd.s32 $0x8DA00, s0;
	s7 =	smul.u32 $0x9E00, s2  }
0x8: {  	s20 =	sand.u32 $0x1, s5;
	s9 =	smul.u32 $0x4E000, s2;
	s17 =	sadd.s32 $0x124800, s1  }
0x9: {  	s5 =	sadd.s32 $0xF2200, s0;
	s18 =	smul.u32 $0x13C0, s2;
	s13 =	sadd.s32 $0x13E500, s0  }
0xa: {  	p0 =	seq.s32 s2, $0xF;
	_ =	strace $0x8000004A;
	s8 =	ssub.s32 $0x2, s20  }
0xb: {  	s17 =	sshrl.u32 @p0 s17, $0x3;
	p1 =	sne.s32 s20, $0x0;
	s20 =	simm.s32 $0x13AC0  }
0xc: {  	s12 =	sadd.s32 s6, s0;
	s24 =	sshrl.u32 s8, $0x1;
	s10 =	sshrl.u32 s7, $0x3  }
0xd: {  	s25 =	sshrl.u32 s9, $0x2;
	s9 =	sadd.s32 $0x117300, s0;
	s0 =	sshll.u32 @!p0 s2, $0x6  }
0xe: {  	s14 =	ssub.s32 s8, s24;
	s6 =	sadd.s32 s15, s10;
	s19 =	sadd.s32 s25, s1  }
.Ltmp0:
0xf: {  	s8 =	sadd.s32 $0xF2A00, s12;
	s10 =	sadd.s32 s16, s10;
	(pc) =	sbr.rel .LBB2_1-.Ltmp0, $4  }
0x10: {  	s12 =	sadd.s32 $0x119C00, s12;
	s15 =	sadd.s32 s18, s15;
	s16 =	sadd.s32 s18, s16  }
0x11: {  	s18 =	sor.u32 @!p0 $0x1C03, s0;
	s24 =	simm.s32 $0x80;
	s25 =	simm.s32 $0x13940  }
0x12: {  	s26 =	sadd.s32 $0x20, s6;
	s11 =	sadd.s32 $0x20, s10;
	s14 =	smax.u32 s14, $0x1  }
0x13: {  	s19 =	sshrl.u32 @!p0 s19, $0x3;
	[dreg:$0x3] =	wrdreg s26;
	s26 =	simm.s32 $0x13A40  }
.LBB2_7:
0x14: {  	[sflag:s21] =	ssyncadd.s32 $0xFFFFFF00  }
0x15: {  	[spmem:s1] =	stream.indirect.scatter.add.f32 [tilespmem:s20], [sflag:$0x1], $0x80, s25, s24, $0xb8;
	[tilespmem:$0x17AC0] =	vst v63  }
0x16: {  	_ = 	snop  }
0x17: {  	[spmem:s1] =	stream.indirect.scatter.add.f32 [tilespmem:s20], [sflag:$0x2], $0x80, s26, s24, $0xb8;
	[tilespmem:$0x17AC0] =	vst v63  }
0x18: {  	_ =	swait.ge [sflag:s28], $0x4000  }
0x19: {  	[sflag:s28] =	ssyncset.done $0x0  }
0x1a: {  	[sflag:s28] =	ssyncadd.s32 $0xFFFFC000  }
0x1b: {  	_ =	swait.ge [sflag:s30], $0x4000  }
0x1c: {  	[sflag:s30] =	ssyncset.done $0x0  }
0x1d: {  	[sflag:s30] =	ssyncadd.s32 $0xFFFFC000  }
0x1e: {  	s0 =	simm.s32 @p0 $0x1FC3;
	[bflag:$0x0] =	sbarrier.arrive $0xFFFF  }
0x1f: {  	[hbm:s9], [sflag:s0] =	dma.local @p0 [spmem:s17], $0x2800  }
0x20: {  	s0 =	simm.s32 @p0 $0x3  }
0x21: {  	_ =	swait.ge @p0 [sflag:s0], $0x2800  }
0x22: {  	[sflag:s0] =	ssyncset.done @p0 $0x0  }
0x23: {  	[sflag:s0] =	ssyncadd.s32 @p0 $0xFFFFD800;
	s0 =	simm.s32 @!p0 $0x3  }
0x24: {  	[hbm:s8], [sflag:s18] =	dma.local @!p0 [spmem:s19], $0x2700  }
0x25: {  	_ =	swait.ge @!p0 [sflag:s0], $0x2700  }
0x26: {  	[sflag:s0] =	ssyncset.done @!p0 $0x0  }
0x27: {  	[sflag:s0] =	ssyncadd.s32 @!p0 $0xFFFFD900  }
.LBB2_8:
0x28: {  	s31 =	sadd.s32 $0x1, s31  }
0x29: {  	p2 =	sne.s32 s31, s14  }
.Ltmp1:
0x2a: {  	_ = 	snop;
	(pc) =	sbr.rel @!p2 .LBB2_9-.Ltmp1, $1  }
0x2b: {  	_ =	sdelay $0x3  }
.LBB2_1:
0x2c: {  	s0 =	simm.s32 @p0 $0x1FC3  }
0x2d: {  	[spmem:s17], [sflag:s0] =	dma.local @p0 [hbm:s4], $0x2800  }
0x2e: {  	s0 =	simm.s32 @p0 $0x3  }
0x2f: {  	_ =	swait.ge @p0 [sflag:s0], $0x2800  }
0x30: {  	[sflag:s0] =	ssyncset.done @p0 $0x0  }
0x31: {  	[sflag:s0] =	ssyncadd.s32 @p0 $0xFFFFD800;
	s0 =	simm.s32 @!p0 $0x3  }
0x32: {  	[spmem:s19], [sflag:s18] =	dma.local @!p0 [hbm:s4], $0x2700  }
0x33: {  	_ =	swait.ge @!p0 [sflag:s0], $0x2700  }
0x34: {  	[sflag:s0] =	ssyncset.done @!p0 $0x0  }
0x35: {  	[sflag:s0] =	ssyncadd.s32 @!p0 $0xFFFFD900  }
0x36: {  	[tilespmem:s20], [sflag:$0x3] =	stream.linear.gather [hbm4b:s5+s3], $0x4000, $0x38;
	[tilespmem:$0x17AC0] =	vst v63  }
.Ltmp2:
0x37: {  	_ =	swait.ge [sflag:s21], $0x4000;
	(pc) =	sbr.rel @p1 .LBB2_5-.Ltmp2, $3  }
0x38: {  	[sflag:s21] =	ssyncset.done $0x0  }
0x39: {  	[sflag:s21] =	ssyncadd.s32 $0xFFFFC000  }
0x3a: {  	[bflag:$0x0] =	sbarrier.arrive $0xFFFF;
	_ =	sdelay $0x1  }
0x3b: {  	[tilespmem:s22], [sflag:$0x3] =	stream.linear.gather [hbm4b:s10+s3], $0x100, $0x38;
	[tilespmem:$0x17AC0] =	vst v63  }
0x3c: {  	_ =	swait.ge [sflag:s21], $0x100  }
0x3d: {  	[sflag:s21] =	ssyncset.done $0x0  }
0x3e: {  	[sflag:s21] =	ssyncadd.s32 $0xFFFFFF00  }
0x3f: {  	[tilespmem:s23], [sflag:$0x3] =	stream.linear.gather [hbm4b:s11+s3], $0x100, $0x38;
	[tilespmem:$0x17AC0] =	vst v63  }
0x40: {  	_ =	swait.ge [sflag:s21], $0x100  }
0x41: {  	[sflag:s21] =	ssyncset.done $0x0  }
0x42: {  	[sflag:s21] =	ssyncadd.s32 $0xFFFFFF00  }
0x43: {  	[spmem:s1] =	stream.indirect.scatter.add.f32 [tilespmem:s20], [sflag:$0x1], $0x80, s25, s24, $0xb8;
	[tilespmem:$0x17AC0] =	vst v63  }
0x44: {  	_ = 	snop  }
0x45: {  	[spmem:s1] =	stream.indirect.scatter.add.f32 [tilespmem:s20], [sflag:$0x2], $0x80, s26, s24, $0xb8;
	[tilespmem:$0x17AC0] =	vst v63  }
0x46: {  	_ =	swait.ge [sflag:s28], $0x4000  }
0x47: {  	s0 =	sadd.s32 $0xFFFFEC80, s16;
	[sflag:s28] =	ssyncset.done $0x0  }
0x48: {  	s2 =	sadd.s32 $0x13C0, s0;
	[sflag:s28] =	ssyncadd.s32 $0xFFFFC000  }
0x49: {  	[tilespmem:s22], [sflag:$0x4] =	stream.linear.gather [hbm4b:s2+s3], $0x100, $0x38;
	[tilespmem:$0x17AC0] =	vst v63  }
0x4a: {  	_ =	swait.ge [sflag:s29], $0x100  }
0x4b: {  	[sflag:s29] =	ssyncset.done $0x0  }
0x4c: {  	[sflag:s29] =	ssyncadd.s32 $0xFFFFFF00  }
0x4d: {  	_ =	swait.ge [sflag:s30], $0x4000  }
0x4e: {  	[sflag:s30] =	ssyncset.done $0x0  }
0x4f: {  	s0 =	sadd.s32 $0x13E0, s0;
	[sflag:s30] =	ssyncadd.s32 $0xFFFFC000  }
0x50: {  	[tilespmem:s23], [sflag:$0x3] =	stream.linear.gather [hbm4b:s0+s3], $0x100, $0x38;
	[tilespmem:$0x17AC0] =	vst v63  }
0x51: {  	_ =	swait.ge [sflag:s21], $0x100  }
0x52: {  	s0 =	simm.s32 $0xFFFFECC0;
	[sflag:s21] =	ssyncset.done $0x0  }
.LBB2_3:
0x53: {  	p2 =	sne.s32 s0, $0xFFFFFFC0  }
0x54: {  	[sflag:s21] =	ssyncadd.s32 $0xFFFFFF00;
	s2 =	smov.u32 s0;
	s0 =	sadd.s32 $0x40, s0  }
0x55: {  	[spmem:s1] =	stream.indirect.scatter.add.f32 [tilespmem:s20], [sflag:$0x1], $0x80, s25, s24, $0xb8;
	[tilespmem:$0x17AC0] =	vst v63  }
0x56: {  	_ = 	snop  }
0x57: {  	[spmem:s1] =	stream.indirect.scatter.add.f32 [tilespmem:s20], [sflag:$0x2], $0x80, s26, s24, $0xb8;
	[tilespmem:$0x17AC0] =	vst v63  }
0x58: {  	_ =	swait.ge [sflag:s28], $0x4000  }
0x59: {  	s2 =	sadd.s32 s2, s16;
	[sflag:s28] =	ssyncset.done $0x0  }
0x5a: {  	s7 =	sadd.s32 $0x13C0, s2;
	[sflag:s28] =	ssyncadd.s32 $0xFFFFC000  }
0x5b: {  	[tilespmem:s22], [sflag:$0x4] =	stream.linear.gather [hbm4b:s7+s3], $0x100, $0x38;
	[tilespmem:$0x17AC0] =	vst v63  }
0x5c: {  	_ =	swait.ge [sflag:s29], $0x100  }
0x5d: {  	[sflag:s29] =	ssyncset.done $0x0  }
0x5e: {  	[sflag:s29] =	ssyncadd.s32 $0xFFFFFF00  }
0x5f: {  	_ =	swait.ge [sflag:s30], $0x4000  }
.Ltmp3:
0x60: {  	[sflag:s30] =	ssyncset.done $0x0;
	(pc) =	sbr.rel @p2 .LBB2_3-.Ltmp3, $4  }
0x61: {  	s2 =	sadd.s32 $0x13E0, s2;
	[sflag:s30] =	ssyncadd.s32 $0xFFFFC000  }
0x62: {  	[tilespmem:s23], [sflag:$0x3] =	stream.linear.gather [hbm4b:s2+s3], $0x100, $0x38;
	[tilespmem:$0x17AC0] =	vst v63  }
0x63: {  	_ =	swait.ge [sflag:s21], $0x100  }
0x64: {  	[sflag:s21] =	ssyncset.done $0x0  }
0x65: {  	[sflag:s21] =	ssyncadd.s32 $0xFFFFFF00  }
0x66: {  	[spmem:s1] =	stream.indirect.scatter.add.f32 [tilespmem:s20], [sflag:$0x1], $0x80, s25, s24, $0xb8;
	[tilespmem:$0x17AC0] =	vst v63  }
0x67: {  	_ = 	snop  }
0x68: {  	[spmem:s1] =	stream.indirect.scatter.add.f32 [tilespmem:s20], [sflag:$0x2], $0x80, s26, s24, $0xb8;
	[tilespmem:$0x17AC0] =	vst v63  }
0x69: {  	_ =	swait.ge [sflag:s28], $0x4000  }
0x6a: {  	[sflag:s28] =	ssyncset.done $0x0  }
0x6b: {  	[sflag:s28] =	ssyncadd.s32 $0xFFFFC000  }
0x6c: {  	_ =	swait.ge [sflag:s30], $0x4000  }
0x6d: {  	[sflag:s30] =	ssyncset.done $0x0  }
0x6e: {  	[sflag:s30] =	ssyncadd.s32 $0xFFFFC000  }
0x6f: {  	s0 =	simm.s32 @p0 $0x1FC3;
	[bflag:$0x0] =	sbarrier.arrive $0xFFFF  }
0x70: {  	[hbm:s13], [sflag:s0] =	dma.local @p0 [spmem:s17], $0x2800  }
0x71: {  	s0 =	simm.s32 @p0 $0x3  }
0x72: {  	_ =	swait.ge @p0 [sflag:s0], $0x2800  }
0x73: {  	[sflag:s0] =	ssyncset.done @p0 $0x0  }
.Ltmp4:
0x74: {  	[sflag:s0] =	ssyncadd.s32 @p0 $0xFFFFD800;
	s0 =	simm.s32 @!p0 $0x3;
	(pc) =	sbr.rel .LBB2_8-.Ltmp4, $4  }
0x75: {  	[hbm:s12], [sflag:s18] =	dma.local @!p0 [spmem:s19], $0x2700  }
0x76: {  	_ =	swait.ge @!p0 [sflag:s0], $0x2700  }
0x77: {  	[sflag:s0] =	ssyncset.done @!p0 $0x0  }
0x78: {  	[sflag:s0] =	ssyncadd.s32 @!p0 $0xFFFFD900  }
.LBB2_5:
0x79: {  	[tilespmem:s22], [sflag:$0x3] =	stream.linear.gather [hbm4b:s6+s3], $0x100, $0x38;
	[tilespmem:$0x17AC0] =	vst v63  }
0x7a: {  	_ =	swait.ge [sflag:s21], $0x100  }
0x7b: {  	[sflag:s21] =	ssyncset.done $0x0  }
0x7c: {  	s0 =	rddreg [dreg:$0x3];
	[sflag:s21] =	ssyncadd.s32 $0xFFFFFF00  }
0x7d: {  	[tilespmem:s23], [sflag:$0x3] =	stream.linear.gather [hbm4b:s0+s3], $0x100, $0x38;
	[tilespmem:$0x17AC0] =	vst v63  }
0x7e: {  	_ =	swait.ge [sflag:s21], $0x100  }
0x7f: {  	[sflag:s21] =	ssyncset.done $0x0  }
0x80: {  	[sflag:s21] =	ssyncadd.s32 $0xFFFFFF00  }
0x81: {  	[spmem:s1] =	stream.indirect.scatter.add.f32 [tilespmem:s20], [sflag:$0x1], $0x80, s25, s24, $0xb8;
	[tilespmem:$0x17AC0] =	vst v63  }
0x82: {  	_ = 	snop  }
0x83: {  	[spmem:s1] =	stream.indirect.scatter.add.f32 [tilespmem:s20], [sflag:$0x2], $0x80, s26, s24, $0xb8;
	[tilespmem:$0x17AC0] =	vst v63  }
0x84: {  	_ =	swait.ge [sflag:s28], $0x4000  }
0x85: {  	s7 =	sadd.s32 $0xFFFFEC80, s15;
	[sflag:s28] =	ssyncset.done $0x0  }
0x86: {  	s2 =	sadd.s32 $0x13C0, s7;
	[sflag:s28] =	ssyncadd.s32 $0xFFFFC000  }
0x87: {  	[tilespmem:s22], [sflag:$0x4] =	stream.linear.gather [hbm4b:s2+s3], $0x100, $0x38;
	[tilespmem:$0x17AC0] =	vst v63  }
0x88: {  	_ =	swait.ge [sflag:s29], $0x100  }
0x89: {  	[sflag:s29] =	ssyncset.done $0x0  }
0x8a: {  	[sflag:s29] =	ssyncadd.s32 $0xFFFFFF00  }
0x8b: {  	_ =	swait.ge [sflag:s30], $0x4000  }
0x8c: {  	[sflag:s30] =	ssyncset.done $0x0  }
0x8d: {  	s0 =	sadd.s32 $0x13E0, s7;
	[sflag:s30] =	ssyncadd.s32 $0xFFFFC000  }
0x8e: {  	[tilespmem:s23], [sflag:$0x3] =	stream.linear.gather [hbm4b:s0+s3], $0x100, $0x38;
	[tilespmem:$0x17AC0] =	vst v63  }
0x8f: {  	_ =	swait.ge [sflag:s21], $0x100  }
0x90: {  	s0 =	simm.s32 $0xFFFFECC0;
	[sflag:s21] =	ssyncset.done $0x0  }
.LBB2_6:
0x91: {  	p2 =	sne.s32 s0, $0xFFFFFFC0  }
0x92: {  	[sflag:s21] =	ssyncadd.s32 $0xFFFFFF00;
	s2 =	smov.u32 s0;
	s0 =	sadd.s32 $0x40, s0  }
0x93: {  	[spmem:s1] =	stream.indirect.scatter.add.f32 [tilespmem:s20], [sflag:$0x1], $0x80, s25, s24, $0xb8;
	[tilespmem:$0x17AC0] =	vst v63  }
0x94: {  	_ = 	snop  }
0x95: {  	[spmem:s1] =	stream.indirect.scatter.add.f32 [tilespmem:s20], [sflag:$0x2], $0x80, s26, s24, $0xb8;
	[tilespmem:$0x17AC0] =	vst v63  }
0x96: {  	_ =	swait.ge [sflag:s28], $0x4000  }
0x97: {  	s2 =	sadd.s32 s2, s15;
	[sflag:s28] =	ssyncset.done $0x0  }
0x98: {  	s7 =	sadd.s32 $0x13C0, s2;
	[sflag:s28] =	ssyncadd.s32 $0xFFFFC000  }
0x99: {  	[tilespmem:s22], [sflag:$0x4] =	stream.linear.gather [hbm4b:s7+s3], $0x100, $0x38;
	[tilespmem:$0x17AC0] =	vst v63  }
0x9a: {  	_ =	swait.ge [sflag:s29], $0x100  }
0x9b: {  	[sflag:s29] =	ssyncset.done $0x0  }
0x9c: {  	[sflag:s29] =	ssyncadd.s32 $0xFFFFFF00  }
0x9d: {  	_ =	swait.ge [sflag:s30], $0x4000  }
.Ltmp5:
0x9e: {  	[sflag:s30] =	ssyncset.done $0x0;
	(pc) =	sbr.rel @p2 .LBB2_6-.Ltmp5, $4  }
0x9f: {  	s2 =	sadd.s32 $0x13E0, s2;
	[sflag:s30] =	ssyncadd.s32 $0xFFFFC000  }
0xa0: {  	[tilespmem:s23], [sflag:$0x3] =	stream.linear.gather [hbm4b:s2+s3], $0x100, $0x38;
	[tilespmem:$0x17AC0] =	vst v63  }
0xa1: {  	_ =	swait.ge [sflag:s21], $0x100  }
0xa2: {  	[sflag:s21] =	ssyncset.done $0x0  }
.Ltmp6:
0xa3: {  	_ = 	snop;
	(pc) =	sbr.rel .LBB2_7-.Ltmp6, $1  }
0xa4: {  	_ =	sdelay $0x3  }
.LBB2_9:
0xa5: {  	_ =	sfence.sel $0x180000  }
0xa6: {  	[bflag:$0x0] =	sbarrier.arrive $0xFFFF  }
0xa7: {  	_ =	strace $0x9000004A  }
0xa8: {  	s0 =	stileid.u32;
	[bflag:$0x2] =	sbarrier.arrive $0xFFFF  }
0xa9: {  	p0 =	sne.s32 s0, $0x0;
	s0 =	rddreg [dreg:$0x2]  }
0xaa: {  	s0 =	sadd.s32 @!p0 $0x100000, s0  }
0xab: {  	[sflag:s0] =	ssyncadd.tile.s32 @!p0 $0x1;
	_ =	shalt  }
.Lfunc_end2:
_tile_overlayer_lowered:
.L_overlay_start_2:
0xac: {  	(tag) =	ssettag $0x2  }
0xad: {  	s0 =	rddreg [dreg:$0x0];
	s2 =	stileid.u32  }
0xae: {  	s1 =	rddreg [dreg:$0x1];
	p0 =	sne.s32 s2, $0x0  }
0xaf: {  	s3 =	rddreg [dreg:$0x2];
	[bflag:$0x3] =	sbarrier.arrive $0xFFFF;
	s2 =	simm.s32 @!p0 $0x1C03  }
0xb0: {  	[timem:s3], [sflag:s2] =	dma.local @!p0 [hbm:s0], s1  }
0xb1: {  	s0 =	simm.s32 @!p0 $0x3  }
0xb2: {  	_ =	swait.ge @!p0 [sflag:s0], s1  }
0xb3: {  	s1 =	ssub.s32 @!p0 $0x0, s1;
	[sflag:s0] =	ssyncset.done @!p0 $0x0  }
0xb4: {  	[sflag:s0] =	ssyncadd.s32 @!p0 s1  }
0xb5: {  	[bflag:$0x3] =	sbarrier.arrive $0xFFFF  }
0xb6: {  	_ =	shalt  }

</sc_bundles>
